<compile_context>
chip_gen: v7x
topology: tpu7x:2x2x1
jax: 0.10.2.dev20260603
libtpu: 0.0.44.dev20260713+nightly
codegen_flags: <defaults>
</compile_context>

<pallas_src>
import functools

import jax
import jax.numpy as jnp
from jax import lax
from jax.experimental import pallas as pl
from jax.experimental.pallas import tpu as pltpu
from jax.experimental.pallas import tpu_sc as plsc

N = 10000
NP = 10240
E = 320000
D_IN = 128
D_H = 128
DP = 16
DG = 8
K = 128
NCHUNK = 2560
EPAD = NCHUNK * K
NC = 2
NS = 16
NW = NC * NS
RPT = NP // NS
GPT = NCHUNK // NW
IR = 4
DR = 2

_MESH = plsc.VectorSubcoreMesh(
    core_axis_name="c", subcore_axis_name="s", num_cores=NC, num_subcores=NS
)


def _wid():
    return lax.axis_index("s") * NC + lax.axis_index("c")




def _deg_body(ei_hbm, ones_hbm, zeros_hbm, deg_out, ones_v, deg_sh,
              *bufs_and_sems):
    idxb = bufs_and_sems[:IR]
    ixsem = bufs_and_sems[IR:2 * IR]
    ssem = bufs_and_sems[2 * IR:]
    cid = lax.axis_index("c")
    sid = lax.axis_index("s")
    base = sid * RPT
    lo = _wid() * GPT
    pltpu.sync_copy(ones_hbm, ones_v)
    for b in range(IR):
        pltpu.async_copy(ei_hbm.at[lo + b], idxb[b], ixsem[b])
    pltpu.sync_copy(zeros_hbm.at[pl.ds(base, RPT)], deg_sh.at[pl.ds(base, RPT)])
    plsc.subcore_barrier()

    def group(g, carry):
        for bi in range(IR):
            c = g * IR + bi
            pltpu.make_async_copy(ei_hbm.at[lo], idxb[bi], ixsem[bi]).wait()
            pltpu.async_copy(
                ones_v, deg_sh.at[idxb[bi].at[1]], ssem[bi], add=True)
            i3 = (bi + 3) % IR

            @pl.when(jnp.logical_and(c >= 1, c + 3 < GPT))
            def _():
                pltpu.make_async_copy(
                    ones_v, deg_sh.at[idxb[i3].at[1]], ssem[i3]).wait()
                pltpu.async_copy(ei_hbm.at[lo + c + 3], idxb[i3], ixsem[i3])

        return carry

    lax.fori_loop(0, GPT // IR, group, 0)
    for b in range(IR):
        i = (GPT - IR + b) % IR
        pltpu.make_async_copy(ones_v, deg_sh.at[idxb[i].at[1]], ssem[i]).wait()
    plsc.subcore_barrier()
    pltpu.sync_copy(deg_sh.at[pl.ds(base, RPT)], deg_out.at[cid, pl.ds(base, RPT)])


_deg_call = pl.kernel(
    _deg_body,
    out_type=jax.ShapeDtypeStruct((NC, NP, DG), jnp.float32),
    mesh=_MESH,
    scratch_types=[
        pltpu.VMEM((K, DG), jnp.float32),
        pltpu.VMEM_SHARED((NP, DG), jnp.float32),
    ] + [pltpu.VMEM((2, K), jnp.int32)] * IR
      + [pltpu.SemaphoreType.DMA] * (2 * IR),
    compiler_params=pltpu.CompilerParams(use_tc_tiling_on_sc=False),
)


def _prop_body(d, ei_hbm, y_hbm, zeros_hbm, acc_out,
               y_sp, acc_sh, idxb0, idxb1, idxb2, idxb3, rows_a, rows_b,
               *sems):
    idxb = (idxb0, idxb1, idxb2, idxb3)
    ixsem = sems[:IR]
    gsem = sems[IR:IR + 2]
    cid = lax.axis_index("c")
    sid = lax.axis_index("s")
    base = sid * RPT
    lo = _wid() * GPT
    for b in range(3):
        pltpu.async_copy(ei_hbm.at[lo + b], idxb[b], ixsem[b])
    pltpu.sync_copy(y_hbm.at[pl.ds(base, RPT)], y_sp.at[pl.ds(base, RPT)])
    pltpu.sync_copy(zeros_hbm.at[pl.ds(base, RPT)], acc_sh.at[pl.ds(base, RPT)])
    pltpu.make_async_copy(ei_hbm.at[lo], idxb[0], ixsem[0]).wait()
    plsc.subcore_barrier()
    rows = (rows_a, rows_b)
    pltpu.async_copy(y_sp.at[idxb[0].at[0]], rows[0], gsem[0])

    def group(g, carry):
        for bi in range(IR):
            c = g * IR + bi
            b = bi % 2
            b1 = (bi + 1) % 2
            i1 = (bi + 1) % IR
            i3 = (bi + 3) % IR
            pltpu.make_async_copy(
                y_sp.at[idxb[bi].at[0]], rows[b], gsem[b]).wait()

            @pl.when(c + 1 < GPT)
            def _():
                pltpu.make_async_copy(ei_hbm.at[lo], idxb[i1], ixsem[i1]).wait()
                pltpu.async_copy(y_sp.at[idxb[i1].at[0]], rows[b1], gsem[b1])

            pltpu.sync_copy(rows[b], acc_sh.at[idxb[bi].at[1]], add=True)

            @pl.when(c + 3 < GPT)
            def _():
                pltpu.async_copy(ei_hbm.at[lo + c + 3], idxb[i3], ixsem[i3])

        return carry

    lax.fori_loop(0, GPT // IR, group, 0)
    plsc.subcore_barrier()
    pltpu.sync_copy(acc_sh.at[pl.ds(base, RPT)], acc_out.at[cid, pl.ds(base, RPT)])


def _make_prop(d):
    return pl.kernel(
        functools.partial(_prop_body, d),
        out_type=jax.ShapeDtypeStruct((NC, NP, d), jnp.float32),
        mesh=_MESH,
        scratch_types=[
            pltpu.VMEM_SHARED((NP, d), jnp.float32),
            pltpu.VMEM_SHARED((NP, d), jnp.float32),
        ] + [pltpu.VMEM((2, K), jnp.int32)] * IR
          + [pltpu.VMEM((K, d), jnp.float32)] * 2
          + [pltpu.SemaphoreType.DMA] * (IR + 2),
        compiler_params=pltpu.CompilerParams(use_tc_tiling_on_sc=False),
    )


DH2 = 64
_prop_narrow = _make_prop(DP)


GPTW = NCHUNK // NS


def _prop_cols_body(ei_hbm, ya_hbm, yb_hbm, zeros_hbm, acc_out,
                    y_sp, acc_sh, idxb0, idxb1, idxb2, idxb3, rows_a, rows_b,
                    *sems):
    idxb = (idxb0, idxb1, idxb2, idxb3)
    ixsem = sems[:IR]
    gsem = sems[IR:IR + 2]
    cid = lax.axis_index("c")
    sid = lax.axis_index("s")
    base = sid * RPT
    lo = sid * GPTW
    for b in range(3):
        pltpu.async_copy(ei_hbm.at[lo + b], idxb[b], ixsem[b])

    @pl.when(cid == 0)
    def _():
        pltpu.sync_copy(ya_hbm.at[pl.ds(base, RPT)], y_sp.at[pl.ds(base, RPT)])

    @pl.when(cid == 1)
    def _():
        pltpu.sync_copy(yb_hbm.at[pl.ds(base, RPT)], y_sp.at[pl.ds(base, RPT)])

    pltpu.sync_copy(zeros_hbm.at[pl.ds(base, RPT)], acc_sh.at[pl.ds(base, RPT)])
    pltpu.make_async_copy(ei_hbm.at[lo], idxb[0], ixsem[0]).wait()
    plsc.subcore_barrier()
    rows = (rows_a, rows_b)
    pltpu.async_copy(y_sp.at[idxb[0].at[0]], rows[0], gsem[0])

    def group(g, carry):
        for bi in range(IR):
            c = g * IR + bi
            b = bi % 2
            b1 = (bi + 1) % 2
            i1 = (bi + 1) % IR
            i3 = (bi + 3) % IR
            pltpu.make_async_copy(
                y_sp.at[idxb[bi].at[0]], rows[b], gsem[b]).wait()

            @pl.when(c + 1 < GPTW)
            def _():
                pltpu.make_async_copy(ei_hbm.at[lo], idxb[i1], ixsem[i1]).wait()
                pltpu.async_copy(y_sp.at[idxb[i1].at[0]], rows[b1], gsem[b1])

            pltpu.sync_copy(rows[b], acc_sh.at[idxb[bi].at[1]], add=True)

            @pl.when(c + 3 < GPTW)
            def _():
                pltpu.async_copy(ei_hbm.at[lo + c + 3], idxb[i3], ixsem[i3])

        return carry

    lax.fori_loop(0, GPTW // IR, group, 0)
    plsc.subcore_barrier()
    pltpu.sync_copy(acc_sh.at[pl.ds(base, RPT)], acc_out.at[cid, pl.ds(base, RPT)])


_prop_cols = pl.kernel(
    _prop_cols_body,
    out_type=jax.ShapeDtypeStruct((NC, NP, DH2), jnp.float32),
    mesh=_MESH,
    scratch_types=[
        pltpu.VMEM_SHARED((NP, DH2), jnp.float32),
        pltpu.VMEM_SHARED((NP, DH2), jnp.float32),
    ] + [pltpu.VMEM((2, K), jnp.int32)] * IR
      + [pltpu.VMEM((K, DH2), jnp.float32)] * 2
      + [pltpu.SemaphoreType.DMA] * (IR + 2),
    compiler_params=pltpu.CompilerParams(use_tc_tiling_on_sc=False),
)



_BLK = 1024
_GRID = NP // _BLK


def _dinv(deg_ref):
    deg = deg_ref[0, :, 0:1] + deg_ref[1, :, 0:1] + 1.0
    return lax.rsqrt(deg)


def _mm_body(x_ref, w_ref, xw_ref):
    xw_ref[...] = jnp.dot(
        x_ref[...], w_ref[...], preferred_element_type=jnp.float32)


def _scale_body(xw_ref, deg_ref, y_ref):
    y_ref[...] = _dinv(deg_ref) * xw_ref[...]


def _tc2_body(acc_ref, y1_ref, deg_ref, wcat_ref, b_ref, y2_ref):
    dinv = _dinv(deg_ref)
    s = jnp.concatenate([acc_ref[0], acc_ref[1]], axis=1)
    s = s + y1_ref[...]
    h = jnp.maximum(dinv * s + b_ref[...], 0.0)
    xw2 = jnp.dot(h, wcat_ref[...], preferred_element_type=jnp.float32)
    y2_ref[...] = dinv * xw2


def _tc3_body(acc2_ref, y2_ref, deg_ref, bcat_ref, mu_ref, lv_ref):
    dinv = _dinv(deg_ref)
    s = acc2_ref[0] + acc2_ref[1] + y2_ref[...]
    out = dinv * s + bcat_ref[...]
    mu_ref[...] = out[:, 0:2]
    lv_ref[...] = out[:, 2:4]


def _deg_spec():
    return pl.BlockSpec((NC, _BLK, DG), lambda i: (0, i, 0))


_mm_call = pl.pallas_call(
    _mm_body,
    grid=(_GRID,),
    in_specs=[
        pl.BlockSpec((_BLK, D_IN), lambda i: (i, 0)),
        pl.BlockSpec((D_IN, D_H), lambda i: (0, 0)),
    ],
    out_specs=pl.BlockSpec((_BLK, D_H), lambda i: (i, 0)),
    out_shape=jax.ShapeDtypeStruct((NP, D_H), jnp.float32),
)

_scale_call = pl.pallas_call(
    _scale_body,
    grid=(_GRID,),
    in_specs=[
        pl.BlockSpec((_BLK, D_H), lambda i: (i, 0)),
        _deg_spec(),
    ],
    out_specs=pl.BlockSpec((_BLK, D_H), lambda i: (i, 0)),
    out_shape=jax.ShapeDtypeStruct((NP, D_H), jnp.float32),
)

_tc2_call = pl.pallas_call(
    _tc2_body,
    grid=(_GRID,),
    in_specs=[
        pl.BlockSpec((NC, _BLK, 64), lambda i: (0, i, 0)),
        pl.BlockSpec((_BLK, D_H), lambda i: (i, 0)),
        _deg_spec(),
        pl.BlockSpec((D_H, DP), lambda i: (0, 0)),
        pl.BlockSpec((1, D_H), lambda i: (0, 0)),
    ],
    out_specs=pl.BlockSpec((_BLK, DP), lambda i: (i, 0)),
    out_shape=jax.ShapeDtypeStruct((NP, DP), jnp.float32),
)

_BLK3 = 1000

_tc3_call = pl.pallas_call(
    _tc3_body,
    grid=(N // _BLK3,),
    in_specs=[
        pl.BlockSpec((NC, _BLK3, DP), lambda i: (0, i, 0)),
        pl.BlockSpec((_BLK3, DP), lambda i: (i, 0)),
        pl.BlockSpec((NC, _BLK3, DG), lambda i: (0, i, 0)),
        pl.BlockSpec((1, DP), lambda i: (0, 0)),
    ],
    out_specs=[
        pl.BlockSpec((_BLK3, 2), lambda i: (i, 0)),
        pl.BlockSpec((_BLK3, 2), lambda i: (i, 0)),
    ],
    out_shape=[
        jax.ShapeDtypeStruct((N, 2), jnp.float32),
        jax.ShapeDtypeStruct((N, 2), jnp.float32),
    ],
)




@jax.jit
def kernel(x, edge_index, W_shared, b_shared, W_mu, b_mu, W_logvar, b_logvar):
    pad = jnp.full((EPAD - E,), NP - 1, jnp.int32)
    src2d = jnp.concatenate([edge_index[0], pad]).reshape(NCHUNK, K)
    dst2d = jnp.concatenate([edge_index[1], pad]).reshape(NCHUNK, K)
    ei = jnp.stack([src2d, dst2d], axis=1)
    xp = jnp.zeros((NP, D_IN), jnp.float32).at[:N].set(x)
    ones_kp = jnp.ones((K, DG), jnp.float32)
    zeros_np = jnp.zeros((NP, DP), jnp.float32)
    zeros_nh = jnp.zeros((NP, D_H), jnp.float32)

    deg_parts = _deg_call(ei, ones_kp, zeros_np[:, :DG])
    xw1 = _mm_call(xp, W_shared)
    y1 = _scale_call(xw1, deg_parts)
    zeros_half = zeros_nh[:, :DH2]
    acc1 = _prop_cols(ei, y1[:, :DH2], y1[:, DH2:], zeros_half)

    wcat = jnp.concatenate(
        [W_mu, W_logvar, jnp.zeros((D_H, DP - 4), jnp.float32)], axis=1)
    bcat = jnp.concatenate(
        [b_mu, b_logvar, jnp.zeros((DP - 4,), jnp.float32)]).reshape(1, DP)

    y2 = _tc2_call(acc1, y1, deg_parts, wcat, b_shared.reshape(1, D_H))
    acc2 = _prop_narrow(ei, y2, zeros_np)
    mu, logvar = _tc3_call(acc2, y2, deg_parts, bcat)
    return mu, logvar

# --- scband reference (transcript-rebuilt; emitter-appended) ---
"""Pipeline reference for scband-position-encoder-22084721836482 (READ-ONLY COPY).

The authoritative reference and input builder live on the scoring server;
editing this copy changes nothing except your own understanding.
"""

import jax, jax.numpy as jnp
import numpy as np

N = 10000
E = 320000
D_IN = 128
D_H = 128
D_OUT = 2


def _glorot(key, fan_in, fan_out):
    limit = jnp.sqrt(6.0 / (fan_in + fan_out))
    return jax.random.uniform(key, (fan_in, fan_out), dtype=jnp.float32, minval=-limit, maxval=limit)


def gcn_conv(x, edge_index, W, b, num_nodes):
    # GCNConv with added self-loops and symmetric normalization (PyG semantics)
    src = edge_index[0]
    dst = edge_index[1]
    loop = jnp.arange(num_nodes, dtype=src.dtype)
    src = jnp.concatenate([src, loop], axis=0)
    dst = jnp.concatenate([dst, loop], axis=0)
    deg = jnp.zeros((num_nodes,), dtype=jnp.float32).at[dst].add(1.0)
    deg_inv_sqrt = jnp.where(deg > 0, jax.lax.rsqrt(jnp.maximum(deg, 1e-12)), 0.0)
    norm = deg_inv_sqrt[src] * deg_inv_sqrt[dst]
    xw = x @ W
    msg = jnp.take(xw, src, axis=0) * norm[:, None]
    out = jnp.zeros((num_nodes, W.shape[1]), dtype=x.dtype).at[dst].add(msg)
    return out + b


def setup_inputs(seed: int = 0) -> dict:
    key = jax.random.key(seed)
    ks = jax.random.split(key, 8)
    x = jax.random.normal(ks[0], (N, D_IN), dtype=jnp.float32)
    edge_index = jax.random.randint(ks[1], (2, E), 0, N, dtype=jnp.int32)
    W_shared = _glorot(ks[2], D_IN, D_H)
    b_shared = jnp.zeros((D_H,), dtype=jnp.float32)
    W_mu = _glorot(ks[3], D_H, D_OUT)
    b_mu = jnp.zeros((D_OUT,), dtype=jnp.float32)
    W_logvar = _glorot(ks[4], D_H, D_OUT)
    b_logvar = jnp.zeros((D_OUT,), dtype=jnp.float32)
    return {
        "x": x,
        "edge_index": edge_index,
        "W_shared": W_shared,
        "b_shared": b_shared,
        "W_mu": W_mu,
        "b_mu": b_mu,
        "W_logvar": W_logvar,
        "b_logvar": b_logvar,
    }


def reference(x, edge_index, W_shared, b_shared, W_mu, b_mu, W_logvar, b_logvar):
    h = jax.nn.relu(gcn_conv(x, edge_index, W_shared, b_shared, N))
    mu = gcn_conv(h, edge_index, W_mu, b_mu, N)
    logvar = gcn_conv(h, edge_index, W_logvar, b_logvar, N)
    return (mu, logvar)

if __name__ == "__main__":
    import jax
    _d = setup_inputs()
    print(jax.jit(kernel)(*tuple(_d.values())))

</pallas_src>

<mosaic_0001>
#map = affine_map<(d0, d1) -> (0, 0, 0)>
#map1 = affine_map<(d0, d1) -> (0, 0)>
module attributes {stable_mosaic.version = 14 : i64} {
  func.func @_deg_body(%arg0: i32, %arg1: i32, %arg2: memref<2560x2x128xi32, #tpu.memory_space<hbm>>, %arg3: memref<128x8xf32, #tpu.memory_space<hbm>>, %arg4: memref<10240x8xf32, #tpu.memory_space<hbm>>, %arg5: memref<2x10240x8xf32, #tpu.memory_space<hbm>>, %arg6: memref<128x8xf32, #tpu.memory_space<vmem>>, %arg7: memref<10240x8xf32, #tpu.memory_space<vmem_shared>>, %arg8: memref<2x128xi32, #tpu.memory_space<vmem>>, %arg9: memref<2x128xi32, #tpu.memory_space<vmem>>, %arg10: memref<2x128xi32, #tpu.memory_space<vmem>>, %arg11: memref<2x128xi32, #tpu.memory_space<vmem>>, %arg12: memref<!tpu.dma_semaphore, #tpu.memory_space<semaphore_mem>>, %arg13: memref<!tpu.dma_semaphore, #tpu.memory_space<semaphore_mem>>, %arg14: memref<!tpu.dma_semaphore, #tpu.memory_space<semaphore_mem>>, %arg15: memref<!tpu.dma_semaphore, #tpu.memory_space<semaphore_mem>>, %arg16: memref<!tpu.dma_semaphore, #tpu.memory_space<semaphore_mem>>, %arg17: memref<!tpu.dma_semaphore, #tpu.memory_space<semaphore_mem>>, %arg18: memref<!tpu.dma_semaphore, #tpu.memory_space<semaphore_mem>>, %arg19: memref<!tpu.dma_semaphore, #tpu.memory_space<semaphore_mem>>) attributes {dimension_semantics = [#tpu.dimension_semantics<core_parallel>, #tpu.dimension_semantics<subcore_parallel>], iteration_bounds = array<i64: 2, 16>, scalar_prefetch = 0 : i64, scratch_operands = 14 : i64, tpu.core_type = #tpu.core_type<sc_vector_subcore>, window_params = [{transform_indices = #map}, {transform_indices = #map1}, {transform_indices = #map1}, {transform_indices = #map}]} {
    %mul3A = arith.constant 640 : i32
    %mul3A_0 = arith.muli %arg1, %mul3A : i32
    %mul3A_1 = arith.constant 2 : i32
    %mul3A_2 = arith.muli %arg1, %mul3A_1 : i32
    %add3A = arith.addi %mul3A_2, %arg0 : i32
    %mul3A_3 = arith.constant 80 : i32
    %mul3A_4 = arith.muli %add3A, %mul3A_3 : i32
    "tpu.region"() ({
      %run_scoped3A = tpu.sem_alloc : memref<!tpu.dma_semaphore, #tpu.memory_space<semaphore_mem>>
      tpu.enqueue_dma source(%arg3 : memref<128x8xf32, #tpu.memory_space<hbm>>) target(%arg6 : memref<128x8xf32, #tpu.memory_space<vmem>>) target_semaphore(%run_scoped3A : memref<!tpu.dma_semaphore, #tpu.memory_space<semaphore_mem>>)
      tpu.wait_dma2 semaphore(%run_scoped3A : memref<!tpu.dma_semaphore, #tpu.memory_space<semaphore_mem>>) src(%arg3 : memref<128x8xf32, #tpu.memory_space<hbm>>) dst(%arg6 : memref<128x8xf32, #tpu.memory_space<vmem>>)
      tpu.yield
    }) : () -> ()
    %add3A_5 = arith.constant 0 : i32
    %add3A_6 = arith.addi %mul3A_4, %add3A_5 : i32
    %dma_start3A = arith.constant 0 : i32
    %dma_start3A_7 = arith.constant 0 : i32
    %dma_start3A_8 = tpu.memref_slice %arg2[%add3A_6, %dma_start3A, %dma_start3A_7] : memref<2560x2x128xi32, #tpu.memory_space<hbm>> -> memref<1x2x128xi32, #tpu.memory_space<hbm>>
    %dma_start3A_9 = tpu.memref_squeeze %dma_start3A_8 : memref<1x2x128xi32, #tpu.memory_space<hbm>> -> memref<2x128xi32, #tpu.memory_space<hbm>>
    %dma_start3A_10 = arith.constant 0 : i32
    %dma_start3A_11 = arith.constant 0 : i32
    %dma_start3A_12 = tpu.memref_slice %arg2[%add3A_6, %dma_start3A_10, %dma_start3A_11] : memref<2560x2x128xi32, #tpu.memory_space<hbm>> -> memref<1x2x128xi32, #tpu.memory_space<hbm>>
    %dma_start3A_13 = tpu.memref_squeeze %dma_start3A_12 : memref<1x2x128xi32, #tpu.memory_space<hbm>> -> memref<2x128xi32, #tpu.memory_space<hbm>>
    tpu.enqueue_dma source(%dma_start3A_13 : memref<2x128xi32, #tpu.memory_space<hbm>>) target(%arg8 : memref<2x128xi32, #tpu.memory_space<vmem>>) target_semaphore(%arg12 : memref<!tpu.dma_semaphore, #tpu.memory_space<semaphore_mem>>)
    %add3A_14 = arith.constant 1 : i32
    %add3A_15 = arith.addi %mul3A_4, %add3A_14 : i32
    %dma_start3A_16 = arith.constant 0 : i32
    %dma_start3A_17 = arith.constant 0 : i32
    %dma_start3A_18 = tpu.memref_slice %arg2[%add3A_15, %dma_start3A_16, %dma_start3A_17] : memref<2560x2x128xi32, #tpu.memory_space<hbm>> -> memref<1x2x128xi32, #tpu.memory_space<hbm>>
    %dma_start3A_19 = tpu.memref_squeeze %dma_start3A_18 : memref<1x2x128xi32, #tpu.memory_space<hbm>> -> memref<2x128xi32, #tpu.memory_space<hbm>>
    %dma_start3A_20 = arith.constant 0 : i32
    %dma_start3A_21 = arith.constant 0 : i32
    %dma_start3A_22 = tpu.memref_slice %arg2[%add3A_15, %dma_start3A_20, %dma_start3A_21] : memref<2560x2x128xi32, #tpu.memory_space<hbm>> -> memref<1x2x128xi32, #tpu.memory_space<hbm>>
    %dma_start3A_23 = tpu.memref_squeeze %dma_start3A_22 : memref<1x2x128xi32, #tpu.memory_space<hbm>> -> memref<2x128xi32, #tpu.memory_space<hbm>>
    tpu.enqueue_dma source(%dma_start3A_23 : memref<2x128xi32, #tpu.memory_space<hbm>>) target(%arg9 : memref<2x128xi32, #tpu.memory_space<vmem>>) target_semaphore(%arg13 : memref<!tpu.dma_semaphore, #tpu.memory_space<semaphore_mem>>)
    %add3A_24 = arith.constant 2 : i32
    %add3A_25 = arith.addi %mul3A_4, %add3A_24 : i32
    %dma_start3A_26 = arith.constant 0 : i32
    %dma_start3A_27 = arith.constant 0 : i32
    %dma_start3A_28 = tpu.memref_slice %arg2[%add3A_25, %dma_start3A_26, %dma_start3A_27] : memref<2560x2x128xi32, #tpu.memory_space<hbm>> -> memref<1x2x128xi32, #tpu.memory_space<hbm>>
    %dma_start3A_29 = tpu.memref_squeeze %dma_start3A_28 : memref<1x2x128xi32, #tpu.memory_space<hbm>> -> memref<2x128xi32, #tpu.memory_space<hbm>>
    %dma_start3A_30 = arith.constant 0 : i32
    %dma_start3A_31 = arith.constant 0 : i32
    %dma_start3A_32 = tpu.memref_slice %arg2[%add3A_25, %dma_start3A_30, %dma_start3A_31] : memref<2560x2x128xi32, #tpu.memory_space<hbm>> -> memref<1x2x128xi32, #tpu.memory_space<hbm>>
    %dma_start3A_33 = tpu.memref_squeeze %dma_start3A_32 : memref<1x2x128xi32, #tpu.memory_space<hbm>> -> memref<2x128xi32, #tpu.memory_space<hbm>>
    tpu.enqueue_dma source(%dma_start3A_33 : memref<2x128xi32, #tpu.memory_space<hbm>>) target(%arg10 : memref<2x128xi32, #tpu.memory_space<vmem>>) target_semaphore(%arg14 : memref<!tpu.dma_semaphore, #tpu.memory_space<semaphore_mem>>)
    %add3A_34 = arith.constant 3 : i32
    %add3A_35 = arith.addi %mul3A_4, %add3A_34 : i32
    %dma_start3A_36 = arith.constant 0 : i32
    %dma_start3A_37 = arith.constant 0 : i32
    %dma_start3A_38 = tpu.memref_slice %arg2[%add3A_35, %dma_start3A_36, %dma_start3A_37] : memref<2560x2x128xi32, #tpu.memory_space<hbm>> -> memref<1x2x128xi32, #tpu.memory_space<hbm>>
    %dma_start3A_39 = tpu.memref_squeeze %dma_start3A_38 : memref<1x2x128xi32, #tpu.memory_space<hbm>> -> memref<2x128xi32, #tpu.memory_space<hbm>>
    %dma_start3A_40 = arith.constant 0 : i32
    %dma_start3A_41 = arith.constant 0 : i32
    %dma_start3A_42 = tpu.memref_slice %arg2[%add3A_35, %dma_start3A_40, %dma_start3A_41] : memref<2560x2x128xi32, #tpu.memory_space<hbm>> -> memref<1x2x128xi32, #tpu.memory_space<hbm>>
    %dma_start3A_43 = tpu.memref_squeeze %dma_start3A_42 : memref<1x2x128xi32, #tpu.memory_space<hbm>> -> memref<2x128xi32, #tpu.memory_space<hbm>>
    tpu.enqueue_dma source(%dma_start3A_43 : memref<2x128xi32, #tpu.memory_space<hbm>>) target(%arg11 : memref<2x128xi32, #tpu.memory_space<vmem>>) target_semaphore(%arg15 : memref<!tpu.dma_semaphore, #tpu.memory_space<semaphore_mem>>)
    "tpu.region"() ({
      %run_scoped3A = tpu.sem_alloc : memref<!tpu.dma_semaphore, #tpu.memory_space<semaphore_mem>>
      %dma_start3A_77 = arith.constant 0 : i32
      %dma_start3A_78 = tpu.memref_slice %arg7[%mul3A_0, %dma_start3A_77] : memref<10240x8xf32, #tpu.memory_space<vmem_shared>> -> memref<640x8xf32, #tpu.memory_space<vmem_shared>>
      %dma_start3A_79 = arith.constant 0 : i32
      %dma_start3A_80 = tpu.memref_slice %arg4[%mul3A_0, %dma_start3A_79] : memref<10240x8xf32, #tpu.memory_space<hbm>> -> memref<640x8xf32, #tpu.memory_space<hbm>>
      tpu.enqueue_dma source(%dma_start3A_80 : memref<640x8xf32, #tpu.memory_space<hbm>>) target(%dma_start3A_78 : memref<640x8xf32, #tpu.memory_space<vmem_shared>>) target_semaphore(%run_scoped3A : memref<!tpu.dma_semaphore, #tpu.memory_space<semaphore_mem>>)
      %dma_wait3A_81 = arith.constant 0 : i32
      %dma_wait3A_82 = tpu.memref_slice %arg7[%mul3A_0, %dma_wait3A_81] : memref<10240x8xf32, #tpu.memory_space<vmem_shared>> -> memref<640x8xf32, #tpu.memory_space<vmem_shared>>
      %dma_wait3A_83 = arith.constant 0 : i32
      %dma_wait3A_84 = tpu.memref_slice %arg4[%mul3A_0, %dma_wait3A_83] : memref<10240x8xf32, #tpu.memory_space<hbm>> -> memref<640x8xf32, #tpu.memory_space<hbm>>
      tpu.wait_dma2 semaphore(%run_scoped3A : memref<!tpu.dma_semaphore, #tpu.memory_space<semaphore_mem>>) src(%dma_wait3A_84 : memref<640x8xf32, #tpu.memory_space<hbm>>) dst(%dma_wait3A_82 : memref<640x8xf32, #tpu.memory_space<vmem_shared>>)
      tpu.yield
    }) : () -> ()
    %barrier3A = arith.constant 0 : index
    tpu.barrier barrier_id(%barrier3A)
    %scan3A = arith.constant 0 : i32
    %scan3A_44 = arith.constant 0 : i32
    %scan3A_45 = arith.constant 20 : i32
    %scan3A_46 = arith.addi %scan3A_44, %scan3A_45 : i32
    %scan3A_47 = arith.constant 1 : i32
    scf.for %scan3A_77 = %scan3A_44 to %scan3A_46 step %scan3A_47  : i32 {
      %mul3A_78 = arith.constant 4 : i32
      %mul3A_79 = arith.muli %scan3A_77, %mul3A_78 : i32
      %add3A_80 = arith.constant 0 : i32
      %add3A_81 = arith.addi %mul3A_79, %add3A_80 : i32
      %dma_wait3A_82 = arith.constant 0 : i32
      %dma_wait3A_83 = arith.constant 0 : i32
      %dma_wait3A_84 = tpu.memref_slice %arg2[%mul3A_4, %dma_wait3A_82, %dma_wait3A_83] : memref<2560x2x128xi32, #tpu.memory_space<hbm>> -> memref<1x2x128xi32, #tpu.memory_space<hbm>>
      %dma_wait3A_85 = tpu.memref_squeeze %dma_wait3A_84 : memref<1x2x128xi32, #tpu.memory_space<hbm>> -> memref<2x128xi32, #tpu.memory_space<hbm>>
      %dma_wait3A_86 = arith.constant 0 : i32
      %dma_wait3A_87 = arith.constant 0 : i32
      %dma_wait3A_88 = tpu.memref_slice %arg2[%mul3A_4, %dma_wait3A_86, %dma_wait3A_87] : memref<2560x2x128xi32, #tpu.memory_space<hbm>> -> memref<1x2x128xi32, #tpu.memory_space<hbm>>
      %dma_wait3A_89 = tpu.memref_squeeze %dma_wait3A_88 : memref<1x2x128xi32, #tpu.memory_space<hbm>> -> memref<2x128xi32, #tpu.memory_space<hbm>>
      tpu.wait_dma2 semaphore(%arg12 : memref<!tpu.dma_semaphore, #tpu.memory_space<semaphore_mem>>) src(%dma_wait3A_89 : memref<2x128xi32, #tpu.memory_space<hbm>>) dst(%arg8 : memref<2x128xi32, #tpu.memory_space<vmem>>)
      %dma_start3A_90 = arith.constant 1 : i32
      %dma_start3A_91 = arith.constant 0 : i32
      %dma_start3A_92 = tpu.memref_slice %arg8[%dma_start3A_90, %dma_start3A_91] : memref<2x128xi32, #tpu.memory_space<vmem>> -> memref<1x128xi32, #tpu.memory_space<vmem>>
      %dma_start3A_93 = tpu.memref_squeeze %dma_start3A_92 : memref<1x128xi32, #tpu.memory_space<vmem>> -> memref<128xi32, #tpu.memory_space<vmem>>
      %dma_start3A_94 = arith.constant 0 : i32
      %dma_start3A_95 = arith.constant 0 : i32
      %dma_start3A_96 = tpu.memref_slice %arg7[%dma_start3A_94, %dma_start3A_95] : memref<10240x8xf32, #tpu.memory_space<vmem_shared>> -> memref<10240x8xf32, #tpu.memory_space<vmem_shared>>
      tpu.enqueue_indirect_dma source(%arg6 : memref<128x8xf32, #tpu.memory_space<vmem>>) target(%dma_start3A_96 : memref<10240x8xf32, #tpu.memory_space<vmem_shared>>) offsets(%dma_start3A_93 : memref<128xi32, #tpu.memory_space<vmem>>) semaphore(%arg16 : memref<!tpu.dma_semaphore, #tpu.memory_space<semaphore_mem>>) {add = true}
      %ge3A = arith.constant 1 : i32
      %ge3A_97 = arith.cmpi sge, %add3A_81, %ge3A : i32
      %add3A_98 = arith.constant 3 : i32
      %add3A_99 = arith.addi %add3A_81, %add3A_98 : i32
      %lt3A = arith.constant 80 : i32
      %lt3A_100 = arith.cmpi slt, %add3A_99, %lt3A : i32
      %and3A = arith.andi %ge3A_97, %lt3A_100 : i1
      %convert_element_type3A = arith.extui %and3A : i1 to i32
      %cond3A = arith.constant 0 : i32
      %cond3A_101 = arith.cmpi ne, %convert_element_type3A, %cond3A : i32
      scf.if %cond3A_101 {
        %dma_wait3A_189 = arith.constant 1 : i32
        %dma_wait3A_190 = arith.constant 0 : i32
        %dma_wait3A_191 = tpu.memref_slice %arg11[%dma_wait3A_189, %dma_wait3A_190] : memref<2x128xi32, #tpu.memory_space<vmem>> -> memref<1x128xi32, #tpu.memory_space<vmem>>
        %dma_wait3A_192 = tpu.memref_squeeze %dma_wait3A_191 : memref<1x128xi32, #tpu.memory_space<vmem>> -> memref<128xi32, #tpu.memory_space<vmem>>
        %dma_wait3A_193 = arith.constant 0 : i32
        %dma_wait3A_194 = arith.constant 0 : i32
        %dma_wait3A_195 = tpu.memref_slice %arg7[%dma_wait3A_193, %dma_wait3A_194] : memref<10240x8xf32, #tpu.memory_space<vmem_shared>> -> memref<10240x8xf32, #tpu.memory_space<vmem_shared>>
        tpu.wait_indirect_dma semaphore(%arg19 : memref<!tpu.dma_semaphore, #tpu.memory_space<semaphore_mem>>) src(%arg6 : memref<128x8xf32, #tpu.memory_space<vmem>>) dst(%dma_wait3A_195 : memref<10240x8xf32, #tpu.memory_space<vmem_shared>>)
        %add3A_196 = arith.addi %mul3A_4, %add3A_81 : i32
        %add3A_197 = arith.constant 3 : i32
        %add3A_198 = arith.addi %add3A_196, %add3A_197 : i32
        %dma_start3A_199 = arith.constant 0 : i32
        %dma_start3A_200 = arith.constant 0 : i32
        %dma_start3A_201 = tpu.memref_slice %arg2[%add3A_198, %dma_start3A_199, %dma_start3A_200] : memref<2560x2x128xi32, #tpu.memory_space<hbm>> -> memref<1x2x128xi32, #tpu.memory_space<hbm>>
        %dma_start3A_202 = tpu.memref_squeeze %dma_start3A_201 : memref<1x2x128xi32, #tpu.memory_space<hbm>> -> memref<2x128xi32, #tpu.memory_space<hbm>>
        %dma_start3A_203 = arith.constant 0 : i32
        %dma_start3A_204 = arith.constant 0 : i32
        %dma_start3A_205 = tpu.memref_slice %arg2[%add3A_198, %dma_start3A_203, %dma_start3A_204] : memref<2560x2x128xi32, #tpu.memory_space<hbm>> -> memref<1x2x128xi32, #tpu.memory_space<hbm>>
        %dma_start3A_206 = tpu.memref_squeeze %dma_start3A_205 : memref<1x2x128xi32, #tpu.memory_space<hbm>> -> memref<2x128xi32, #tpu.memory_space<hbm>>
        tpu.enqueue_dma source(%dma_start3A_206 : memref<2x128xi32, #tpu.memory_space<hbm>>) target(%arg11 : memref<2x128xi32, #tpu.memory_space<vmem>>) target_semaphore(%arg15 : memref<!tpu.dma_semaphore, #tpu.memory_space<semaphore_mem>>)
      } else {
      }
      %mul3A_102 = arith.constant 4 : i32
      %mul3A_103 = arith.muli %scan3A_77, %mul3A_102 : i32
      %add3A_104 = arith.constant 1 : i32
      %add3A_105 = arith.addi %mul3A_103, %add3A_104 : i32
      %dma_wait3A_106 = arith.constant 0 : i32
      %dma_wait3A_107 = arith.constant 0 : i32
      %dma_wait3A_108 = tpu.memref_slice %arg2[%mul3A_4, %dma_wait3A_106, %dma_wait3A_107] : memref<2560x2x128xi32, #tpu.memory_space<hbm>> -> memref<1x2x128xi32, #tpu.memory_space<hbm>>
      %dma_wait3A_109 = tpu.memref_squeeze %dma_wait3A_108 : memref<1x2x128xi32, #tpu.memory_space<hbm>> -> memref<2x128xi32, #tpu.memory_space<hbm>>
      %dma_wait3A_110 = arith.constant 0 : i32
      %dma_wait3A_111 = arith.constant 0 : i32
      %dma_wait3A_112 = tpu.memref_slice %arg2[%mul3A_4, %dma_wait3A_110, %dma_wait3A_111] : memref<2560x2x128xi32, #tpu.memory_space<hbm>> -> memref<1x2x128xi32, #tpu.memory_space<hbm>>
      %dma_wait3A_113 = tpu.memref_squeeze %dma_wait3A_112 : memref<1x2x128xi32, #tpu.memory_space<hbm>> -> memref<2x128xi32, #tpu.memory_space<hbm>>
      tpu.wait_dma2 semaphore(%arg13 : memref<!tpu.dma_semaphore, #tpu.memory_space<semaphore_mem>>) src(%dma_wait3A_113 : memref<2x128xi32, #tpu.memory_space<hbm>>) dst(%arg9 : memref<2x128xi32, #tpu.memory_space<vmem>>)
      %dma_start3A_114 = arith.constant 1 : i32
      %dma_start3A_115 = arith.constant 0 : i32
      %dma_start3A_116 = tpu.memref_slice %arg9[%dma_start3A_114, %dma_start3A_115] : memref<2x128xi32, #tpu.memory_space<vmem>> -> memref<1x128xi32, #tpu.memory_space<vmem>>
      %dma_start3A_117 = tpu.memref_squeeze %dma_start3A_116 : memref<1x128xi32, #tpu.memory_space<vmem>> -> memref<128xi32, #tpu.memory_space<vmem>>
      %dma_start3A_118 = arith.constant 0 : i32
      %dma_start3A_119 = arith.constant 0 : i32
      %dma_start3A_120 = tpu.memref_slice %arg7[%dma_start3A_118, %dma_start3A_119] : memref<10240x8xf32, #tpu.memory_space<vmem_shared>> -> memref<10240x8xf32, #tpu.memory_space<vmem_shared>>
      tpu.enqueue_indirect_dma source(%arg6 : memref<128x8xf32, #tpu.memory_space<vmem>>) target(%dma_start3A_120 : memref<10240x8xf32, #tpu.memory_space<vmem_shared>>) offsets(%dma_start3A_117 : memref<128xi32, #tpu.memory_space<vmem>>) semaphore(%arg17 : memref<!tpu.dma_semaphore, #tpu.memory_space<semaphore_mem>>) {add = true}
      %ge3A_121 = arith.constant 1 : i32
      %ge3A_122 = arith.cmpi sge, %add3A_105, %ge3A_121 : i32
      %add3A_123 = arith.constant 3 : i32
      %add3A_124 = arith.addi %add3A_105, %add3A_123 : i32
      %lt3A_125 = arith.constant 80 : i32
      %lt3A_126 = arith.cmpi slt, %add3A_124, %lt3A_125 : i32
      %and3A_127 = arith.andi %ge3A_122, %lt3A_126 : i1
      %convert_element_type3A_128 = arith.extui %and3A_127 : i1 to i32
      %cond3A_129 = arith.constant 0 : i32
      %cond3A_130 = arith.cmpi ne, %convert_element_type3A_128, %cond3A_129 : i32
      scf.if %cond3A_130 {
        %dma_wait3A_189 = arith.constant 1 : i32
        %dma_wait3A_190 = arith.constant 0 : i32
        %dma_wait3A_191 = tpu.memref_slice %arg8[%dma_wait3A_189, %dma_wait3A_190] : memref<2x128xi32, #tpu.memory_space<vmem>> -> memref<1x128xi32, #tpu.memory_space<vmem>>
        %dma_wait3A_192 = tpu.memref_squeeze %dma_wait3A_191 : memref<1x128xi32, #tpu.memory_space<vmem>> -> memref<128xi32, #tpu.memory_space<vmem>>
        %dma_wait3A_193 = arith.constant 0 : i32
        %dma_wait3A_194 = arith.constant 0 : i32
        %dma_wait3A_195 = tpu.memref_slice %arg7[%dma_wait3A_193, %dma_wait3A_194] : memref<10240x8xf32, #tpu.memory_space<vmem_shared>> -> memref<10240x8xf32, #tpu.memory_space<vmem_shared>>
        tpu.wait_indirect_dma semaphore(%arg16 : memref<!tpu.dma_semaphore, #tpu.memory_space<semaphore_mem>>) src(%arg6 : memref<128x8xf32, #tpu.memory_space<vmem>>) dst(%dma_wait3A_195 : memref<10240x8xf32, #tpu.memory_space<vmem_shared>>)
        %add3A_196 = arith.addi %mul3A_4, %add3A_105 : i32
        %add3A_197 = arith.constant 3 : i32
        %add3A_198 = arith.addi %add3A_196, %add3A_197 : i32
        %dma_start3A_199 = arith.constant 0 : i32
        %dma_start3A_200 = arith.constant 0 : i32
        %dma_start3A_201 = tpu.memref_slice %arg2[%add3A_198, %dma_start3A_199, %dma_start3A_200] : memref<2560x2x128xi32, #tpu.memory_space<hbm>> -> memref<1x2x128xi32, #tpu.memory_space<hbm>>
        %dma_start3A_202 = tpu.memref_squeeze %dma_start3A_201 : memref<1x2x128xi32, #tpu.memory_space<hbm>> -> memref<2x128xi32, #tpu.memory_space<hbm>>
        %dma_start3A_203 = arith.constant 0 : i32
        %dma_start3A_204 = arith.constant 0 : i32
        %dma_start3A_205 = tpu.memref_slice %arg2[%add3A_198, %dma_start3A_203, %dma_start3A_204] : memref<2560x2x128xi32, #tpu.memory_space<hbm>> -> memref<1x2x128xi32, #tpu.memory_space<hbm>>
        %dma_start3A_206 = tpu.memref_squeeze %dma_start3A_205 : memref<1x2x128xi32, #tpu.memory_space<hbm>> -> memref<2x128xi32, #tpu.memory_space<hbm>>
        tpu.enqueue_dma source(%dma_start3A_206 : memref<2x128xi32, #tpu.memory_space<hbm>>) target(%arg8 : memref<2x128xi32, #tpu.memory_space<vmem>>) target_semaphore(%arg12 : memref<!tpu.dma_semaphore, #tpu.memory_space<semaphore_mem>>)
      } else {
      }
      %mul3A_131 = arith.constant 4 : i32
      %mul3A_132 = arith.muli %scan3A_77, %mul3A_131 : i32
      %add3A_133 = arith.constant 2 : i32
      %add3A_134 = arith.addi %mul3A_132, %add3A_133 : i32
      %dma_wait3A_135 = arith.constant 0 : i32
      %dma_wait3A_136 = arith.constant 0 : i32
      %dma_wait3A_137 = tpu.memref_slice %arg2[%mul3A_4, %dma_wait3A_135, %dma_wait3A_136] : memref<2560x2x128xi32, #tpu.memory_space<hbm>> -> memref<1x2x128xi32, #tpu.memory_space<hbm>>
      %dma_wait3A_138 = tpu.memref_squeeze %dma_wait3A_137 : memref<1x2x128xi32, #tpu.memory_space<hbm>> -> memref<2x128xi32, #tpu.memory_space<hbm>>
      %dma_wait3A_139 = arith.constant 0 : i32
      %dma_wait3A_140 = arith.constant 0 : i32
      %dma_wait3A_141 = tpu.memref_slice %arg2[%mul3A_4, %dma_wait3A_139, %dma_wait3A_140] : memref<2560x2x128xi32, #tpu.memory_space<hbm>> -> memref<1x2x128xi32, #tpu.memory_space<hbm>>
      %dma_wait3A_142 = tpu.memref_squeeze %dma_wait3A_141 : memref<1x2x128xi32, #tpu.memory_space<hbm>> -> memref<2x128xi32, #tpu.memory_space<hbm>>
      tpu.wait_dma2 semaphore(%arg14 : memref<!tpu.dma_semaphore, #tpu.memory_space<semaphore_mem>>) src(%dma_wait3A_142 : memref<2x128xi32, #tpu.memory_space<hbm>>) dst(%arg10 : memref<2x128xi32, #tpu.memory_space<vmem>>)
      %dma_start3A_143 = arith.constant 1 : i32
      %dma_start3A_144 = arith.constant 0 : i32
      %dma_start3A_145 = tpu.memref_slice %arg10[%dma_start3A_143, %dma_start3A_144] : memref<2x128xi32, #tpu.memory_space<vmem>> -> memref<1x128xi32, #tpu.memory_space<vmem>>
      %dma_start3A_146 = tpu.memref_squeeze %dma_start3A_145 : memref<1x128xi32, #tpu.memory_space<vmem>> -> memref<128xi32, #tpu.memory_space<vmem>>
      %dma_start3A_147 = arith.constant 0 : i32
      %dma_start3A_148 = arith.constant 0 : i32
      %dma_start3A_149 = tpu.memref_slice %arg7[%dma_start3A_147, %dma_start3A_148] : memref<10240x8xf32, #tpu.memory_space<vmem_shared>> -> memref<10240x8xf32, #tpu.memory_space<vmem_shared>>
      tpu.enqueue_indirect_dma source(%arg6 : memref<128x8xf32, #tpu.memory_space<vmem>>) target(%dma_start3A_149 : memref<10240x8xf32, #tpu.memory_space<vmem_shared>>) offsets(%dma_start3A_146 : memref<128xi32, #tpu.memory_space<vmem>>) semaphore(%arg18 : memref<!tpu.dma_semaphore, #tpu.memory_space<semaphore_mem>>) {add = true}
      %ge3A_150 = arith.constant 1 : i32
      %ge3A_151 = arith.cmpi sge, %add3A_134, %ge3A_150 : i32
      %add3A_152 = arith.constant 3 : i32
      %add3A_153 = arith.addi %add3A_134, %add3A_152 : i32
      %lt3A_154 = arith.constant 80 : i32
      %lt3A_155 = arith.cmpi slt, %add3A_153, %lt3A_154 : i32
      %and3A_156 = arith.andi %ge3A_151, %lt3A_155 : i1
      %convert_element_type3A_157 = arith.extui %and3A_156 : i1 to i32
      %cond3A_158 = arith.constant 0 : i32
      %cond3A_159 = arith.cmpi ne, %convert_element_type3A_157, %cond3A_158 : i32
      scf.if %cond3A_159 {
        %dma_wait3A_189 = arith.constant 1 : i32
        %dma_wait3A_190 = arith.constant 0 : i32
        %dma_wait3A_191 = tpu.memref_slice %arg9[%dma_wait3A_189, %dma_wait3A_190] : memref<2x128xi32, #tpu.memory_space<vmem>> -> memref<1x128xi32, #tpu.memory_space<vmem>>
        %dma_wait3A_192 = tpu.memref_squeeze %dma_wait3A_191 : memref<1x128xi32, #tpu.memory_space<vmem>> -> memref<128xi32, #tpu.memory_space<vmem>>
        %dma_wait3A_193 = arith.constant 0 : i32
        %dma_wait3A_194 = arith.constant 0 : i32
        %dma_wait3A_195 = tpu.memref_slice %arg7[%dma_wait3A_193, %dma_wait3A_194] : memref<10240x8xf32, #tpu.memory_space<vmem_shared>> -> memref<10240x8xf32, #tpu.memory_space<vmem_shared>>
        tpu.wait_indirect_dma semaphore(%arg17 : memref<!tpu.dma_semaphore, #tpu.memory_space<semaphore_mem>>) src(%arg6 : memref<128x8xf32, #tpu.memory_space<vmem>>) dst(%dma_wait3A_195 : memref<10240x8xf32, #tpu.memory_space<vmem_shared>>)
        %add3A_196 = arith.addi %mul3A_4, %add3A_134 : i32
        %add3A_197 = arith.constant 3 : i32
        %add3A_198 = arith.addi %add3A_196, %add3A_197 : i32
        %dma_start3A_199 = arith.constant 0 : i32
        %dma_start3A_200 = arith.constant 0 : i32
        %dma_start3A_201 = tpu.memref_slice %arg2[%add3A_198, %dma_start3A_199, %dma_start3A_200] : memref<2560x2x128xi32, #tpu.memory_space<hbm>> -> memref<1x2x128xi32, #tpu.memory_space<hbm>>
        %dma_start3A_202 = tpu.memref_squeeze %dma_start3A_201 : memref<1x2x128xi32, #tpu.memory_space<hbm>> -> memref<2x128xi32, #tpu.memory_space<hbm>>
        %dma_start3A_203 = arith.constant 0 : i32
        %dma_start3A_204 = arith.constant 0 : i32
        %dma_start3A_205 = tpu.memref_slice %arg2[%add3A_198, %dma_start3A_203, %dma_start3A_204] : memref<2560x2x128xi32, #tpu.memory_space<hbm>> -> memref<1x2x128xi32, #tpu.memory_space<hbm>>
        %dma_start3A_206 = tpu.memref_squeeze %dma_start3A_205 : memref<1x2x128xi32, #tpu.memory_space<hbm>> -> memref<2x128xi32, #tpu.memory_space<hbm>>
        tpu.enqueue_dma source(%dma_start3A_206 : memref<2x128xi32, #tpu.memory_space<hbm>>) target(%arg9 : memref<2x128xi32, #tpu.memory_space<vmem>>) target_semaphore(%arg13 : memref<!tpu.dma_semaphore, #tpu.memory_space<semaphore_mem>>)
      } else {
      }
      %mul3A_160 = arith.constant 4 : i32
      %mul3A_161 = arith.muli %scan3A_77, %mul3A_160 : i32
      %add3A_162 = arith.constant 3 : i32
      %add3A_163 = arith.addi %mul3A_161, %add3A_162 : i32
      %dma_wait3A_164 = arith.constant 0 : i32
      %dma_wait3A_165 = arith.constant 0 : i32
      %dma_wait3A_166 = tpu.memref_slice %arg2[%mul3A_4, %dma_wait3A_164, %dma_wait3A_165] : memref<2560x2x128xi32, #tpu.memory_space<hbm>> -> memref<1x2x128xi32, #tpu.memory_space<hbm>>
      %dma_wait3A_167 = tpu.memref_squeeze %dma_wait3A_166 : memref<1x2x128xi32, #tpu.memory_space<hbm>> -> memref<2x128xi32, #tpu.memory_space<hbm>>
      %dma_wait3A_168 = arith.constant 0 : i32
      %dma_wait3A_169 = arith.constant 0 : i32
      %dma_wait3A_170 = tpu.memref_slice %arg2[%mul3A_4, %dma_wait3A_168, %dma_wait3A_169] : memref<2560x2x128xi32, #tpu.memory_space<hbm>> -> memref<1x2x128xi32, #tpu.memory_space<hbm>>
      %dma_wait3A_171 = tpu.memref_squeeze %dma_wait3A_170 : memref<1x2x128xi32, #tpu.memory_space<hbm>> -> memref<2x128xi32, #tpu.memory_space<hbm>>
      tpu.wait_dma2 semaphore(%arg15 : memref<!tpu.dma_semaphore, #tpu.memory_space<semaphore_mem>>) src(%dma_wait3A_171 : memref<2x128xi32, #tpu.memory_space<hbm>>) dst(%arg11 : memref<2x128xi32, #tpu.memory_space<vmem>>)
      %dma_start3A_172 = arith.constant 1 : i32
      %dma_start3A_173 = arith.constant 0 : i32
      %dma_start3A_174 = tpu.memref_slice %arg11[%dma_start3A_172, %dma_start3A_173] : memref<2x128xi32, #tpu.memory_space<vmem>> -> memref<1x128xi32, #tpu.memory_space<vmem>>
      %dma_start3A_175 = tpu.memref_squeeze %dma_start3A_174 : memref<1x128xi32, #tpu.memory_space<vmem>> -> memref<128xi32, #tpu.memory_space<vmem>>
      %dma_start3A_176 = arith.constant 0 : i32
      %dma_start3A_177 = arith.constant 0 : i32
      %dma_start3A_178 = tpu.memref_slice %arg7[%dma_start3A_176, %dma_start3A_177] : memref<10240x8xf32, #tpu.memory_space<vmem_shared>> -> memref<10240x8xf32, #tpu.memory_space<vmem_shared>>
      tpu.enqueue_indirect_dma source(%arg6 : memref<128x8xf32, #tpu.memory_space<vmem>>) target(%dma_start3A_178 : memref<10240x8xf32, #tpu.memory_space<vmem_shared>>) offsets(%dma_start3A_175 : memref<128xi32, #tpu.memory_space<vmem>>) semaphore(%arg19 : memref<!tpu.dma_semaphore, #tpu.memory_space<semaphore_mem>>) {add = true}
      %ge3A_179 = arith.constant 1 : i32
      %ge3A_180 = arith.cmpi sge, %add3A_163, %ge3A_179 : i32
      %add3A_181 = arith.constant 3 : i32
      %add3A_182 = arith.addi %add3A_163, %add3A_181 : i32
      %lt3A_183 = arith.constant 80 : i32
      %lt3A_184 = arith.cmpi slt, %add3A_182, %lt3A_183 : i32
      %and3A_185 = arith.andi %ge3A_180, %lt3A_184 : i1
      %convert_element_type3A_186 = arith.extui %and3A_185 : i1 to i32
      %cond3A_187 = arith.constant 0 : i32
      %cond3A_188 = arith.cmpi ne, %convert_element_type3A_186, %cond3A_187 : i32
      scf.if %cond3A_188 {
        %dma_wait3A_189 = arith.constant 1 : i32
        %dma_wait3A_190 = arith.constant 0 : i32
        %dma_wait3A_191 = tpu.memref_slice %arg10[%dma_wait3A_189, %dma_wait3A_190] : memref<2x128xi32, #tpu.memory_space<vmem>> -> memref<1x128xi32, #tpu.memory_space<vmem>>
        %dma_wait3A_192 = tpu.memref_squeeze %dma_wait3A_191 : memref<1x128xi32, #tpu.memory_space<vmem>> -> memref<128xi32, #tpu.memory_space<vmem>>
        %dma_wait3A_193 = arith.constant 0 : i32
        %dma_wait3A_194 = arith.constant 0 : i32
        %dma_wait3A_195 = tpu.memref_slice %arg7[%dma_wait3A_193, %dma_wait3A_194] : memref<10240x8xf32, #tpu.memory_space<vmem_shared>> -> memref<10240x8xf32, #tpu.memory_space<vmem_shared>>
        tpu.wait_indirect_dma semaphore(%arg18 : memref<!tpu.dma_semaphore, #tpu.memory_space<semaphore_mem>>) src(%arg6 : memref<128x8xf32, #tpu.memory_space<vmem>>) dst(%dma_wait3A_195 : memref<10240x8xf32, #tpu.memory_space<vmem_shared>>)
        %add3A_196 = arith.addi %mul3A_4, %add3A_163 : i32
        %add3A_197 = arith.constant 3 : i32
        %add3A_198 = arith.addi %add3A_196, %add3A_197 : i32
        %dma_start3A_199 = arith.constant 0 : i32
        %dma_start3A_200 = arith.constant 0 : i32
        %dma_start3A_201 = tpu.memref_slice %arg2[%add3A_198, %dma_start3A_199, %dma_start3A_200] : memref<2560x2x128xi32, #tpu.memory_space<hbm>> -> memref<1x2x128xi32, #tpu.memory_space<hbm>>
        %dma_start3A_202 = tpu.memref_squeeze %dma_start3A_201 : memref<1x2x128xi32, #tpu.memory_space<hbm>> -> memref<2x128xi32, #tpu.memory_space<hbm>>
        %dma_start3A_203 = arith.constant 0 : i32
        %dma_start3A_204 = arith.constant 0 : i32
        %dma_start3A_205 = tpu.memref_slice %arg2[%add3A_198, %dma_start3A_203, %dma_start3A_204] : memref<2560x2x128xi32, #tpu.memory_space<hbm>> -> memref<1x2x128xi32, #tpu.memory_space<hbm>>
        %dma_start3A_206 = tpu.memref_squeeze %dma_start3A_205 : memref<1x2x128xi32, #tpu.memory_space<hbm>> -> memref<2x128xi32, #tpu.memory_space<hbm>>
        tpu.enqueue_dma source(%dma_start3A_206 : memref<2x128xi32, #tpu.memory_space<hbm>>) target(%arg10 : memref<2x128xi32, #tpu.memory_space<vmem>>) target_semaphore(%arg14 : memref<!tpu.dma_semaphore, #tpu.memory_space<semaphore_mem>>)
      } else {
      }
    }
    %scan3A_48 = arith.constant 20 : i32
    %dma_wait3A = arith.constant 1 : i32
    %dma_wait3A_49 = arith.constant 0 : i32
    %dma_wait3A_50 = tpu.memref_slice %arg8[%dma_wait3A, %dma_wait3A_49] : memref<2x128xi32, #tpu.memory_space<vmem>> -> memref<1x128xi32, #tpu.memory_space<vmem>>
    %dma_wait3A_51 = tpu.memref_squeeze %dma_wait3A_50 : memref<1x128xi32, #tpu.memory_space<vmem>> -> memref<128xi32, #tpu.memory_space<vmem>>
    %dma_wait3A_52 = arith.constant 0 : i32
    %dma_wait3A_53 = arith.constant 0 : i32
    %dma_wait3A_54 = tpu.memref_slice %arg7[%dma_wait3A_52, %dma_wait3A_53] : memref<10240x8xf32, #tpu.memory_space<vmem_shared>> -> memref<10240x8xf32, #tpu.memory_space<vmem_shared>>
    tpu.wait_indirect_dma semaphore(%arg16 : memref<!tpu.dma_semaphore, #tpu.memory_space<semaphore_mem>>) src(%arg6 : memref<128x8xf32, #tpu.memory_space<vmem>>) dst(%dma_wait3A_54 : memref<10240x8xf32, #tpu.memory_space<vmem_shared>>)
    %dma_wait3A_55 = arith.constant 1 : i32
    %dma_wait3A_56 = arith.constant 0 : i32
    %dma_wait3A_57 = tpu.memref_slice %arg9[%dma_wait3A_55, %dma_wait3A_56] : memref<2x128xi32, #tpu.memory_space<vmem>> -> memref<1x128xi32, #tpu.memory_space<vmem>>
    %dma_wait3A_58 = tpu.memref_squeeze %dma_wait3A_57 : memref<1x128xi32, #tpu.memory_space<vmem>> -> memref<128xi32, #tpu.memory_space<vmem>>
    %dma_wait3A_59 = arith.constant 0 : i32
    %dma_wait3A_60 = arith.constant 0 : i32
    %dma_wait3A_61 = tpu.memref_slice %arg7[%dma_wait3A_59, %dma_wait3A_60] : memref<10240x8xf32, #tpu.memory_space<vmem_shared>> -> memref<10240x8xf32, #tpu.memory_space<vmem_shared>>
    tpu.wait_indirect_dma semaphore(%arg17 : memref<!tpu.dma_semaphore, #tpu.memory_space<semaphore_mem>>) src(%arg6 : memref<128x8xf32, #tpu.memory_space<vmem>>) dst(%dma_wait3A_61 : memref<10240x8xf32, #tpu.memory_space<vmem_shared>>)
    %dma_wait3A_62 = arith.constant 1 : i32
    %dma_wait3A_63 = arith.constant 0 : i32
    %dma_wait3A_64 = tpu.memref_slice %arg10[%dma_wait3A_62, %dma_wait3A_63] : memref<2x128xi32, #tpu.memory_space<vmem>> -> memref<1x128xi32, #tpu.memory_space<vmem>>
    %dma_wait3A_65 = tpu.memref_squeeze %dma_wait3A_64 : memref<1x128xi32, #tpu.memory_space<vmem>> -> memref<128xi32, #tpu.memory_space<vmem>>
    %dma_wait3A_66 = arith.constant 0 : i32
    %dma_wait3A_67 = arith.constant 0 : i32
    %dma_wait3A_68 = tpu.memref_slice %arg7[%dma_wait3A_66, %dma_wait3A_67] : memref<10240x8xf32, #tpu.memory_space<vmem_shared>> -> memref<10240x8xf32, #tpu.memory_space<vmem_shared>>
    tpu.wait_indirect_dma semaphore(%arg18 : memref<!tpu.dma_semaphore, #tpu.memory_space<semaphore_mem>>) src(%arg6 : memref<128x8xf32, #tpu.memory_space<vmem>>) dst(%dma_wait3A_68 : memref<10240x8xf32, #tpu.memory_space<vmem_shared>>)
    %dma_wait3A_69 = arith.constant 1 : i32
    %dma_wait3A_70 = arith.constant 0 : i32
    %dma_wait3A_71 = tpu.memref_slice %arg11[%dma_wait3A_69, %dma_wait3A_70] : memref<2x128xi32, #tpu.memory_space<vmem>> -> memref<1x128xi32, #tpu.memory_space<vmem>>
    %dma_wait3A_72 = tpu.memref_squeeze %dma_wait3A_71 : memref<1x128xi32, #tpu.memory_space<vmem>> -> memref<128xi32, #tpu.memory_space<vmem>>
    %dma_wait3A_73 = arith.constant 0 : i32
    %dma_wait3A_74 = arith.constant 0 : i32
    %dma_wait3A_75 = tpu.memref_slice %arg7[%dma_wait3A_73, %dma_wait3A_74] : memref<10240x8xf32, #tpu.memory_space<vmem_shared>> -> memref<10240x8xf32, #tpu.memory_space<vmem_shared>>
    tpu.wait_indirect_dma semaphore(%arg19 : memref<!tpu.dma_semaphore, #tpu.memory_space<semaphore_mem>>) src(%arg6 : memref<128x8xf32, #tpu.memory_space<vmem>>) dst(%dma_wait3A_75 : memref<10240x8xf32, #tpu.memory_space<vmem_shared>>)
    %barrier3A_76 = arith.constant 0 : index
    tpu.barrier barrier_id(%barrier3A_76)
    "tpu.region"() ({
      %run_scoped3A = tpu.sem_alloc : memref<!tpu.dma_semaphore, #tpu.memory_space<semaphore_mem>>
      %dma_start3A_77 = arith.constant 0 : i32
      %dma_start3A_78 = tpu.memref_slice %arg5[%arg0, %mul3A_0, %dma_start3A_77] : memref<2x10240x8xf32, #tpu.memory_space<hbm>> -> memref<1x640x8xf32, #tpu.memory_space<hbm>>
      %dma_start3A_79 = tpu.memref_squeeze %dma_start3A_78 : memref<1x640x8xf32, #tpu.memory_space<hbm>> -> memref<640x8xf32, #tpu.memory_space<hbm>>
      %dma_start3A_80 = arith.constant 0 : i32
      %dma_start3A_81 = tpu.memref_slice %arg7[%mul3A_0, %dma_start3A_80] : memref<10240x8xf32, #tpu.memory_space<vmem_shared>> -> memref<640x8xf32, #tpu.memory_space<vmem_shared>>
      tpu.enqueue_dma source(%dma_start3A_81 : memref<640x8xf32, #tpu.memory_space<vmem_shared>>) target(%dma_start3A_79 : memref<640x8xf32, #tpu.memory_space<hbm>>) target_semaphore(%run_scoped3A : memref<!tpu.dma_semaphore, #tpu.memory_space<semaphore_mem>>)
      %dma_wait3A_82 = arith.constant 0 : i32
      %dma_wait3A_83 = tpu.memref_slice %arg5[%arg0, %mul3A_0, %dma_wait3A_82] : memref<2x10240x8xf32, #tpu.memory_space<hbm>> -> memref<1x640x8xf32, #tpu.memory_space<hbm>>
      %dma_wait3A_84 = tpu.memref_squeeze %dma_wait3A_83 : memref<1x640x8xf32, #tpu.memory_space<hbm>> -> memref<640x8xf32, #tpu.memory_space<hbm>>
      %dma_wait3A_85 = arith.constant 0 : i32
      %dma_wait3A_86 = tpu.memref_slice %arg7[%mul3A_0, %dma_wait3A_85] : memref<10240x8xf32, #tpu.memory_space<vmem_shared>> -> memref<640x8xf32, #tpu.memory_space<vmem_shared>>
      tpu.wait_dma2 semaphore(%run_scoped3A : memref<!tpu.dma_semaphore, #tpu.memory_space<semaphore_mem>>) src(%dma_wait3A_86 : memref<640x8xf32, #tpu.memory_space<vmem_shared>>) dst(%dma_wait3A_84 : memref<640x8xf32, #tpu.memory_space<hbm>>)
      tpu.yield
    }) : () -> ()
    return
  }
}

#map = affine_map<(d0, d1) -> (0, 0, 0)>
#map1 = affine_map<(d0, d1) -> (0, 0)>
module attributes {stable_mosaic.version = 14 : i64} {
  func.func @_prop_cols_body(%arg0: i32, %arg1: i32, %arg2: memref<2560x2x128xi32, #tpu.memory_space<hbm>>, %arg3: memref<10240x64xf32, #tpu.memory_space<hbm>>, %arg4: memref<10240x64xf32, #tpu.memory_space<hbm>>, %arg5: memref<10240x64xf32, #tpu.memory_space<hbm>>, %arg6: memref<2x10240x64xf32, #tpu.memory_space<hbm>>, %arg7: memref<10240x64xf32, #tpu.memory_space<vmem_shared>>, %arg8: memref<10240x64xf32, #tpu.memory_space<vmem_shared>>, %arg9: memref<2x128xi32, #tpu.memory_space<vmem>>, %arg10: memref<2x128xi32, #tpu.memory_space<vmem>>, %arg11: memref<2x128xi32, #tpu.memory_space<vmem>>, %arg12: memref<2x128xi32, #tpu.memory_space<vmem>>, %arg13: memref<128x64xf32, #tpu.memory_space<vmem>>, %arg14: memref<128x64xf32, #tpu.memory_space<vmem>>, %arg15: memref<!tpu.dma_semaphore, #tpu.memory_space<semaphore_mem>>, %arg16: memref<!tpu.dma_semaphore, #tpu.memory_space<semaphore_mem>>, %arg17: memref<!tpu.dma_semaphore, #tpu.memory_space<semaphore_mem>>, %arg18: memref<!tpu.dma_semaphore, #tpu.memory_space<semaphore_mem>>, %arg19: memref<!tpu.dma_semaphore, #tpu.memory_space<semaphore_mem>>, %arg20: memref<!tpu.dma_semaphore, #tpu.memory_space<semaphore_mem>>) attributes {dimension_semantics = [#tpu.dimension_semantics<core_parallel>, #tpu.dimension_semantics<subcore_parallel>], iteration_bounds = array<i64: 2, 16>, scalar_prefetch = 0 : i64, scratch_operands = 14 : i64, tpu.core_type = #tpu.core_type<sc_vector_subcore>, window_params = [{transform_indices = #map}, {transform_indices = #map1}, {transform_indices = #map1}, {transform_indices = #map1}, {transform_indices = #map}]} {
    %mul3A = arith.constant 640 : i32
    %mul3A_0 = arith.muli %arg1, %mul3A : i32
    %mul3A_1 = arith.constant 160 : i32
    %mul3A_2 = arith.muli %arg1, %mul3A_1 : i32
    %add3A = arith.constant 0 : i32
    %add3A_3 = arith.addi %mul3A_2, %add3A : i32
    %dma_start3A = arith.constant 0 : i32
    %dma_start3A_4 = arith.constant 0 : i32
    %dma_start3A_5 = tpu.memref_slice %arg2[%add3A_3, %dma_start3A, %dma_start3A_4] : memref<2560x2x128xi32, #tpu.memory_space<hbm>> -> memref<1x2x128xi32, #tpu.memory_space<hbm>>
    %dma_start3A_6 = tpu.memref_squeeze %dma_start3A_5 : memref<1x2x128xi32, #tpu.memory_space<hbm>> -> memref<2x128xi32, #tpu.memory_space<hbm>>
    %dma_start3A_7 = arith.constant 0 : i32
    %dma_start3A_8 = arith.constant 0 : i32
    %dma_start3A_9 = tpu.memref_slice %arg2[%add3A_3, %dma_start3A_7, %dma_start3A_8] : memref<2560x2x128xi32, #tpu.memory_space<hbm>> -> memref<1x2x128xi32, #tpu.memory_space<hbm>>
    %dma_start3A_10 = tpu.memref_squeeze %dma_start3A_9 : memref<1x2x128xi32, #tpu.memory_space<hbm>> -> memref<2x128xi32, #tpu.memory_space<hbm>>
    tpu.enqueue_dma source(%dma_start3A_10 : memref<2x128xi32, #tpu.memory_space<hbm>>) target(%arg9 : memref<2x128xi32, #tpu.memory_space<vmem>>) target_semaphore(%arg15 : memref<!tpu.dma_semaphore, #tpu.memory_space<semaphore_mem>>)
    %add3A_11 = arith.constant 1 : i32
    %add3A_12 = arith.addi %mul3A_2, %add3A_11 : i32
    %dma_start3A_13 = arith.constant 0 : i32
    %dma_start3A_14 = arith.constant 0 : i32
    %dma_start3A_15 = tpu.memref_slice %arg2[%add3A_12, %dma_start3A_13, %dma_start3A_14] : memref<2560x2x128xi32, #tpu.memory_space<hbm>> -> memref<1x2x128xi32, #tpu.memory_space<hbm>>
    %dma_start3A_16 = tpu.memref_squeeze %dma_start3A_15 : memref<1x2x128xi32, #tpu.memory_space<hbm>> -> memref<2x128xi32, #tpu.memory_space<hbm>>
    %dma_start3A_17 = arith.constant 0 : i32
    %dma_start3A_18 = arith.constant 0 : i32
    %dma_start3A_19 = tpu.memref_slice %arg2[%add3A_12, %dma_start3A_17, %dma_start3A_18] : memref<2560x2x128xi32, #tpu.memory_space<hbm>> -> memref<1x2x128xi32, #tpu.memory_space<hbm>>
    %dma_start3A_20 = tpu.memref_squeeze %dma_start3A_19 : memref<1x2x128xi32, #tpu.memory_space<hbm>> -> memref<2x128xi32, #tpu.memory_space<hbm>>
    tpu.enqueue_dma source(%dma_start3A_20 : memref<2x128xi32, #tpu.memory_space<hbm>>) target(%arg10 : memref<2x128xi32, #tpu.memory_space<vmem>>) target_semaphore(%arg16 : memref<!tpu.dma_semaphore, #tpu.memory_space<semaphore_mem>>)
    %add3A_21 = arith.constant 2 : i32
    %add3A_22 = arith.addi %mul3A_2, %add3A_21 : i32
    %dma_start3A_23 = arith.constant 0 : i32
    %dma_start3A_24 = arith.constant 0 : i32
    %dma_start3A_25 = tpu.memref_slice %arg2[%add3A_22, %dma_start3A_23, %dma_start3A_24] : memref<2560x2x128xi32, #tpu.memory_space<hbm>> -> memref<1x2x128xi32, #tpu.memory_space<hbm>>
    %dma_start3A_26 = tpu.memref_squeeze %dma_start3A_25 : memref<1x2x128xi32, #tpu.memory_space<hbm>> -> memref<2x128xi32, #tpu.memory_space<hbm>>
    %dma_start3A_27 = arith.constant 0 : i32
    %dma_start3A_28 = arith.constant 0 : i32
    %dma_start3A_29 = tpu.memref_slice %arg2[%add3A_22, %dma_start3A_27, %dma_start3A_28] : memref<2560x2x128xi32, #tpu.memory_space<hbm>> -> memref<1x2x128xi32, #tpu.memory_space<hbm>>
    %dma_start3A_30 = tpu.memref_squeeze %dma_start3A_29 : memref<1x2x128xi32, #tpu.memory_space<hbm>> -> memref<2x128xi32, #tpu.memory_space<hbm>>
    tpu.enqueue_dma source(%dma_start3A_30 : memref<2x128xi32, #tpu.memory_space<hbm>>) target(%arg11 : memref<2x128xi32, #tpu.memory_space<vmem>>) target_semaphore(%arg17 : memref<!tpu.dma_semaphore, #tpu.memory_space<semaphore_mem>>)
    %eq3A = arith.constant 0 : i32
    %eq3A_31 = arith.cmpi eq, %arg0, %eq3A : i32
    %convert_element_type3A = arith.extui %eq3A_31 : i1 to i32
    %cond3A = arith.constant 0 : i32
    %cond3A_32 = arith.cmpi ne, %convert_element_type3A, %cond3A : i32
    scf.if %cond3A_32 {
      "tpu.region"() ({
        %run_scoped3A = tpu.sem_alloc : memref<!tpu.dma_semaphore, #tpu.memory_space<semaphore_mem>>
        %dma_start3A_58 = arith.constant 0 : i32
        %dma_start3A_59 = tpu.memref_slice %arg7[%mul3A_0, %dma_start3A_58] : memref<10240x64xf32, #tpu.memory_space<vmem_shared>> -> memref<640x64xf32, #tpu.memory_space<vmem_shared>>
        %dma_start3A_60 = arith.constant 0 : i32
        %dma_start3A_61 = tpu.memref_slice %arg3[%mul3A_0, %dma_start3A_60] : memref<10240x64xf32, #tpu.memory_space<hbm>> -> memref<640x64xf32, #tpu.memory_space<hbm>>
        tpu.enqueue_dma source(%dma_start3A_61 : memref<640x64xf32, #tpu.memory_space<hbm>>) target(%dma_start3A_59 : memref<640x64xf32, #tpu.memory_space<vmem_shared>>) target_semaphore(%run_scoped3A : memref<!tpu.dma_semaphore, #tpu.memory_space<semaphore_mem>>)
        %dma_wait3A_62 = arith.constant 0 : i32
        %dma_wait3A_63 = tpu.memref_slice %arg7[%mul3A_0, %dma_wait3A_62] : memref<10240x64xf32, #tpu.memory_space<vmem_shared>> -> memref<640x64xf32, #tpu.memory_space<vmem_shared>>
        %dma_wait3A_64 = arith.constant 0 : i32
        %dma_wait3A_65 = tpu.memref_slice %arg3[%mul3A_0, %dma_wait3A_64] : memref<10240x64xf32, #tpu.memory_space<hbm>> -> memref<640x64xf32, #tpu.memory_space<hbm>>
        tpu.wait_dma2 semaphore(%run_scoped3A : memref<!tpu.dma_semaphore, #tpu.memory_space<semaphore_mem>>) src(%dma_wait3A_65 : memref<640x64xf32, #tpu.memory_space<hbm>>) dst(%dma_wait3A_63 : memref<640x64xf32, #tpu.memory_space<vmem_shared>>)
        tpu.yield
      }) : () -> ()
    } else {
    }
    %eq3A_33 = arith.constant 1 : i32
    %eq3A_34 = arith.cmpi eq, %arg0, %eq3A_33 : i32
    %convert_element_type3A_35 = arith.extui %eq3A_34 : i1 to i32
    %cond3A_36 = arith.constant 0 : i32
    %cond3A_37 = arith.cmpi ne, %convert_element_type3A_35, %cond3A_36 : i32
    scf.if %cond3A_37 {
      "tpu.region"() ({
        %run_scoped3A = tpu.sem_alloc : memref<!tpu.dma_semaphore, #tpu.memory_space<semaphore_mem>>
        %dma_start3A_58 = arith.constant 0 : i32
        %dma_start3A_59 = tpu.memref_slice %arg7[%mul3A_0, %dma_start3A_58] : memref<10240x64xf32, #tpu.memory_space<vmem_shared>> -> memref<640x64xf32, #tpu.memory_space<vmem_shared>>
        %dma_start3A_60 = arith.constant 0 : i32
        %dma_start3A_61 = tpu.memref_slice %arg4[%mul3A_0, %dma_start3A_60] : memref<10240x64xf32, #tpu.memory_space<hbm>> -> memref<640x64xf32, #tpu.memory_space<hbm>>
        tpu.enqueue_dma source(%dma_start3A_61 : memref<640x64xf32, #tpu.memory_space<hbm>>) target(%dma_start3A_59 : memref<640x64xf32, #tpu.memory_space<vmem_shared>>) target_semaphore(%run_scoped3A : memref<!tpu.dma_semaphore, #tpu.memory_space<semaphore_mem>>)
        %dma_wait3A_62 = arith.constant 0 : i32
        %dma_wait3A_63 = tpu.memref_slice %arg7[%mul3A_0, %dma_wait3A_62] : memref<10240x64xf32, #tpu.memory_space<vmem_shared>> -> memref<640x64xf32, #tpu.memory_space<vmem_shared>>
        %dma_wait3A_64 = arith.constant 0 : i32
        %dma_wait3A_65 = tpu.memref_slice %arg4[%mul3A_0, %dma_wait3A_64] : memref<10240x64xf32, #tpu.memory_space<hbm>> -> memref<640x64xf32, #tpu.memory_space<hbm>>
        tpu.wait_dma2 semaphore(%run_scoped3A : memref<!tpu.dma_semaphore, #tpu.memory_space<semaphore_mem>>) src(%dma_wait3A_65 : memref<640x64xf32, #tpu.memory_space<hbm>>) dst(%dma_wait3A_63 : memref<640x64xf32, #tpu.memory_space<vmem_shared>>)
        tpu.yield
      }) : () -> ()
    } else {
    }
    "tpu.region"() ({
      %run_scoped3A = tpu.sem_alloc : memref<!tpu.dma_semaphore, #tpu.memory_space<semaphore_mem>>
      %dma_start3A_58 = arith.constant 0 : i32
      %dma_start3A_59 = tpu.memref_slice %arg8[%mul3A_0, %dma_start3A_58] : memref<10240x64xf32, #tpu.memory_space<vmem_shared>> -> memref<640x64xf32, #tpu.memory_space<vmem_shared>>
      %dma_start3A_60 = arith.constant 0 : i32
      %dma_start3A_61 = tpu.memref_slice %arg5[%mul3A_0, %dma_start3A_60] : memref<10240x64xf32, #tpu.memory_space<hbm>> -> memref<640x64xf32, #tpu.memory_space<hbm>>
      tpu.enqueue_dma source(%dma_start3A_61 : memref<640x64xf32, #tpu.memory_space<hbm>>) target(%dma_start3A_59 : memref<640x64xf32, #tpu.memory_space<vmem_shared>>) target_semaphore(%run_scoped3A : memref<!tpu.dma_semaphore, #tpu.memory_space<semaphore_mem>>)
      %dma_wait3A_62 = arith.constant 0 : i32
      %dma_wait3A_63 = tpu.memref_slice %arg8[%mul3A_0, %dma_wait3A_62] : memref<10240x64xf32, #tpu.memory_space<vmem_shared>> -> memref<640x64xf32, #tpu.memory_space<vmem_shared>>
      %dma_wait3A_64 = arith.constant 0 : i32
      %dma_wait3A_65 = tpu.memref_slice %arg5[%mul3A_0, %dma_wait3A_64] : memref<10240x64xf32, #tpu.memory_space<hbm>> -> memref<640x64xf32, #tpu.memory_space<hbm>>
      tpu.wait_dma2 semaphore(%run_scoped3A : memref<!tpu.dma_semaphore, #tpu.memory_space<semaphore_mem>>) src(%dma_wait3A_65 : memref<640x64xf32, #tpu.memory_space<hbm>>) dst(%dma_wait3A_63 : memref<640x64xf32, #tpu.memory_space<vmem_shared>>)
      tpu.yield
    }) : () -> ()
    %dma_wait3A = arith.constant 0 : i32
    %dma_wait3A_38 = arith.constant 0 : i32
    %dma_wait3A_39 = tpu.memref_slice %arg2[%mul3A_2, %dma_wait3A, %dma_wait3A_38] : memref<2560x2x128xi32, #tpu.memory_space<hbm>> -> memref<1x2x128xi32, #tpu.memory_space<hbm>>
    %dma_wait3A_40 = tpu.memref_squeeze %dma_wait3A_39 : memref<1x2x128xi32, #tpu.memory_space<hbm>> -> memref<2x128xi32, #tpu.memory_space<hbm>>
    %dma_wait3A_41 = arith.constant 0 : i32
    %dma_wait3A_42 = arith.constant 0 : i32
    %dma_wait3A_43 = tpu.memref_slice %arg2[%mul3A_2, %dma_wait3A_41, %dma_wait3A_42] : memref<2560x2x128xi32, #tpu.memory_space<hbm>> -> memref<1x2x128xi32, #tpu.memory_space<hbm>>
    %dma_wait3A_44 = tpu.memref_squeeze %dma_wait3A_43 : memref<1x2x128xi32, #tpu.memory_space<hbm>> -> memref<2x128xi32, #tpu.memory_space<hbm>>
    tpu.wait_dma2 semaphore(%arg15 : memref<!tpu.dma_semaphore, #tpu.memory_space<semaphore_mem>>) src(%dma_wait3A_44 : memref<2x128xi32, #tpu.memory_space<hbm>>) dst(%arg9 : memref<2x128xi32, #tpu.memory_space<vmem>>)
    %barrier3A = arith.constant 0 : index
    tpu.barrier barrier_id(%barrier3A)
    %dma_start3A_45 = arith.constant 0 : i32
    %dma_start3A_46 = arith.constant 0 : i32
    %dma_start3A_47 = tpu.memref_slice %arg9[%dma_start3A_45, %dma_start3A_46] : memref<2x128xi32, #tpu.memory_space<vmem>> -> memref<1x128xi32, #tpu.memory_space<vmem>>
    %dma_start3A_48 = tpu.memref_squeeze %dma_start3A_47 : memref<1x128xi32, #tpu.memory_space<vmem>> -> memref<128xi32, #tpu.memory_space<vmem>>
    %dma_start3A_49 = arith.constant 0 : i32
    %dma_start3A_50 = arith.constant 0 : i32
    %dma_start3A_51 = tpu.memref_slice %arg7[%dma_start3A_49, %dma_start3A_50] : memref<10240x64xf32, #tpu.memory_space<vmem_shared>> -> memref<10240x64xf32, #tpu.memory_space<vmem_shared>>
    tpu.enqueue_indirect_dma source(%dma_start3A_51 : memref<10240x64xf32, #tpu.memory_space<vmem_shared>>) target(%arg13 : memref<128x64xf32, #tpu.memory_space<vmem>>) offsets(%dma_start3A_48 : memref<128xi32, #tpu.memory_space<vmem>>) semaphore(%arg19 : memref<!tpu.dma_semaphore, #tpu.memory_space<semaphore_mem>>)
    %scan3A = arith.constant 0 : i32
    %scan3A_52 = arith.constant 0 : i32
    %scan3A_53 = arith.constant 40 : i32
    %scan3A_54 = arith.addi %scan3A_52, %scan3A_53 : i32
    %scan3A_55 = arith.constant 1 : i32
    scf.for %scan3A_58 = %scan3A_52 to %scan3A_54 step %scan3A_55  : i32 {
      %mul3A_59 = arith.constant 4 : i32
      %mul3A_60 = arith.muli %scan3A_58, %mul3A_59 : i32
      %add3A_61 = arith.constant 0 : i32
      %add3A_62 = arith.addi %mul3A_60, %add3A_61 : i32
      %dma_wait3A_63 = arith.constant 0 : i32
      %dma_wait3A_64 = arith.constant 0 : i32
      %dma_wait3A_65 = tpu.memref_slice %arg9[%dma_wait3A_63, %dma_wait3A_64] : memref<2x128xi32, #tpu.memory_space<vmem>> -> memref<1x128xi32, #tpu.memory_space<vmem>>
      %dma_wait3A_66 = tpu.memref_squeeze %dma_wait3A_65 : memref<1x128xi32, #tpu.memory_space<vmem>> -> memref<128xi32, #tpu.memory_space<vmem>>
      %dma_wait3A_67 = arith.constant 0 : i32
      %dma_wait3A_68 = arith.constant 0 : i32
      %dma_wait3A_69 = tpu.memref_slice %arg7[%dma_wait3A_67, %dma_wait3A_68] : memref<10240x64xf32, #tpu.memory_space<vmem_shared>> -> memref<10240x64xf32, #tpu.memory_space<vmem_shared>>
      tpu.wait_indirect_dma semaphore(%arg19 : memref<!tpu.dma_semaphore, #tpu.memory_space<semaphore_mem>>) src(%dma_wait3A_69 : memref<10240x64xf32, #tpu.memory_space<vmem_shared>>) dst(%arg13 : memref<128x64xf32, #tpu.memory_space<vmem>>)
      %add3A_70 = arith.constant 1 : i32
      %add3A_71 = arith.addi %add3A_62, %add3A_70 : i32
      %lt3A = arith.constant 160 : i32
      %lt3A_72 = arith.cmpi slt, %add3A_71, %lt3A : i32
      %convert_element_type3A_73 = arith.extui %lt3A_72 : i1 to i32
      %cond3A_74 = arith.constant 0 : i32
      %cond3A_75 = arith.cmpi ne, %convert_element_type3A_73, %cond3A_74 : i32
      scf.if %cond3A_75 {
        %dma_wait3A_161 = arith.constant 0 : i32
        %dma_wait3A_162 = arith.constant 0 : i32
        %dma_wait3A_163 = tpu.memref_slice %arg2[%mul3A_2, %dma_wait3A_161, %dma_wait3A_162] : memref<2560x2x128xi32, #tpu.memory_space<hbm>> -> memref<1x2x128xi32, #tpu.memory_space<hbm>>
        %dma_wait3A_164 = tpu.memref_squeeze %dma_wait3A_163 : memref<1x2x128xi32, #tpu.memory_space<hbm>> -> memref<2x128xi32, #tpu.memory_space<hbm>>
        %dma_wait3A_165 = arith.constant 0 : i32
        %dma_wait3A_166 = arith.constant 0 : i32
        %dma_wait3A_167 = tpu.memref_slice %arg2[%mul3A_2, %dma_wait3A_165, %dma_wait3A_166] : memref<2560x2x128xi32, #tpu.memory_space<hbm>> -> memref<1x2x128xi32, #tpu.memory_space<hbm>>
        %dma_wait3A_168 = tpu.memref_squeeze %dma_wait3A_167 : memref<1x2x128xi32, #tpu.memory_space<hbm>> -> memref<2x128xi32, #tpu.memory_space<hbm>>
        tpu.wait_dma2 semaphore(%arg16 : memref<!tpu.dma_semaphore, #tpu.memory_space<semaphore_mem>>) src(%dma_wait3A_168 : memref<2x128xi32, #tpu.memory_space<hbm>>) dst(%arg10 : memref<2x128xi32, #tpu.memory_space<vmem>>)
        %dma_start3A_169 = arith.constant 0 : i32
        %dma_start3A_170 = arith.constant 0 : i32
        %dma_start3A_171 = tpu.memref_slice %arg10[%dma_start3A_169, %dma_start3A_170] : memref<2x128xi32, #tpu.memory_space<vmem>> -> memref<1x128xi32, #tpu.memory_space<vmem>>
        %dma_start3A_172 = tpu.memref_squeeze %dma_start3A_171 : memref<1x128xi32, #tpu.memory_space<vmem>> -> memref<128xi32, #tpu.memory_space<vmem>>
        %dma_start3A_173 = arith.constant 0 : i32
        %dma_start3A_174 = arith.constant 0 : i32
        %dma_start3A_175 = tpu.memref_slice %arg7[%dma_start3A_173, %dma_start3A_174] : memref<10240x64xf32, #tpu.memory_space<vmem_shared>> -> memref<10240x64xf32, #tpu.memory_space<vmem_shared>>
        tpu.enqueue_indirect_dma source(%dma_start3A_175 : memref<10240x64xf32, #tpu.memory_space<vmem_shared>>) target(%arg14 : memref<128x64xf32, #tpu.memory_space<vmem>>) offsets(%dma_start3A_172 : memref<128xi32, #tpu.memory_space<vmem>>) semaphore(%arg20 : memref<!tpu.dma_semaphore, #tpu.memory_space<semaphore_mem>>)
      } else {
      }
      %run_scoped3A = arith.constant 1 : i32
      "tpu.region"() ({
        %run_scoped3A_161 = tpu.sem_alloc : memref<!tpu.dma_semaphore, #tpu.memory_space<semaphore_mem>>
        %dma_start3A_162 = arith.constant 0 : i32
        %dma_start3A_163 = tpu.memref_slice %arg9[%run_scoped3A, %dma_start3A_162] : memref<2x128xi32, #tpu.memory_space<vmem>> -> memref<1x128xi32, #tpu.memory_space<vmem>>
        %dma_start3A_164 = tpu.memref_squeeze %dma_start3A_163 : memref<1x128xi32, #tpu.memory_space<vmem>> -> memref<128xi32, #tpu.memory_space<vmem>>
        %dma_start3A_165 = arith.constant 0 : i32
        %dma_start3A_166 = arith.constant 0 : i32
        %dma_start3A_167 = tpu.memref_slice %arg8[%dma_start3A_165, %dma_start3A_166] : memref<10240x64xf32, #tpu.memory_space<vmem_shared>> -> memref<10240x64xf32, #tpu.memory_space<vmem_shared>>
        tpu.enqueue_indirect_dma source(%arg13 : memref<128x64xf32, #tpu.memory_space<vmem>>) target(%dma_start3A_167 : memref<10240x64xf32, #tpu.memory_space<vmem_shared>>) offsets(%dma_start3A_164 : memref<128xi32, #tpu.memory_space<vmem>>) semaphore(%run_scoped3A_161 : memref<!tpu.dma_semaphore, #tpu.memory_space<semaphore_mem>>) {add = true}
        %dma_wait3A_168 = arith.constant 0 : i32
        %dma_wait3A_169 = tpu.memref_slice %arg9[%run_scoped3A, %dma_wait3A_168] : memref<2x128xi32, #tpu.memory_space<vmem>> -> memref<1x128xi32, #tpu.memory_space<vmem>>
        %dma_wait3A_170 = tpu.memref_squeeze %dma_wait3A_169 : memref<1x128xi32, #tpu.memory_space<vmem>> -> memref<128xi32, #tpu.memory_space<vmem>>
        %dma_wait3A_171 = arith.constant 0 : i32
        %dma_wait3A_172 = arith.constant 0 : i32
        %dma_wait3A_173 = tpu.memref_slice %arg8[%dma_wait3A_171, %dma_wait3A_172] : memref<10240x64xf32, #tpu.memory_space<vmem_shared>> -> memref<10240x64xf32, #tpu.memory_space<vmem_shared>>
        tpu.wait_indirect_dma semaphore(%run_scoped3A_161 : memref<!tpu.dma_semaphore, #tpu.memory_space<semaphore_mem>>) src(%arg13 : memref<128x64xf32, #tpu.memory_space<vmem>>) dst(%dma_wait3A_173 : memref<10240x64xf32, #tpu.memory_space<vmem_shared>>)
        tpu.yield
      }) : () -> ()
      %add3A_76 = arith.constant 3 : i32
      %add3A_77 = arith.addi %add3A_62, %add3A_76 : i32
      %lt3A_78 = arith.constant 160 : i32
      %lt3A_79 = arith.cmpi slt, %add3A_77, %lt3A_78 : i32
      %convert_element_type3A_80 = arith.extui %lt3A_79 : i1 to i32
      %cond3A_81 = arith.constant 0 : i32
      %cond3A_82 = arith.cmpi ne, %convert_element_type3A_80, %cond3A_81 : i32
      scf.if %cond3A_82 {
        %add3A_161 = arith.addi %mul3A_2, %add3A_62 : i32
        %add3A_162 = arith.constant 3 : i32
        %add3A_163 = arith.addi %add3A_161, %add3A_162 : i32
        %dma_start3A_164 = arith.constant 0 : i32
        %dma_start3A_165 = arith.constant 0 : i32
        %dma_start3A_166 = tpu.memref_slice %arg2[%add3A_163, %dma_start3A_164, %dma_start3A_165] : memref<2560x2x128xi32, #tpu.memory_space<hbm>> -> memref<1x2x128xi32, #tpu.memory_space<hbm>>
        %dma_start3A_167 = tpu.memref_squeeze %dma_start3A_166 : memref<1x2x128xi32, #tpu.memory_space<hbm>> -> memref<2x128xi32, #tpu.memory_space<hbm>>
        %dma_start3A_168 = arith.constant 0 : i32
        %dma_start3A_169 = arith.constant 0 : i32
        %dma_start3A_170 = tpu.memref_slice %arg2[%add3A_163, %dma_start3A_168, %dma_start3A_169] : memref<2560x2x128xi32, #tpu.memory_space<hbm>> -> memref<1x2x128xi32, #tpu.memory_space<hbm>>
        %dma_start3A_171 = tpu.memref_squeeze %dma_start3A_170 : memref<1x2x128xi32, #tpu.memory_space<hbm>> -> memref<2x128xi32, #tpu.memory_space<hbm>>
        tpu.enqueue_dma source(%dma_start3A_171 : memref<2x128xi32, #tpu.memory_space<hbm>>) target(%arg12 : memref<2x128xi32, #tpu.memory_space<vmem>>) target_semaphore(%arg18 : memref<!tpu.dma_semaphore, #tpu.memory_space<semaphore_mem>>)
      } else {
      }
      %mul3A_83 = arith.constant 4 : i32
      %mul3A_84 = arith.muli %scan3A_58, %mul3A_83 : i32
      %add3A_85 = arith.constant 1 : i32
      %add3A_86 = arith.addi %mul3A_84, %add3A_85 : i32
      %dma_wait3A_87 = arith.constant 0 : i32
      %dma_wait3A_88 = arith.constant 0 : i32
      %dma_wait3A_89 = tpu.memref_slice %arg10[%dma_wait3A_87, %dma_wait3A_88] : memref<2x128xi32, #tpu.memory_space<vmem>> -> memref<1x128xi32, #tpu.memory_space<vmem>>
      %dma_wait3A_90 = tpu.memref_squeeze %dma_wait3A_89 : memref<1x128xi32, #tpu.memory_space<vmem>> -> memref<128xi32, #tpu.memory_space<vmem>>
      %dma_wait3A_91 = arith.constant 0 : i32
      %dma_wait3A_92 = arith.constant 0 : i32
      %dma_wait3A_93 = tpu.memref_slice %arg7[%dma_wait3A_91, %dma_wait3A_92] : memref<10240x64xf32, #tpu.memory_space<vmem_shared>> -> memref<10240x64xf32, #tpu.memory_space<vmem_shared>>
      tpu.wait_indirect_dma semaphore(%arg20 : memref<!tpu.dma_semaphore, #tpu.memory_space<semaphore_mem>>) src(%dma_wait3A_93 : memref<10240x64xf32, #tpu.memory_space<vmem_shared>>) dst(%arg14 : memref<128x64xf32, #tpu.memory_space<vmem>>)
      %add3A_94 = arith.constant 1 : i32
      %add3A_95 = arith.addi %add3A_86, %add3A_94 : i32
      %lt3A_96 = arith.constant 160 : i32
      %lt3A_97 = arith.cmpi slt, %add3A_95, %lt3A_96 : i32
      %convert_element_type3A_98 = arith.extui %lt3A_97 : i1 to i32
      %cond3A_99 = arith.constant 0 : i32
      %cond3A_100 = arith.cmpi ne, %convert_element_type3A_98, %cond3A_99 : i32
      scf.if %cond3A_100 {
        %dma_wait3A_161 = arith.constant 0 : i32
        %dma_wait3A_162 = arith.constant 0 : i32
        %dma_wait3A_163 = tpu.memref_slice %arg2[%mul3A_2, %dma_wait3A_161, %dma_wait3A_162] : memref<2560x2x128xi32, #tpu.memory_space<hbm>> -> memref<1x2x128xi32, #tpu.memory_space<hbm>>
        %dma_wait3A_164 = tpu.memref_squeeze %dma_wait3A_163 : memref<1x2x128xi32, #tpu.memory_space<hbm>> -> memref<2x128xi32, #tpu.memory_space<hbm>>
        %dma_wait3A_165 = arith.constant 0 : i32
        %dma_wait3A_166 = arith.constant 0 : i32
        %dma_wait3A_167 = tpu.memref_slice %arg2[%mul3A_2, %dma_wait3A_165, %dma_wait3A_166] : memref<2560x2x128xi32, #tpu.memory_space<hbm>> -> memref<1x2x128xi32, #tpu.memory_space<hbm>>
        %dma_wait3A_168 = tpu.memref_squeeze %dma_wait3A_167 : memref<1x2x128xi32, #tpu.memory_space<hbm>> -> memref<2x128xi32, #tpu.memory_space<hbm>>
        tpu.wait_dma2 semaphore(%arg17 : memref<!tpu.dma_semaphore, #tpu.memory_space<semaphore_mem>>) src(%dma_wait3A_168 : memref<2x128xi32, #tpu.memory_space<hbm>>) dst(%arg11 : memref<2x128xi32, #tpu.memory_space<vmem>>)
        %dma_start3A_169 = arith.constant 0 : i32
        %dma_start3A_170 = arith.constant 0 : i32
        %dma_start3A_171 = tpu.memref_slice %arg11[%dma_start3A_169, %dma_start3A_170] : memref<2x128xi32, #tpu.memory_space<vmem>> -> memref<1x128xi32, #tpu.memory_space<vmem>>
        %dma_start3A_172 = tpu.memref_squeeze %dma_start3A_171 : memref<1x128xi32, #tpu.memory_space<vmem>> -> memref<128xi32, #tpu.memory_space<vmem>>
        %dma_start3A_173 = arith.constant 0 : i32
        %dma_start3A_174 = arith.constant 0 : i32
        %dma_start3A_175 = tpu.memref_slice %arg7[%dma_start3A_173, %dma_start3A_174] : memref<10240x64xf32, #tpu.memory_space<vmem_shared>> -> memref<10240x64xf32, #tpu.memory_space<vmem_shared>>
        tpu.enqueue_indirect_dma source(%dma_start3A_175 : memref<10240x64xf32, #tpu.memory_space<vmem_shared>>) target(%arg13 : memref<128x64xf32, #tpu.memory_space<vmem>>) offsets(%dma_start3A_172 : memref<128xi32, #tpu.memory_space<vmem>>) semaphore(%arg19 : memref<!tpu.dma_semaphore, #tpu.memory_space<semaphore_mem>>)
      } else {
      }
      %run_scoped3A_101 = arith.constant 1 : i32
      "tpu.region"() ({
        %run_scoped3A_161 = tpu.sem_alloc : memref<!tpu.dma_semaphore, #tpu.memory_space<semaphore_mem>>
        %dma_start3A_162 = arith.constant 0 : i32
        %dma_start3A_163 = tpu.memref_slice %arg10[%run_scoped3A_101, %dma_start3A_162] : memref<2x128xi32, #tpu.memory_space<vmem>> -> memref<1x128xi32, #tpu.memory_space<vmem>>
        %dma_start3A_164 = tpu.memref_squeeze %dma_start3A_163 : memref<1x128xi32, #tpu.memory_space<vmem>> -> memref<128xi32, #tpu.memory_space<vmem>>
        %dma_start3A_165 = arith.constant 0 : i32
        %dma_start3A_166 = arith.constant 0 : i32
        %dma_start3A_167 = tpu.memref_slice %arg8[%dma_start3A_165, %dma_start3A_166] : memref<10240x64xf32, #tpu.memory_space<vmem_shared>> -> memref<10240x64xf32, #tpu.memory_space<vmem_shared>>
        tpu.enqueue_indirect_dma source(%arg14 : memref<128x64xf32, #tpu.memory_space<vmem>>) target(%dma_start3A_167 : memref<10240x64xf32, #tpu.memory_space<vmem_shared>>) offsets(%dma_start3A_164 : memref<128xi32, #tpu.memory_space<vmem>>) semaphore(%run_scoped3A_161 : memref<!tpu.dma_semaphore, #tpu.memory_space<semaphore_mem>>) {add = true}
        %dma_wait3A_168 = arith.constant 0 : i32
        %dma_wait3A_169 = tpu.memref_slice %arg10[%run_scoped3A_101, %dma_wait3A_168] : memref<2x128xi32, #tpu.memory_space<vmem>> -> memref<1x128xi32, #tpu.memory_space<vmem>>
        %dma_wait3A_170 = tpu.memref_squeeze %dma_wait3A_169 : memref<1x128xi32, #tpu.memory_space<vmem>> -> memref<128xi32, #tpu.memory_space<vmem>>
        %dma_wait3A_171 = arith.constant 0 : i32
        %dma_wait3A_172 = arith.constant 0 : i32
        %dma_wait3A_173 = tpu.memref_slice %arg8[%dma_wait3A_171, %dma_wait3A_172] : memref<10240x64xf32, #tpu.memory_space<vmem_shared>> -> memref<10240x64xf32, #tpu.memory_space<vmem_shared>>
        tpu.wait_indirect_dma semaphore(%run_scoped3A_161 : memref<!tpu.dma_semaphore, #tpu.memory_space<semaphore_mem>>) src(%arg14 : memref<128x64xf32, #tpu.memory_space<vmem>>) dst(%dma_wait3A_173 : memref<10240x64xf32, #tpu.memory_space<vmem_shared>>)
        tpu.yield
      }) : () -> ()
      %add3A_102 = arith.constant 3 : i32
      %add3A_103 = arith.addi %add3A_86, %add3A_102 : i32
      %lt3A_104 = arith.constant 160 : i32
      %lt3A_105 = arith.cmpi slt, %add3A_103, %lt3A_104 : i32
      %convert_element_type3A_106 = arith.extui %lt3A_105 : i1 to i32
      %cond3A_107 = arith.constant 0 : i32
      %cond3A_108 = arith.cmpi ne, %convert_element_type3A_106, %cond3A_107 : i32
      scf.if %cond3A_108 {
        %add3A_161 = arith.addi %mul3A_2, %add3A_86 : i32
        %add3A_162 = arith.constant 3 : i32
        %add3A_163 = arith.addi %add3A_161, %add3A_162 : i32
        %dma_start3A_164 = arith.constant 0 : i32
        %dma_start3A_165 = arith.constant 0 : i32
        %dma_start3A_166 = tpu.memref_slice %arg2[%add3A_163, %dma_start3A_164, %dma_start3A_165] : memref<2560x2x128xi32, #tpu.memory_space<hbm>> -> memref<1x2x128xi32, #tpu.memory_space<hbm>>
        %dma_start3A_167 = tpu.memref_squeeze %dma_start3A_166 : memref<1x2x128xi32, #tpu.memory_space<hbm>> -> memref<2x128xi32, #tpu.memory_space<hbm>>
        %dma_start3A_168 = arith.constant 0 : i32
        %dma_start3A_169 = arith.constant 0 : i32
        %dma_start3A_170 = tpu.memref_slice %arg2[%add3A_163, %dma_start3A_168, %dma_start3A_169] : memref<2560x2x128xi32, #tpu.memory_space<hbm>> -> memref<1x2x128xi32, #tpu.memory_space<hbm>>
        %dma_start3A_171 = tpu.memref_squeeze %dma_start3A_170 : memref<1x2x128xi32, #tpu.memory_space<hbm>> -> memref<2x128xi32, #tpu.memory_space<hbm>>
        tpu.enqueue_dma source(%dma_start3A_171 : memref<2x128xi32, #tpu.memory_space<hbm>>) target(%arg9 : memref<2x128xi32, #tpu.memory_space<vmem>>) target_semaphore(%arg15 : memref<!tpu.dma_semaphore, #tpu.memory_space<semaphore_mem>>)
      } else {
      }
      %mul3A_109 = arith.constant 4 : i32
      %mul3A_110 = arith.muli %scan3A_58, %mul3A_109 : i32
      %add3A_111 = arith.constant 2 : i32
      %add3A_112 = arith.addi %mul3A_110, %add3A_111 : i32
      %dma_wait3A_113 = arith.constant 0 : i32
      %dma_wait3A_114 = arith.constant 0 : i32
      %dma_wait3A_115 = tpu.memref_slice %arg11[%dma_wait3A_113, %dma_wait3A_114] : memref<2x128xi32, #tpu.memory_space<vmem>> -> memref<1x128xi32, #tpu.memory_space<vmem>>
      %dma_wait3A_116 = tpu.memref_squeeze %dma_wait3A_115 : memref<1x128xi32, #tpu.memory_space<vmem>> -> memref<128xi32, #tpu.memory_space<vmem>>
      %dma_wait3A_117 = arith.constant 0 : i32
      %dma_wait3A_118 = arith.constant 0 : i32
      %dma_wait3A_119 = tpu.memref_slice %arg7[%dma_wait3A_117, %dma_wait3A_118] : memref<10240x64xf32, #tpu.memory_space<vmem_shared>> -> memref<10240x64xf32, #tpu.memory_space<vmem_shared>>
      tpu.wait_indirect_dma semaphore(%arg19 : memref<!tpu.dma_semaphore, #tpu.memory_space<semaphore_mem>>) src(%dma_wait3A_119 : memref<10240x64xf32, #tpu.memory_space<vmem_shared>>) dst(%arg13 : memref<128x64xf32, #tpu.memory_space<vmem>>)
      %add3A_120 = arith.constant 1 : i32
      %add3A_121 = arith.addi %add3A_112, %add3A_120 : i32
      %lt3A_122 = arith.constant 160 : i32
      %lt3A_123 = arith.cmpi slt, %add3A_121, %lt3A_122 : i32
      %convert_element_type3A_124 = arith.extui %lt3A_123 : i1 to i32
      %cond3A_125 = arith.constant 0 : i32
      %cond3A_126 = arith.cmpi ne, %convert_element_type3A_124, %cond3A_125 : i32
      scf.if %cond3A_126 {
        %dma_wait3A_161 = arith.constant 0 : i32
        %dma_wait3A_162 = arith.constant 0 : i32
        %dma_wait3A_163 = tpu.memref_slice %arg2[%mul3A_2, %dma_wait3A_161, %dma_wait3A_162] : memref<2560x2x128xi32, #tpu.memory_space<hbm>> -> memref<1x2x128xi32, #tpu.memory_space<hbm>>
        %dma_wait3A_164 = tpu.memref_squeeze %dma_wait3A_163 : memref<1x2x128xi32, #tpu.memory_space<hbm>> -> memref<2x128xi32, #tpu.memory_space<hbm>>
        %dma_wait3A_165 = arith.constant 0 : i32
        %dma_wait3A_166 = arith.constant 0 : i32
        %dma_wait3A_167 = tpu.memref_slice %arg2[%mul3A_2, %dma_wait3A_165, %dma_wait3A_166] : memref<2560x2x128xi32, #tpu.memory_space<hbm>> -> memref<1x2x128xi32, #tpu.memory_space<hbm>>
        %dma_wait3A_168 = tpu.memref_squeeze %dma_wait3A_167 : memref<1x2x128xi32, #tpu.memory_space<hbm>> -> memref<2x128xi32, #tpu.memory_space<hbm>>
        tpu.wait_dma2 semaphore(%arg18 : memref<!tpu.dma_semaphore, #tpu.memory_space<semaphore_mem>>) src(%dma_wait3A_168 : memref<2x128xi32, #tpu.memory_space<hbm>>) dst(%arg12 : memref<2x128xi32, #tpu.memory_space<vmem>>)
        %dma_start3A_169 = arith.constant 0 : i32
        %dma_start3A_170 = arith.constant 0 : i32
        %dma_start3A_171 = tpu.memref_slice %arg12[%dma_start3A_169, %dma_start3A_170] : memref<2x128xi32, #tpu.memory_space<vmem>> -> memref<1x128xi32, #tpu.memory_space<vmem>>
        %dma_start3A_172 = tpu.memref_squeeze %dma_start3A_171 : memref<1x128xi32, #tpu.memory_space<vmem>> -> memref<128xi32, #tpu.memory_space<vmem>>
        %dma_start3A_173 = arith.constant 0 : i32
        %dma_start3A_174 = arith.constant 0 : i32
        %dma_start3A_175 = tpu.memref_slice %arg7[%dma_start3A_173, %dma_start3A_174] : memref<10240x64xf32, #tpu.memory_space<vmem_shared>> -> memref<10240x64xf32, #tpu.memory_space<vmem_shared>>
        tpu.enqueue_indirect_dma source(%dma_start3A_175 : memref<10240x64xf32, #tpu.memory_space<vmem_shared>>) target(%arg14 : memref<128x64xf32, #tpu.memory_space<vmem>>) offsets(%dma_start3A_172 : memref<128xi32, #tpu.memory_space<vmem>>) semaphore(%arg20 : memref<!tpu.dma_semaphore, #tpu.memory_space<semaphore_mem>>)
      } else {
      }
      %run_scoped3A_127 = arith.constant 1 : i32
      "tpu.region"() ({
        %run_scoped3A_161 = tpu.sem_alloc : memref<!tpu.dma_semaphore, #tpu.memory_space<semaphore_mem>>
        %dma_start3A_162 = arith.constant 0 : i32
        %dma_start3A_163 = tpu.memref_slice %arg11[%run_scoped3A_127, %dma_start3A_162] : memref<2x128xi32, #tpu.memory_space<vmem>> -> memref<1x128xi32, #tpu.memory_space<vmem>>
        %dma_start3A_164 = tpu.memref_squeeze %dma_start3A_163 : memref<1x128xi32, #tpu.memory_space<vmem>> -> memref<128xi32, #tpu.memory_space<vmem>>
        %dma_start3A_165 = arith.constant 0 : i32
        %dma_start3A_166 = arith.constant 0 : i32
        %dma_start3A_167 = tpu.memref_slice %arg8[%dma_start3A_165, %dma_start3A_166] : memref<10240x64xf32, #tpu.memory_space<vmem_shared>> -> memref<10240x64xf32, #tpu.memory_space<vmem_shared>>
        tpu.enqueue_indirect_dma source(%arg13 : memref<128x64xf32, #tpu.memory_space<vmem>>) target(%dma_start3A_167 : memref<10240x64xf32, #tpu.memory_space<vmem_shared>>) offsets(%dma_start3A_164 : memref<128xi32, #tpu.memory_space<vmem>>) semaphore(%run_scoped3A_161 : memref<!tpu.dma_semaphore, #tpu.memory_space<semaphore_mem>>) {add = true}
        %dma_wait3A_168 = arith.constant 0 : i32
        %dma_wait3A_169 = tpu.memref_slice %arg11[%run_scoped3A_127, %dma_wait3A_168] : memref<2x128xi32, #tpu.memory_space<vmem>> -> memref<1x128xi32, #tpu.memory_space<vmem>>
        %dma_wait3A_170 = tpu.memref_squeeze %dma_wait3A_169 : memref<1x128xi32, #tpu.memory_space<vmem>> -> memref<128xi32, #tpu.memory_space<vmem>>
        %dma_wait3A_171 = arith.constant 0 : i32
        %dma_wait3A_172 = arith.constant 0 : i32
        %dma_wait3A_173 = tpu.memref_slice %arg8[%dma_wait3A_171, %dma_wait3A_172] : memref<10240x64xf32, #tpu.memory_space<vmem_shared>> -> memref<10240x64xf32, #tpu.memory_space<vmem_shared>>
        tpu.wait_indirect_dma semaphore(%run_scoped3A_161 : memref<!tpu.dma_semaphore, #tpu.memory_space<semaphore_mem>>) src(%arg13 : memref<128x64xf32, #tpu.memory_space<vmem>>) dst(%dma_wait3A_173 : memref<10240x64xf32, #tpu.memory_space<vmem_shared>>)
        tpu.yield
      }) : () -> ()
      %add3A_128 = arith.constant 3 : i32
      %add3A_129 = arith.addi %add3A_112, %add3A_128 : i32
      %lt3A_130 = arith.constant 160 : i32
      %lt3A_131 = arith.cmpi slt, %add3A_129, %lt3A_130 : i32
      %convert_element_type3A_132 = arith.extui %lt3A_131 : i1 to i32
      %cond3A_133 = arith.constant 0 : i32
      %cond3A_134 = arith.cmpi ne, %convert_element_type3A_132, %cond3A_133 : i32
      scf.if %cond3A_134 {
        %add3A_161 = arith.addi %mul3A_2, %add3A_112 : i32
        %add3A_162 = arith.constant 3 : i32
        %add3A_163 = arith.addi %add3A_161, %add3A_162 : i32
        %dma_start3A_164 = arith.constant 0 : i32
        %dma_start3A_165 = arith.constant 0 : i32
        %dma_start3A_166 = tpu.memref_slice %arg2[%add3A_163, %dma_start3A_164, %dma_start3A_165] : memref<2560x2x128xi32, #tpu.memory_space<hbm>> -> memref<1x2x128xi32, #tpu.memory_space<hbm>>
        %dma_start3A_167 = tpu.memref_squeeze %dma_start3A_166 : memref<1x2x128xi32, #tpu.memory_space<hbm>> -> memref<2x128xi32, #tpu.memory_space<hbm>>
        %dma_start3A_168 = arith.constant 0 : i32
        %dma_start3A_169 = arith.constant 0 : i32
        %dma_start3A_170 = tpu.memref_slice %arg2[%add3A_163, %dma_start3A_168, %dma_start3A_169] : memref<2560x2x128xi32, #tpu.memory_space<hbm>> -> memref<1x2x128xi32, #tpu.memory_space<hbm>>
        %dma_start3A_171 = tpu.memref_squeeze %dma_start3A_170 : memref<1x2x128xi32, #tpu.memory_space<hbm>> -> memref<2x128xi32, #tpu.memory_space<hbm>>
        tpu.enqueue_dma source(%dma_start3A_171 : memref<2x128xi32, #tpu.memory_space<hbm>>) target(%arg10 : memref<2x128xi32, #tpu.memory_space<vmem>>) target_semaphore(%arg16 : memref<!tpu.dma_semaphore, #tpu.memory_space<semaphore_mem>>)
      } else {
      }
      %mul3A_135 = arith.constant 4 : i32
      %mul3A_136 = arith.muli %scan3A_58, %mul3A_135 : i32
      %add3A_137 = arith.constant 3 : i32
      %add3A_138 = arith.addi %mul3A_136, %add3A_137 : i32
      %dma_wait3A_139 = arith.constant 0 : i32
      %dma_wait3A_140 = arith.constant 0 : i32
      %dma_wait3A_141 = tpu.memref_slice %arg12[%dma_wait3A_139, %dma_wait3A_140] : memref<2x128xi32, #tpu.memory_space<vmem>> -> memref<1x128xi32, #tpu.memory_space<vmem>>
      %dma_wait3A_142 = tpu.memref_squeeze %dma_wait3A_141 : memref<1x128xi32, #tpu.memory_space<vmem>> -> memref<128xi32, #tpu.memory_space<vmem>>
      %dma_wait3A_143 = arith.constant 0 : i32
      %dma_wait3A_144 = arith.constant 0 : i32
      %dma_wait3A_145 = tpu.memref_slice %arg7[%dma_wait3A_143, %dma_wait3A_144] : memref<10240x64xf32, #tpu.memory_space<vmem_shared>> -> memref<10240x64xf32, #tpu.memory_space<vmem_shared>>
      tpu.wait_indirect_dma semaphore(%arg20 : memref<!tpu.dma_semaphore, #tpu.memory_space<semaphore_mem>>) src(%dma_wait3A_145 : memref<10240x64xf32, #tpu.memory_space<vmem_shared>>) dst(%arg14 : memref<128x64xf32, #tpu.memory_space<vmem>>)
      %add3A_146 = arith.constant 1 : i32
      %add3A_147 = arith.addi %add3A_138, %add3A_146 : i32
      %lt3A_148 = arith.constant 160 : i32
      %lt3A_149 = arith.cmpi slt, %add3A_147, %lt3A_148 : i32
      %convert_element_type3A_150 = arith.extui %lt3A_149 : i1 to i32
      %cond3A_151 = arith.constant 0 : i32
      %cond3A_152 = arith.cmpi ne, %convert_element_type3A_150, %cond3A_151 : i32
      scf.if %cond3A_152 {
        %dma_wait3A_161 = arith.constant 0 : i32
        %dma_wait3A_162 = arith.constant 0 : i32
        %dma_wait3A_163 = tpu.memref_slice %arg2[%mul3A_2, %dma_wait3A_161, %dma_wait3A_162] : memref<2560x2x128xi32, #tpu.memory_space<hbm>> -> memref<1x2x128xi32, #tpu.memory_space<hbm>>
        %dma_wait3A_164 = tpu.memref_squeeze %dma_wait3A_163 : memref<1x2x128xi32, #tpu.memory_space<hbm>> -> memref<2x128xi32, #tpu.memory_space<hbm>>
        %dma_wait3A_165 = arith.constant 0 : i32
        %dma_wait3A_166 = arith.constant 0 : i32
        %dma_wait3A_167 = tpu.memref_slice %arg2[%mul3A_2, %dma_wait3A_165, %dma_wait3A_166] : memref<2560x2x128xi32, #tpu.memory_space<hbm>> -> memref<1x2x128xi32, #tpu.memory_space<hbm>>
        %dma_wait3A_168 = tpu.memref_squeeze %dma_wait3A_167 : memref<1x2x128xi32, #tpu.memory_space<hbm>> -> memref<2x128xi32, #tpu.memory_space<hbm>>
        tpu.wait_dma2 semaphore(%arg15 : memref<!tpu.dma_semaphore, #tpu.memory_space<semaphore_mem>>) src(%dma_wait3A_168 : memref<2x128xi32, #tpu.memory_space<hbm>>) dst(%arg9 : memref<2x128xi32, #tpu.memory_space<vmem>>)
        %dma_start3A_169 = arith.constant 0 : i32
        %dma_start3A_170 = arith.constant 0 : i32
        %dma_start3A_171 = tpu.memref_slice %arg9[%dma_start3A_169, %dma_start3A_170] : memref<2x128xi32, #tpu.memory_space<vmem>> -> memref<1x128xi32, #tpu.memory_space<vmem>>
        %dma_start3A_172 = tpu.memref_squeeze %dma_start3A_171 : memref<1x128xi32, #tpu.memory_space<vmem>> -> memref<128xi32, #tpu.memory_space<vmem>>
        %dma_start3A_173 = arith.constant 0 : i32
        %dma_start3A_174 = arith.constant 0 : i32
        %dma_start3A_175 = tpu.memref_slice %arg7[%dma_start3A_173, %dma_start3A_174] : memref<10240x64xf32, #tpu.memory_space<vmem_shared>> -> memref<10240x64xf32, #tpu.memory_space<vmem_shared>>
        tpu.enqueue_indirect_dma source(%dma_start3A_175 : memref<10240x64xf32, #tpu.memory_space<vmem_shared>>) target(%arg13 : memref<128x64xf32, #tpu.memory_space<vmem>>) offsets(%dma_start3A_172 : memref<128xi32, #tpu.memory_space<vmem>>) semaphore(%arg19 : memref<!tpu.dma_semaphore, #tpu.memory_space<semaphore_mem>>)
      } else {
      }
      %run_scoped3A_153 = arith.constant 1 : i32
      "tpu.region"() ({
        %run_scoped3A_161 = tpu.sem_alloc : memref<!tpu.dma_semaphore, #tpu.memory_space<semaphore_mem>>
        %dma_start3A_162 = arith.constant 0 : i32
        %dma_start3A_163 = tpu.memref_slice %arg12[%run_scoped3A_153, %dma_start3A_162] : memref<2x128xi32, #tpu.memory_space<vmem>> -> memref<1x128xi32, #tpu.memory_space<vmem>>
        %dma_start3A_164 = tpu.memref_squeeze %dma_start3A_163 : memref<1x128xi32, #tpu.memory_space<vmem>> -> memref<128xi32, #tpu.memory_space<vmem>>
        %dma_start3A_165 = arith.constant 0 : i32
        %dma_start3A_166 = arith.constant 0 : i32
        %dma_start3A_167 = tpu.memref_slice %arg8[%dma_start3A_165, %dma_start3A_166] : memref<10240x64xf32, #tpu.memory_space<vmem_shared>> -> memref<10240x64xf32, #tpu.memory_space<vmem_shared>>
        tpu.enqueue_indirect_dma source(%arg14 : memref<128x64xf32, #tpu.memory_space<vmem>>) target(%dma_start3A_167 : memref<10240x64xf32, #tpu.memory_space<vmem_shared>>) offsets(%dma_start3A_164 : memref<128xi32, #tpu.memory_space<vmem>>) semaphore(%run_scoped3A_161 : memref<!tpu.dma_semaphore, #tpu.memory_space<semaphore_mem>>) {add = true}
        %dma_wait3A_168 = arith.constant 0 : i32
        %dma_wait3A_169 = tpu.memref_slice %arg12[%run_scoped3A_153, %dma_wait3A_168] : memref<2x128xi32, #tpu.memory_space<vmem>> -> memref<1x128xi32, #tpu.memory_space<vmem>>
        %dma_wait3A_170 = tpu.memref_squeeze %dma_wait3A_169 : memref<1x128xi32, #tpu.memory_space<vmem>> -> memref<128xi32, #tpu.memory_space<vmem>>
        %dma_wait3A_171 = arith.constant 0 : i32
        %dma_wait3A_172 = arith.constant 0 : i32
        %dma_wait3A_173 = tpu.memref_slice %arg8[%dma_wait3A_171, %dma_wait3A_172] : memref<10240x64xf32, #tpu.memory_space<vmem_shared>> -> memref<10240x64xf32, #tpu.memory_space<vmem_shared>>
        tpu.wait_indirect_dma semaphore(%run_scoped3A_161 : memref<!tpu.dma_semaphore, #tpu.memory_space<semaphore_mem>>) src(%arg14 : memref<128x64xf32, #tpu.memory_space<vmem>>) dst(%dma_wait3A_173 : memref<10240x64xf32, #tpu.memory_space<vmem_shared>>)
        tpu.yield
      }) : () -> ()
      %add3A_154 = arith.constant 3 : i32
      %add3A_155 = arith.addi %add3A_138, %add3A_154 : i32
      %lt3A_156 = arith.constant 160 : i32
      %lt3A_157 = arith.cmpi slt, %add3A_155, %lt3A_156 : i32
      %convert_element_type3A_158 = arith.extui %lt3A_157 : i1 to i32
      %cond3A_159 = arith.constant 0 : i32
      %cond3A_160 = arith.cmpi ne, %convert_element_type3A_158, %cond3A_159 : i32
      scf.if %cond3A_160 {
        %add3A_161 = arith.addi %mul3A_2, %add3A_138 : i32
        %add3A_162 = arith.constant 3 : i32
        %add3A_163 = arith.addi %add3A_161, %add3A_162 : i32
        %dma_start3A_164 = arith.constant 0 : i32
        %dma_start3A_165 = arith.constant 0 : i32
        %dma_start3A_166 = tpu.memref_slice %arg2[%add3A_163, %dma_start3A_164, %dma_start3A_165] : memref<2560x2x128xi32, #tpu.memory_space<hbm>> -> memref<1x2x128xi32, #tpu.memory_space<hbm>>
        %dma_start3A_167 = tpu.memref_squeeze %dma_start3A_166 : memref<1x2x128xi32, #tpu.memory_space<hbm>> -> memref<2x128xi32, #tpu.memory_space<hbm>>
        %dma_start3A_168 = arith.constant 0 : i32
        %dma_start3A_169 = arith.constant 0 : i32
        %dma_start3A_170 = tpu.memref_slice %arg2[%add3A_163, %dma_start3A_168, %dma_start3A_169] : memref<2560x2x128xi32, #tpu.memory_space<hbm>> -> memref<1x2x128xi32, #tpu.memory_space<hbm>>
        %dma_start3A_171 = tpu.memref_squeeze %dma_start3A_170 : memref<1x2x128xi32, #tpu.memory_space<hbm>> -> memref<2x128xi32, #tpu.memory_space<hbm>>
        tpu.enqueue_dma source(%dma_start3A_171 : memref<2x128xi32, #tpu.memory_space<hbm>>) target(%arg11 : memref<2x128xi32, #tpu.memory_space<vmem>>) target_semaphore(%arg17 : memref<!tpu.dma_semaphore, #tpu.memory_space<semaphore_mem>>)
      } else {
      }
    }
    %scan3A_56 = arith.constant 40 : i32
    %barrier3A_57 = arith.constant 0 : index
    tpu.barrier barrier_id(%barrier3A_57)
    "tpu.region"() ({
      %run_scoped3A = tpu.sem_alloc : memref<!tpu.dma_semaphore, #tpu.memory_space<semaphore_mem>>
      %dma_start3A_58 = arith.constant 0 : i32
      %dma_start3A_59 = tpu.memref_slice %arg6[%arg0, %mul3A_0, %dma_start3A_58] : memref<2x10240x64xf32, #tpu.memory_space<hbm>> -> memref<1x640x64xf32, #tpu.memory_space<hbm>>
      %dma_start3A_60 = tpu.memref_squeeze %dma_start3A_59 : memref<1x640x64xf32, #tpu.memory_space<hbm>> -> memref<640x64xf32, #tpu.memory_space<hbm>>
      %dma_start3A_61 = arith.constant 0 : i32
      %dma_start3A_62 = tpu.memref_slice %arg8[%mul3A_0, %dma_start3A_61] : memref<10240x64xf32, #tpu.memory_space<vmem_shared>> -> memref<640x64xf32, #tpu.memory_space<vmem_shared>>
      tpu.enqueue_dma source(%dma_start3A_62 : memref<640x64xf32, #tpu.memory_space<vmem_shared>>) target(%dma_start3A_60 : memref<640x64xf32, #tpu.memory_space<hbm>>) target_semaphore(%run_scoped3A : memref<!tpu.dma_semaphore, #tpu.memory_space<semaphore_mem>>)
      %dma_wait3A_63 = arith.constant 0 : i32
      %dma_wait3A_64 = tpu.memref_slice %arg6[%arg0, %mul3A_0, %dma_wait3A_63] : memref<2x10240x64xf32, #tpu.memory_space<hbm>> -> memref<1x640x64xf32, #tpu.memory_space<hbm>>
      %dma_wait3A_65 = tpu.memref_squeeze %dma_wait3A_64 : memref<1x640x64xf32, #tpu.memory_space<hbm>> -> memref<640x64xf32, #tpu.memory_space<hbm>>
      %dma_wait3A_66 = arith.constant 0 : i32
      %dma_wait3A_67 = tpu.memref_slice %arg8[%mul3A_0, %dma_wait3A_66] : memref<10240x64xf32, #tpu.memory_space<vmem_shared>> -> memref<640x64xf32, #tpu.memory_space<vmem_shared>>
      tpu.wait_dma2 semaphore(%run_scoped3A : memref<!tpu.dma_semaphore, #tpu.memory_space<semaphore_mem>>) src(%dma_wait3A_67 : memref<640x64xf32, #tpu.memory_space<vmem_shared>>) dst(%dma_wait3A_65 : memref<640x64xf32, #tpu.memory_space<hbm>>)
      tpu.yield
    }) : () -> ()
    return
  }
}

#map = affine_map<(d0, d1) -> (0, 0, 0)>
#map1 = affine_map<(d0, d1) -> (0, 0)>
module attributes {stable_mosaic.version = 14 : i64} {
  func.func @_prop_body(%arg0: i32, %arg1: i32, %arg2: memref<2560x2x128xi32, #tpu.memory_space<hbm>>, %arg3: memref<10240x16xf32, #tpu.memory_space<hbm>>, %arg4: memref<10240x16xf32, #tpu.memory_space<hbm>>, %arg5: memref<2x10240x16xf32, #tpu.memory_space<hbm>>, %arg6: memref<10240x16xf32, #tpu.memory_space<vmem_shared>>, %arg7: memref<10240x16xf32, #tpu.memory_space<vmem_shared>>, %arg8: memref<2x128xi32, #tpu.memory_space<vmem>>, %arg9: memref<2x128xi32, #tpu.memory_space<vmem>>, %arg10: memref<2x128xi32, #tpu.memory_space<vmem>>, %arg11: memref<2x128xi32, #tpu.memory_space<vmem>>, %arg12: memref<128x16xf32, #tpu.memory_space<vmem>>, %arg13: memref<128x16xf32, #tpu.memory_space<vmem>>, %arg14: memref<!tpu.dma_semaphore, #tpu.memory_space<semaphore_mem>>, %arg15: memref<!tpu.dma_semaphore, #tpu.memory_space<semaphore_mem>>, %arg16: memref<!tpu.dma_semaphore, #tpu.memory_space<semaphore_mem>>, %arg17: memref<!tpu.dma_semaphore, #tpu.memory_space<semaphore_mem>>, %arg18: memref<!tpu.dma_semaphore, #tpu.memory_space<semaphore_mem>>, %arg19: memref<!tpu.dma_semaphore, #tpu.memory_space<semaphore_mem>>) attributes {dimension_semantics = [#tpu.dimension_semantics<core_parallel>, #tpu.dimension_semantics<subcore_parallel>], iteration_bounds = array<i64: 2, 16>, scalar_prefetch = 0 : i64, scratch_operands = 14 : i64, tpu.core_type = #tpu.core_type<sc_vector_subcore>, window_params = [{transform_indices = #map}, {transform_indices = #map1}, {transform_indices = #map1}, {transform_indices = #map}]} {
    %mul3A = arith.constant 640 : i32
    %mul3A_0 = arith.muli %arg1, %mul3A : i32
    %mul3A_1 = arith.constant 2 : i32
    %mul3A_2 = arith.muli %arg1, %mul3A_1 : i32
    %add3A = arith.addi %mul3A_2, %arg0 : i32
    %mul3A_3 = arith.constant 80 : i32
    %mul3A_4 = arith.muli %add3A, %mul3A_3 : i32
    %add3A_5 = arith.constant 0 : i32
    %add3A_6 = arith.addi %mul3A_4, %add3A_5 : i32
    %dma_start3A = arith.constant 0 : i32
    %dma_start3A_7 = arith.constant 0 : i32
    %dma_start3A_8 = tpu.memref_slice %arg2[%add3A_6, %dma_start3A, %dma_start3A_7] : memref<2560x2x128xi32, #tpu.memory_space<hbm>> -> memref<1x2x128xi32, #tpu.memory_space<hbm>>
    %dma_start3A_9 = tpu.memref_squeeze %dma_start3A_8 : memref<1x2x128xi32, #tpu.memory_space<hbm>> -> memref<2x128xi32, #tpu.memory_space<hbm>>
    %dma_start3A_10 = arith.constant 0 : i32
    %dma_start3A_11 = arith.constant 0 : i32
    %dma_start3A_12 = tpu.memref_slice %arg2[%add3A_6, %dma_start3A_10, %dma_start3A_11] : memref<2560x2x128xi32, #tpu.memory_space<hbm>> -> memref<1x2x128xi32, #tpu.memory_space<hbm>>
    %dma_start3A_13 = tpu.memref_squeeze %dma_start3A_12 : memref<1x2x128xi32, #tpu.memory_space<hbm>> -> memref<2x128xi32, #tpu.memory_space<hbm>>
    tpu.enqueue_dma source(%dma_start3A_13 : memref<2x128xi32, #tpu.memory_space<hbm>>) target(%arg8 : memref<2x128xi32, #tpu.memory_space<vmem>>) target_semaphore(%arg14 : memref<!tpu.dma_semaphore, #tpu.memory_space<semaphore_mem>>)
    %add3A_14 = arith.constant 1 : i32
    %add3A_15 = arith.addi %mul3A_4, %add3A_14 : i32
    %dma_start3A_16 = arith.constant 0 : i32
    %dma_start3A_17 = arith.constant 0 : i32
    %dma_start3A_18 = tpu.memref_slice %arg2[%add3A_15, %dma_start3A_16, %dma_start3A_17] : memref<2560x2x128xi32, #tpu.memory_space<hbm>> -> memref<1x2x128xi32, #tpu.memory_space<hbm>>
    %dma_start3A_19 = tpu.memref_squeeze %dma_start3A_18 : memref<1x2x128xi32, #tpu.memory_space<hbm>> -> memref<2x128xi32, #tpu.memory_space<hbm>>
    %dma_start3A_20 = arith.constant 0 : i32
    %dma_start3A_21 = arith.constant 0 : i32
    %dma_start3A_22 = tpu.memref_slice %arg2[%add3A_15, %dma_start3A_20, %dma_start3A_21] : memref<2560x2x128xi32, #tpu.memory_space<hbm>> -> memref<1x2x128xi32, #tpu.memory_space<hbm>>
    %dma_start3A_23 = tpu.memref_squeeze %dma_start3A_22 : memref<1x2x128xi32, #tpu.memory_space<hbm>> -> memref<2x128xi32, #tpu.memory_space<hbm>>
    tpu.enqueue_dma source(%dma_start3A_23 : memref<2x128xi32, #tpu.memory_space<hbm>>) target(%arg9 : memref<2x128xi32, #tpu.memory_space<vmem>>) target_semaphore(%arg15 : memref<!tpu.dma_semaphore, #tpu.memory_space<semaphore_mem>>)
    %add3A_24 = arith.constant 2 : i32
    %add3A_25 = arith.addi %mul3A_4, %add3A_24 : i32
    %dma_start3A_26 = arith.constant 0 : i32
    %dma_start3A_27 = arith.constant 0 : i32
    %dma_start3A_28 = tpu.memref_slice %arg2[%add3A_25, %dma_start3A_26, %dma_start3A_27] : memref<2560x2x128xi32, #tpu.memory_space<hbm>> -> memref<1x2x128xi32, #tpu.memory_space<hbm>>
    %dma_start3A_29 = tpu.memref_squeeze %dma_start3A_28 : memref<1x2x128xi32, #tpu.memory_space<hbm>> -> memref<2x128xi32, #tpu.memory_space<hbm>>
    %dma_start3A_30 = arith.constant 0 : i32
    %dma_start3A_31 = arith.constant 0 : i32
    %dma_start3A_32 = tpu.memref_slice %arg2[%add3A_25, %dma_start3A_30, %dma_start3A_31] : memref<2560x2x128xi32, #tpu.memory_space<hbm>> -> memref<1x2x128xi32, #tpu.memory_space<hbm>>
    %dma_start3A_33 = tpu.memref_squeeze %dma_start3A_32 : memref<1x2x128xi32, #tpu.memory_space<hbm>> -> memref<2x128xi32, #tpu.memory_space<hbm>>
    tpu.enqueue_dma source(%dma_start3A_33 : memref<2x128xi32, #tpu.memory_space<hbm>>) target(%arg10 : memref<2x128xi32, #tpu.memory_space<vmem>>) target_semaphore(%arg16 : memref<!tpu.dma_semaphore, #tpu.memory_space<semaphore_mem>>)
    "tpu.region"() ({
      %run_scoped3A = tpu.sem_alloc : memref<!tpu.dma_semaphore, #tpu.memory_space<semaphore_mem>>
      %dma_start3A_54 = arith.constant 0 : i32
      %dma_start3A_55 = tpu.memref_slice %arg6[%mul3A_0, %dma_start3A_54] : memref<10240x16xf32, #tpu.memory_space<vmem_shared>> -> memref<640x16xf32, #tpu.memory_space<vmem_shared>>
      %dma_start3A_56 = arith.constant 0 : i32
      %dma_start3A_57 = tpu.memref_slice %arg3[%mul3A_0, %dma_start3A_56] : memref<10240x16xf32, #tpu.memory_space<hbm>> -> memref<640x16xf32, #tpu.memory_space<hbm>>
      tpu.enqueue_dma source(%dma_start3A_57 : memref<640x16xf32, #tpu.memory_space<hbm>>) target(%dma_start3A_55 : memref<640x16xf32, #tpu.memory_space<vmem_shared>>) target_semaphore(%run_scoped3A : memref<!tpu.dma_semaphore, #tpu.memory_space<semaphore_mem>>)
      %dma_wait3A_58 = arith.constant 0 : i32
      %dma_wait3A_59 = tpu.memref_slice %arg6[%mul3A_0, %dma_wait3A_58] : memref<10240x16xf32, #tpu.memory_space<vmem_shared>> -> memref<640x16xf32, #tpu.memory_space<vmem_shared>>
      %dma_wait3A_60 = arith.constant 0 : i32
      %dma_wait3A_61 = tpu.memref_slice %arg3[%mul3A_0, %dma_wait3A_60] : memref<10240x16xf32, #tpu.memory_space<hbm>> -> memref<640x16xf32, #tpu.memory_space<hbm>>
      tpu.wait_dma2 semaphore(%run_scoped3A : memref<!tpu.dma_semaphore, #tpu.memory_space<semaphore_mem>>) src(%dma_wait3A_61 : memref<640x16xf32, #tpu.memory_space<hbm>>) dst(%dma_wait3A_59 : memref<640x16xf32, #tpu.memory_space<vmem_shared>>)
      tpu.yield
    }) : () -> ()
    "tpu.region"() ({
      %run_scoped3A = tpu.sem_alloc : memref<!tpu.dma_semaphore, #tpu.memory_space<semaphore_mem>>
      %dma_start3A_54 = arith.constant 0 : i32
      %dma_start3A_55 = tpu.memref_slice %arg7[%mul3A_0, %dma_start3A_54] : memref<10240x16xf32, #tpu.memory_space<vmem_shared>> -> memref<640x16xf32, #tpu.memory_space<vmem_shared>>
      %dma_start3A_56 = arith.constant 0 : i32
      %dma_start3A_57 = tpu.memref_slice %arg4[%mul3A_0, %dma_start3A_56] : memref<10240x16xf32, #tpu.memory_space<hbm>> -> memref<640x16xf32, #tpu.memory_space<hbm>>
      tpu.enqueue_dma source(%dma_start3A_57 : memref<640x16xf32, #tpu.memory_space<hbm>>) target(%dma_start3A_55 : memref<640x16xf32, #tpu.memory_space<vmem_shared>>) target_semaphore(%run_scoped3A : memref<!tpu.dma_semaphore, #tpu.memory_space<semaphore_mem>>)
      %dma_wait3A_58 = arith.constant 0 : i32
      %dma_wait3A_59 = tpu.memref_slice %arg7[%mul3A_0, %dma_wait3A_58] : memref<10240x16xf32, #tpu.memory_space<vmem_shared>> -> memref<640x16xf32, #tpu.memory_space<vmem_shared>>
      %dma_wait3A_60 = arith.constant 0 : i32
      %dma_wait3A_61 = tpu.memref_slice %arg4[%mul3A_0, %dma_wait3A_60] : memref<10240x16xf32, #tpu.memory_space<hbm>> -> memref<640x16xf32, #tpu.memory_space<hbm>>
      tpu.wait_dma2 semaphore(%run_scoped3A : memref<!tpu.dma_semaphore, #tpu.memory_space<semaphore_mem>>) src(%dma_wait3A_61 : memref<640x16xf32, #tpu.memory_space<hbm>>) dst(%dma_wait3A_59 : memref<640x16xf32, #tpu.memory_space<vmem_shared>>)
      tpu.yield
    }) : () -> ()
    %dma_wait3A = arith.constant 0 : i32
    %dma_wait3A_34 = arith.constant 0 : i32
    %dma_wait3A_35 = tpu.memref_slice %arg2[%mul3A_4, %dma_wait3A, %dma_wait3A_34] : memref<2560x2x128xi32, #tpu.memory_space<hbm>> -> memref<1x2x128xi32, #tpu.memory_space<hbm>>
    %dma_wait3A_36 = tpu.memref_squeeze %dma_wait3A_35 : memref<1x2x128xi32, #tpu.memory_space<hbm>> -> memref<2x128xi32, #tpu.memory_space<hbm>>
    %dma_wait3A_37 = arith.constant 0 : i32
    %dma_wait3A_38 = arith.constant 0 : i32
    %dma_wait3A_39 = tpu.memref_slice %arg2[%mul3A_4, %dma_wait3A_37, %dma_wait3A_38] : memref<2560x2x128xi32, #tpu.memory_space<hbm>> -> memref<1x2x128xi32, #tpu.memory_space<hbm>>
    %dma_wait3A_40 = tpu.memref_squeeze %dma_wait3A_39 : memref<1x2x128xi32, #tpu.memory_space<hbm>> -> memref<2x128xi32, #tpu.memory_space<hbm>>
    tpu.wait_dma2 semaphore(%arg14 : memref<!tpu.dma_semaphore, #tpu.memory_space<semaphore_mem>>) src(%dma_wait3A_40 : memref<2x128xi32, #tpu.memory_space<hbm>>) dst(%arg8 : memref<2x128xi32, #tpu.memory_space<vmem>>)
    %barrier3A = arith.constant 0 : index
    tpu.barrier barrier_id(%barrier3A)
    %dma_start3A_41 = arith.constant 0 : i32
    %dma_start3A_42 = arith.constant 0 : i32
    %dma_start3A_43 = tpu.memref_slice %arg8[%dma_start3A_41, %dma_start3A_42] : memref<2x128xi32, #tpu.memory_space<vmem>> -> memref<1x128xi32, #tpu.memory_space<vmem>>
    %dma_start3A_44 = tpu.memref_squeeze %dma_start3A_43 : memref<1x128xi32, #tpu.memory_space<vmem>> -> memref<128xi32, #tpu.memory_space<vmem>>
    %dma_start3A_45 = arith.constant 0 : i32
    %dma_start3A_46 = arith.constant 0 : i32
    %dma_start3A_47 = tpu.memref_slice %arg6[%dma_start3A_45, %dma_start3A_46] : memref<10240x16xf32, #tpu.memory_space<vmem_shared>> -> memref<10240x16xf32, #tpu.memory_space<vmem_shared>>
    tpu.enqueue_indirect_dma source(%dma_start3A_47 : memref<10240x16xf32, #tpu.memory_space<vmem_shared>>) target(%arg12 : memref<128x16xf32, #tpu.memory_space<vmem>>) offsets(%dma_start3A_44 : memref<128xi32, #tpu.memory_space<vmem>>) semaphore(%arg18 : memref<!tpu.dma_semaphore, #tpu.memory_space<semaphore_mem>>)
    %scan3A = arith.constant 0 : i32
    %scan3A_48 = arith.constant 0 : i32
    %scan3A_49 = arith.constant 20 : i32
    %scan3A_50 = arith.addi %scan3A_48, %scan3A_49 : i32
    %scan3A_51 = arith.constant 1 : i32
    scf.for %scan3A_54 = %scan3A_48 to %scan3A_50 step %scan3A_51  : i32 {
      %mul3A_55 = arith.constant 4 : i32
      %mul3A_56 = arith.muli %scan3A_54, %mul3A_55 : i32
      %add3A_57 = arith.constant 0 : i32
      %add3A_58 = arith.addi %mul3A_56, %add3A_57 : i32
      %dma_wait3A_59 = arith.constant 0 : i32
      %dma_wait3A_60 = arith.constant 0 : i32
      %dma_wait3A_61 = tpu.memref_slice %arg8[%dma_wait3A_59, %dma_wait3A_60] : memref<2x128xi32, #tpu.memory_space<vmem>> -> memref<1x128xi32, #tpu.memory_space<vmem>>
      %dma_wait3A_62 = tpu.memref_squeeze %dma_wait3A_61 : memref<1x128xi32, #tpu.memory_space<vmem>> -> memref<128xi32, #tpu.memory_space<vmem>>
      %dma_wait3A_63 = arith.constant 0 : i32
      %dma_wait3A_64 = arith.constant 0 : i32
      %dma_wait3A_65 = tpu.memref_slice %arg6[%dma_wait3A_63, %dma_wait3A_64] : memref<10240x16xf32, #tpu.memory_space<vmem_shared>> -> memref<10240x16xf32, #tpu.memory_space<vmem_shared>>
      tpu.wait_indirect_dma semaphore(%arg18 : memref<!tpu.dma_semaphore, #tpu.memory_space<semaphore_mem>>) src(%dma_wait3A_65 : memref<10240x16xf32, #tpu.memory_space<vmem_shared>>) dst(%arg12 : memref<128x16xf32, #tpu.memory_space<vmem>>)
      %add3A_66 = arith.constant 1 : i32
      %add3A_67 = arith.addi %add3A_58, %add3A_66 : i32
      %lt3A = arith.constant 80 : i32
      %lt3A_68 = arith.cmpi slt, %add3A_67, %lt3A : i32
      %convert_element_type3A = arith.extui %lt3A_68 : i1 to i32
      %cond3A = arith.constant 0 : i32
      %cond3A_69 = arith.cmpi ne, %convert_element_type3A, %cond3A : i32
      scf.if %cond3A_69 {
        %dma_wait3A_155 = arith.constant 0 : i32
        %dma_wait3A_156 = arith.constant 0 : i32
        %dma_wait3A_157 = tpu.memref_slice %arg2[%mul3A_4, %dma_wait3A_155, %dma_wait3A_156] : memref<2560x2x128xi32, #tpu.memory_space<hbm>> -> memref<1x2x128xi32, #tpu.memory_space<hbm>>
        %dma_wait3A_158 = tpu.memref_squeeze %dma_wait3A_157 : memref<1x2x128xi32, #tpu.memory_space<hbm>> -> memref<2x128xi32, #tpu.memory_space<hbm>>
        %dma_wait3A_159 = arith.constant 0 : i32
        %dma_wait3A_160 = arith.constant 0 : i32
        %dma_wait3A_161 = tpu.memref_slice %arg2[%mul3A_4, %dma_wait3A_159, %dma_wait3A_160] : memref<2560x2x128xi32, #tpu.memory_space<hbm>> -> memref<1x2x128xi32, #tpu.memory_space<hbm>>
        %dma_wait3A_162 = tpu.memref_squeeze %dma_wait3A_161 : memref<1x2x128xi32, #tpu.memory_space<hbm>> -> memref<2x128xi32, #tpu.memory_space<hbm>>
        tpu.wait_dma2 semaphore(%arg15 : memref<!tpu.dma_semaphore, #tpu.memory_space<semaphore_mem>>) src(%dma_wait3A_162 : memref<2x128xi32, #tpu.memory_space<hbm>>) dst(%arg9 : memref<2x128xi32, #tpu.memory_space<vmem>>)
        %dma_start3A_163 = arith.constant 0 : i32
        %dma_start3A_164 = arith.constant 0 : i32
        %dma_start3A_165 = tpu.memref_slice %arg9[%dma_start3A_163, %dma_start3A_164] : memref<2x128xi32, #tpu.memory_space<vmem>> -> memref<1x128xi32, #tpu.memory_space<vmem>>
        %dma_start3A_166 = tpu.memref_squeeze %dma_start3A_165 : memref<1x128xi32, #tpu.memory_space<vmem>> -> memref<128xi32, #tpu.memory_space<vmem>>
        %dma_start3A_167 = arith.constant 0 : i32
        %dma_start3A_168 = arith.constant 0 : i32
        %dma_start3A_169 = tpu.memref_slice %arg6[%dma_start3A_167, %dma_start3A_168] : memref<10240x16xf32, #tpu.memory_space<vmem_shared>> -> memref<10240x16xf32, #tpu.memory_space<vmem_shared>>
        tpu.enqueue_indirect_dma source(%dma_start3A_169 : memref<10240x16xf32, #tpu.memory_space<vmem_shared>>) target(%arg13 : memref<128x16xf32, #tpu.memory_space<vmem>>) offsets(%dma_start3A_166 : memref<128xi32, #tpu.memory_space<vmem>>) semaphore(%arg19 : memref<!tpu.dma_semaphore, #tpu.memory_space<semaphore_mem>>)
      } else {
      }
      %run_scoped3A = arith.constant 1 : i32
      "tpu.region"() ({
        %run_scoped3A_155 = tpu.sem_alloc : memref<!tpu.dma_semaphore, #tpu.memory_space<semaphore_mem>>
        %dma_start3A_156 = arith.constant 0 : i32
        %dma_start3A_157 = tpu.memref_slice %arg8[%run_scoped3A, %dma_start3A_156] : memref<2x128xi32, #tpu.memory_space<vmem>> -> memref<1x128xi32, #tpu.memory_space<vmem>>
        %dma_start3A_158 = tpu.memref_squeeze %dma_start3A_157 : memref<1x128xi32, #tpu.memory_space<vmem>> -> memref<128xi32, #tpu.memory_space<vmem>>
        %dma_start3A_159 = arith.constant 0 : i32
        %dma_start3A_160 = arith.constant 0 : i32
        %dma_start3A_161 = tpu.memref_slice %arg7[%dma_start3A_159, %dma_start3A_160] : memref<10240x16xf32, #tpu.memory_space<vmem_shared>> -> memref<10240x16xf32, #tpu.memory_space<vmem_shared>>
        tpu.enqueue_indirect_dma source(%arg12 : memref<128x16xf32, #tpu.memory_space<vmem>>) target(%dma_start3A_161 : memref<10240x16xf32, #tpu.memory_space<vmem_shared>>) offsets(%dma_start3A_158 : memref<128xi32, #tpu.memory_space<vmem>>) semaphore(%run_scoped3A_155 : memref<!tpu.dma_semaphore, #tpu.memory_space<semaphore_mem>>) {add = true}
        %dma_wait3A_162 = arith.constant 0 : i32
        %dma_wait3A_163 = tpu.memref_slice %arg8[%run_scoped3A, %dma_wait3A_162] : memref<2x128xi32, #tpu.memory_space<vmem>> -> memref<1x128xi32, #tpu.memory_space<vmem>>
        %dma_wait3A_164 = tpu.memref_squeeze %dma_wait3A_163 : memref<1x128xi32, #tpu.memory_space<vmem>> -> memref<128xi32, #tpu.memory_space<vmem>>
        %dma_wait3A_165 = arith.constant 0 : i32
        %dma_wait3A_166 = arith.constant 0 : i32
        %dma_wait3A_167 = tpu.memref_slice %arg7[%dma_wait3A_165, %dma_wait3A_166] : memref<10240x16xf32, #tpu.memory_space<vmem_shared>> -> memref<10240x16xf32, #tpu.memory_space<vmem_shared>>
        tpu.wait_indirect_dma semaphore(%run_scoped3A_155 : memref<!tpu.dma_semaphore, #tpu.memory_space<semaphore_mem>>) src(%arg12 : memref<128x16xf32, #tpu.memory_space<vmem>>) dst(%dma_wait3A_167 : memref<10240x16xf32, #tpu.memory_space<vmem_shared>>)
        tpu.yield
      }) : () -> ()
      %add3A_70 = arith.constant 3 : i32
      %add3A_71 = arith.addi %add3A_58, %add3A_70 : i32
      %lt3A_72 = arith.constant 80 : i32
      %lt3A_73 = arith.cmpi slt, %add3A_71, %lt3A_72 : i32
      %convert_element_type3A_74 = arith.extui %lt3A_73 : i1 to i32
      %cond3A_75 = arith.constant 0 : i32
      %cond3A_76 = arith.cmpi ne, %convert_element_type3A_74, %cond3A_75 : i32
      scf.if %cond3A_76 {
        %add3A_155 = arith.addi %mul3A_4, %add3A_58 : i32
        %add3A_156 = arith.constant 3 : i32
        %add3A_157 = arith.addi %add3A_155, %add3A_156 : i32
        %dma_start3A_158 = arith.constant 0 : i32
        %dma_start3A_159 = arith.constant 0 : i32
        %dma_start3A_160 = tpu.memref_slice %arg2[%add3A_157, %dma_start3A_158, %dma_start3A_159] : memref<2560x2x128xi32, #tpu.memory_space<hbm>> -> memref<1x2x128xi32, #tpu.memory_space<hbm>>
        %dma_start3A_161 = tpu.memref_squeeze %dma_start3A_160 : memref<1x2x128xi32, #tpu.memory_space<hbm>> -> memref<2x128xi32, #tpu.memory_space<hbm>>
        %dma_start3A_162 = arith.constant 0 : i32
        %dma_start3A_163 = arith.constant 0 : i32
        %dma_start3A_164 = tpu.memref_slice %arg2[%add3A_157, %dma_start3A_162, %dma_start3A_163] : memref<2560x2x128xi32, #tpu.memory_space<hbm>> -> memref<1x2x128xi32, #tpu.memory_space<hbm>>
        %dma_start3A_165 = tpu.memref_squeeze %dma_start3A_164 : memref<1x2x128xi32, #tpu.memory_space<hbm>> -> memref<2x128xi32, #tpu.memory_space<hbm>>
        tpu.enqueue_dma source(%dma_start3A_165 : memref<2x128xi32, #tpu.memory_space<hbm>>) target(%arg11 : memref<2x128xi32, #tpu.memory_space<vmem>>) target_semaphore(%arg17 : memref<!tpu.dma_semaphore, #tpu.memory_space<semaphore_mem>>)
      } else {
      }
      %mul3A_77 = arith.constant 4 : i32
      %mul3A_78 = arith.muli %scan3A_54, %mul3A_77 : i32
      %add3A_79 = arith.constant 1 : i32
      %add3A_80 = arith.addi %mul3A_78, %add3A_79 : i32
      %dma_wait3A_81 = arith.constant 0 : i32
      %dma_wait3A_82 = arith.constant 0 : i32
      %dma_wait3A_83 = tpu.memref_slice %arg9[%dma_wait3A_81, %dma_wait3A_82] : memref<2x128xi32, #tpu.memory_space<vmem>> -> memref<1x128xi32, #tpu.memory_space<vmem>>
      %dma_wait3A_84 = tpu.memref_squeeze %dma_wait3A_83 : memref<1x128xi32, #tpu.memory_space<vmem>> -> memref<128xi32, #tpu.memory_space<vmem>>
      %dma_wait3A_85 = arith.constant 0 : i32
      %dma_wait3A_86 = arith.constant 0 : i32
      %dma_wait3A_87 = tpu.memref_slice %arg6[%dma_wait3A_85, %dma_wait3A_86] : memref<10240x16xf32, #tpu.memory_space<vmem_shared>> -> memref<10240x16xf32, #tpu.memory_space<vmem_shared>>
      tpu.wait_indirect_dma semaphore(%arg19 : memref<!tpu.dma_semaphore, #tpu.memory_space<semaphore_mem>>) src(%dma_wait3A_87 : memref<10240x16xf32, #tpu.memory_space<vmem_shared>>) dst(%arg13 : memref<128x16xf32, #tpu.memory_space<vmem>>)
      %add3A_88 = arith.constant 1 : i32
      %add3A_89 = arith.addi %add3A_80, %add3A_88 : i32
      %lt3A_90 = arith.constant 80 : i32
      %lt3A_91 = arith.cmpi slt, %add3A_89, %lt3A_90 : i32
      %convert_element_type3A_92 = arith.extui %lt3A_91 : i1 to i32
      %cond3A_93 = arith.constant 0 : i32
      %cond3A_94 = arith.cmpi ne, %convert_element_type3A_92, %cond3A_93 : i32
      scf.if %cond3A_94 {
        %dma_wait3A_155 = arith.constant 0 : i32
        %dma_wait3A_156 = arith.constant 0 : i32
        %dma_wait3A_157 = tpu.memref_slice %arg2[%mul3A_4, %dma_wait3A_155, %dma_wait3A_156] : memref<2560x2x128xi32, #tpu.memory_space<hbm>> -> memref<1x2x128xi32, #tpu.memory_space<hbm>>
        %dma_wait3A_158 = tpu.memref_squeeze %dma_wait3A_157 : memref<1x2x128xi32, #tpu.memory_space<hbm>> -> memref<2x128xi32, #tpu.memory_space<hbm>>
        %dma_wait3A_159 = arith.constant 0 : i32
        %dma_wait3A_160 = arith.constant 0 : i32
        %dma_wait3A_161 = tpu.memref_slice %arg2[%mul3A_4, %dma_wait3A_159, %dma_wait3A_160] : memref<2560x2x128xi32, #tpu.memory_space<hbm>> -> memref<1x2x128xi32, #tpu.memory_space<hbm>>
        %dma_wait3A_162 = tpu.memref_squeeze %dma_wait3A_161 : memref<1x2x128xi32, #tpu.memory_space<hbm>> -> memref<2x128xi32, #tpu.memory_space<hbm>>
        tpu.wait_dma2 semaphore(%arg16 : memref<!tpu.dma_semaphore, #tpu.memory_space<semaphore_mem>>) src(%dma_wait3A_162 : memref<2x128xi32, #tpu.memory_space<hbm>>) dst(%arg10 : memref<2x128xi32, #tpu.memory_space<vmem>>)
        %dma_start3A_163 = arith.constant 0 : i32
        %dma_start3A_164 = arith.constant 0 : i32
        %dma_start3A_165 = tpu.memref_slice %arg10[%dma_start3A_163, %dma_start3A_164] : memref<2x128xi32, #tpu.memory_space<vmem>> -> memref<1x128xi32, #tpu.memory_space<vmem>>
        %dma_start3A_166 = tpu.memref_squeeze %dma_start3A_165 : memref<1x128xi32, #tpu.memory_space<vmem>> -> memref<128xi32, #tpu.memory_space<vmem>>
        %dma_start3A_167 = arith.constant 0 : i32
        %dma_start3A_168 = arith.constant 0 : i32
        %dma_start3A_169 = tpu.memref_slice %arg6[%dma_start3A_167, %dma_start3A_168] : memref<10240x16xf32, #tpu.memory_space<vmem_shared>> -> memref<10240x16xf32, #tpu.memory_space<vmem_shared>>
        tpu.enqueue_indirect_dma source(%dma_start3A_169 : memref<10240x16xf32, #tpu.memory_space<vmem_shared>>) target(%arg12 : memref<128x16xf32, #tpu.memory_space<vmem>>) offsets(%dma_start3A_166 : memref<128xi32, #tpu.memory_space<vmem>>) semaphore(%arg18 : memref<!tpu.dma_semaphore, #tpu.memory_space<semaphore_mem>>)
      } else {
      }
      %run_scoped3A_95 = arith.constant 1 : i32
      "tpu.region"() ({
        %run_scoped3A_155 = tpu.sem_alloc : memref<!tpu.dma_semaphore, #tpu.memory_space<semaphore_mem>>
        %dma_start3A_156 = arith.constant 0 : i32
        %dma_start3A_157 = tpu.memref_slice %arg9[%run_scoped3A_95, %dma_start3A_156] : memref<2x128xi32, #tpu.memory_space<vmem>> -> memref<1x128xi32, #tpu.memory_space<vmem>>
        %dma_start3A_158 = tpu.memref_squeeze %dma_start3A_157 : memref<1x128xi32, #tpu.memory_space<vmem>> -> memref<128xi32, #tpu.memory_space<vmem>>
        %dma_start3A_159 = arith.constant 0 : i32
        %dma_start3A_160 = arith.constant 0 : i32
        %dma_start3A_161 = tpu.memref_slice %arg7[%dma_start3A_159, %dma_start3A_160] : memref<10240x16xf32, #tpu.memory_space<vmem_shared>> -> memref<10240x16xf32, #tpu.memory_space<vmem_shared>>
        tpu.enqueue_indirect_dma source(%arg13 : memref<128x16xf32, #tpu.memory_space<vmem>>) target(%dma_start3A_161 : memref<10240x16xf32, #tpu.memory_space<vmem_shared>>) offsets(%dma_start3A_158 : memref<128xi32, #tpu.memory_space<vmem>>) semaphore(%run_scoped3A_155 : memref<!tpu.dma_semaphore, #tpu.memory_space<semaphore_mem>>) {add = true}
        %dma_wait3A_162 = arith.constant 0 : i32
        %dma_wait3A_163 = tpu.memref_slice %arg9[%run_scoped3A_95, %dma_wait3A_162] : memref<2x128xi32, #tpu.memory_space<vmem>> -> memref<1x128xi32, #tpu.memory_space<vmem>>
        %dma_wait3A_164 = tpu.memref_squeeze %dma_wait3A_163 : memref<1x128xi32, #tpu.memory_space<vmem>> -> memref<128xi32, #tpu.memory_space<vmem>>
        %dma_wait3A_165 = arith.constant 0 : i32
        %dma_wait3A_166 = arith.constant 0 : i32
        %dma_wait3A_167 = tpu.memref_slice %arg7[%dma_wait3A_165, %dma_wait3A_166] : memref<10240x16xf32, #tpu.memory_space<vmem_shared>> -> memref<10240x16xf32, #tpu.memory_space<vmem_shared>>
        tpu.wait_indirect_dma semaphore(%run_scoped3A_155 : memref<!tpu.dma_semaphore, #tpu.memory_space<semaphore_mem>>) src(%arg13 : memref<128x16xf32, #tpu.memory_space<vmem>>) dst(%dma_wait3A_167 : memref<10240x16xf32, #tpu.memory_space<vmem_shared>>)
        tpu.yield
      }) : () -> ()
      %add3A_96 = arith.constant 3 : i32
      %add3A_97 = arith.addi %add3A_80, %add3A_96 : i32
      %lt3A_98 = arith.constant 80 : i32
      %lt3A_99 = arith.cmpi slt, %add3A_97, %lt3A_98 : i32
      %convert_element_type3A_100 = arith.extui %lt3A_99 : i1 to i32
      %cond3A_101 = arith.constant 0 : i32
      %cond3A_102 = arith.cmpi ne, %convert_element_type3A_100, %cond3A_101 : i32
      scf.if %cond3A_102 {
        %add3A_155 = arith.addi %mul3A_4, %add3A_80 : i32
        %add3A_156 = arith.constant 3 : i32
        %add3A_157 = arith.addi %add3A_155, %add3A_156 : i32
        %dma_start3A_158 = arith.constant 0 : i32
        %dma_start3A_159 = arith.constant 0 : i32
        %dma_start3A_160 = tpu.memref_slice %arg2[%add3A_157, %dma_start3A_158, %dma_start3A_159] : memref<2560x2x128xi32, #tpu.memory_space<hbm>> -> memref<1x2x128xi32, #tpu.memory_space<hbm>>
        %dma_start3A_161 = tpu.memref_squeeze %dma_start3A_160 : memref<1x2x128xi32, #tpu.memory_space<hbm>> -> memref<2x128xi32, #tpu.memory_space<hbm>>
        %dma_start3A_162 = arith.constant 0 : i32
        %dma_start3A_163 = arith.constant 0 : i32
        %dma_start3A_164 = tpu.memref_slice %arg2[%add3A_157, %dma_start3A_162, %dma_start3A_163] : memref<2560x2x128xi32, #tpu.memory_space<hbm>> -> memref<1x2x128xi32, #tpu.memory_space<hbm>>
        %dma_start3A_165 = tpu.memref_squeeze %dma_start3A_164 : memref<1x2x128xi32, #tpu.memory_space<hbm>> -> memref<2x128xi32, #tpu.memory_space<hbm>>
        tpu.enqueue_dma source(%dma_start3A_165 : memref<2x128xi32, #tpu.memory_space<hbm>>) target(%arg8 : memref<2x128xi32, #tpu.memory_space<vmem>>) target_semaphore(%arg14 : memref<!tpu.dma_semaphore, #tpu.memory_space<semaphore_mem>>)
      } else {
      }
      %mul3A_103 = arith.constant 4 : i32
      %mul3A_104 = arith.muli %scan3A_54, %mul3A_103 : i32
      %add3A_105 = arith.constant 2 : i32
      %add3A_106 = arith.addi %mul3A_104, %add3A_105 : i32
      %dma_wait3A_107 = arith.constant 0 : i32
      %dma_wait3A_108 = arith.constant 0 : i32
      %dma_wait3A_109 = tpu.memref_slice %arg10[%dma_wait3A_107, %dma_wait3A_108] : memref<2x128xi32, #tpu.memory_space<vmem>> -> memref<1x128xi32, #tpu.memory_space<vmem>>
      %dma_wait3A_110 = tpu.memref_squeeze %dma_wait3A_109 : memref<1x128xi32, #tpu.memory_space<vmem>> -> memref<128xi32, #tpu.memory_space<vmem>>
      %dma_wait3A_111 = arith.constant 0 : i32
      %dma_wait3A_112 = arith.constant 0 : i32
      %dma_wait3A_113 = tpu.memref_slice %arg6[%dma_wait3A_111, %dma_wait3A_112] : memref<10240x16xf32, #tpu.memory_space<vmem_shared>> -> memref<10240x16xf32, #tpu.memory_space<vmem_shared>>
      tpu.wait_indirect_dma semaphore(%arg18 : memref<!tpu.dma_semaphore, #tpu.memory_space<semaphore_mem>>) src(%dma_wait3A_113 : memref<10240x16xf32, #tpu.memory_space<vmem_shared>>) dst(%arg12 : memref<128x16xf32, #tpu.memory_space<vmem>>)
      %add3A_114 = arith.constant 1 : i32
      %add3A_115 = arith.addi %add3A_106, %add3A_114 : i32
      %lt3A_116 = arith.constant 80 : i32
      %lt3A_117 = arith.cmpi slt, %add3A_115, %lt3A_116 : i32
      %convert_element_type3A_118 = arith.extui %lt3A_117 : i1 to i32
      %cond3A_119 = arith.constant 0 : i32
      %cond3A_120 = arith.cmpi ne, %convert_element_type3A_118, %cond3A_119 : i32
      scf.if %cond3A_120 {
        %dma_wait3A_155 = arith.constant 0 : i32
        %dma_wait3A_156 = arith.constant 0 : i32
        %dma_wait3A_157 = tpu.memref_slice %arg2[%mul3A_4, %dma_wait3A_155, %dma_wait3A_156] : memref<2560x2x128xi32, #tpu.memory_space<hbm>> -> memref<1x2x128xi32, #tpu.memory_space<hbm>>
        %dma_wait3A_158 = tpu.memref_squeeze %dma_wait3A_157 : memref<1x2x128xi32, #tpu.memory_space<hbm>> -> memref<2x128xi32, #tpu.memory_space<hbm>>
        %dma_wait3A_159 = arith.constant 0 : i32
        %dma_wait3A_160 = arith.constant 0 : i32
        %dma_wait3A_161 = tpu.memref_slice %arg2[%mul3A_4, %dma_wait3A_159, %dma_wait3A_160] : memref<2560x2x128xi32, #tpu.memory_space<hbm>> -> memref<1x2x128xi32, #tpu.memory_space<hbm>>
        %dma_wait3A_162 = tpu.memref_squeeze %dma_wait3A_161 : memref<1x2x128xi32, #tpu.memory_space<hbm>> -> memref<2x128xi32, #tpu.memory_space<hbm>>
        tpu.wait_dma2 semaphore(%arg17 : memref<!tpu.dma_semaphore, #tpu.memory_space<semaphore_mem>>) src(%dma_wait3A_162 : memref<2x128xi32, #tpu.memory_space<hbm>>) dst(%arg11 : memref<2x128xi32, #tpu.memory_space<vmem>>)
        %dma_start3A_163 = arith.constant 0 : i32
        %dma_start3A_164 = arith.constant 0 : i32
        %dma_start3A_165 = tpu.memref_slice %arg11[%dma_start3A_163, %dma_start3A_164] : memref<2x128xi32, #tpu.memory_space<vmem>> -> memref<1x128xi32, #tpu.memory_space<vmem>>
        %dma_start3A_166 = tpu.memref_squeeze %dma_start3A_165 : memref<1x128xi32, #tpu.memory_space<vmem>> -> memref<128xi32, #tpu.memory_space<vmem>>
        %dma_start3A_167 = arith.constant 0 : i32
        %dma_start3A_168 = arith.constant 0 : i32
        %dma_start3A_169 = tpu.memref_slice %arg6[%dma_start3A_167, %dma_start3A_168] : memref<10240x16xf32, #tpu.memory_space<vmem_shared>> -> memref<10240x16xf32, #tpu.memory_space<vmem_shared>>
        tpu.enqueue_indirect_dma source(%dma_start3A_169 : memref<10240x16xf32, #tpu.memory_space<vmem_shared>>) target(%arg13 : memref<128x16xf32, #tpu.memory_space<vmem>>) offsets(%dma_start3A_166 : memref<128xi32, #tpu.memory_space<vmem>>) semaphore(%arg19 : memref<!tpu.dma_semaphore, #tpu.memory_space<semaphore_mem>>)
      } else {
      }
      %run_scoped3A_121 = arith.constant 1 : i32
      "tpu.region"() ({
        %run_scoped3A_155 = tpu.sem_alloc : memref<!tpu.dma_semaphore, #tpu.memory_space<semaphore_mem>>
        %dma_start3A_156 = arith.constant 0 : i32
        %dma_start3A_157 = tpu.memref_slice %arg10[%run_scoped3A_121, %dma_start3A_156] : memref<2x128xi32, #tpu.memory_space<vmem>> -> memref<1x128xi32, #tpu.memory_space<vmem>>
        %dma_start3A_158 = tpu.memref_squeeze %dma_start3A_157 : memref<1x128xi32, #tpu.memory_space<vmem>> -> memref<128xi32, #tpu.memory_space<vmem>>
        %dma_start3A_159 = arith.constant 0 : i32
        %dma_start3A_160 = arith.constant 0 : i32
        %dma_start3A_161 = tpu.memref_slice %arg7[%dma_start3A_159, %dma_start3A_160] : memref<10240x16xf32, #tpu.memory_space<vmem_shared>> -> memref<10240x16xf32, #tpu.memory_space<vmem_shared>>
        tpu.enqueue_indirect_dma source(%arg12 : memref<128x16xf32, #tpu.memory_space<vmem>>) target(%dma_start3A_161 : memref<10240x16xf32, #tpu.memory_space<vmem_shared>>) offsets(%dma_start3A_158 : memref<128xi32, #tpu.memory_space<vmem>>) semaphore(%run_scoped3A_155 : memref<!tpu.dma_semaphore, #tpu.memory_space<semaphore_mem>>) {add = true}
        %dma_wait3A_162 = arith.constant 0 : i32
        %dma_wait3A_163 = tpu.memref_slice %arg10[%run_scoped3A_121, %dma_wait3A_162] : memref<2x128xi32, #tpu.memory_space<vmem>> -> memref<1x128xi32, #tpu.memory_space<vmem>>
        %dma_wait3A_164 = tpu.memref_squeeze %dma_wait3A_163 : memref<1x128xi32, #tpu.memory_space<vmem>> -> memref<128xi32, #tpu.memory_space<vmem>>
        %dma_wait3A_165 = arith.constant 0 : i32
        %dma_wait3A_166 = arith.constant 0 : i32
        %dma_wait3A_167 = tpu.memref_slice %arg7[%dma_wait3A_165, %dma_wait3A_166] : memref<10240x16xf32, #tpu.memory_space<vmem_shared>> -> memref<10240x16xf32, #tpu.memory_space<vmem_shared>>
        tpu.wait_indirect_dma semaphore(%run_scoped3A_155 : memref<!tpu.dma_semaphore, #tpu.memory_space<semaphore_mem>>) src(%arg12 : memref<128x16xf32, #tpu.memory_space<vmem>>) dst(%dma_wait3A_167 : memref<10240x16xf32, #tpu.memory_space<vmem_shared>>)
        tpu.yield
      }) : () -> ()
      %add3A_122 = arith.constant 3 : i32
      %add3A_123 = arith.addi %add3A_106, %add3A_122 : i32
      %lt3A_124 = arith.constant 80 : i32
      %lt3A_125 = arith.cmpi slt, %add3A_123, %lt3A_124 : i32
      %convert_element_type3A_126 = arith.extui %lt3A_125 : i1 to i32
      %cond3A_127 = arith.constant 0 : i32
      %cond3A_128 = arith.cmpi ne, %convert_element_type3A_126, %cond3A_127 : i32
      scf.if %cond3A_128 {
        %add3A_155 = arith.addi %mul3A_4, %add3A_106 : i32
        %add3A_156 = arith.constant 3 : i32
        %add3A_157 = arith.addi %add3A_155, %add3A_156 : i32
        %dma_start3A_158 = arith.constant 0 : i32
        %dma_start3A_159 = arith.constant 0 : i32
        %dma_start3A_160 = tpu.memref_slice %arg2[%add3A_157, %dma_start3A_158, %dma_start3A_159] : memref<2560x2x128xi32, #tpu.memory_space<hbm>> -> memref<1x2x128xi32, #tpu.memory_space<hbm>>
        %dma_start3A_161 = tpu.memref_squeeze %dma_start3A_160 : memref<1x2x128xi32, #tpu.memory_space<hbm>> -> memref<2x128xi32, #tpu.memory_space<hbm>>
        %dma_start3A_162 = arith.constant 0 : i32
        %dma_start3A_163 = arith.constant 0 : i32
        %dma_start3A_164 = tpu.memref_slice %arg2[%add3A_157, %dma_start3A_162, %dma_start3A_163] : memref<2560x2x128xi32, #tpu.memory_space<hbm>> -> memref<1x2x128xi32, #tpu.memory_space<hbm>>
        %dma_start3A_165 = tpu.memref_squeeze %dma_start3A_164 : memref<1x2x128xi32, #tpu.memory_space<hbm>> -> memref<2x128xi32, #tpu.memory_space<hbm>>
        tpu.enqueue_dma source(%dma_start3A_165 : memref<2x128xi32, #tpu.memory_space<hbm>>) target(%arg9 : memref<2x128xi32, #tpu.memory_space<vmem>>) target_semaphore(%arg15 : memref<!tpu.dma_semaphore, #tpu.memory_space<semaphore_mem>>)
      } else {
      }
      %mul3A_129 = arith.constant 4 : i32
      %mul3A_130 = arith.muli %scan3A_54, %mul3A_129 : i32
      %add3A_131 = arith.constant 3 : i32
      %add3A_132 = arith.addi %mul3A_130, %add3A_131 : i32
      %dma_wait3A_133 = arith.constant 0 : i32
      %dma_wait3A_134 = arith.constant 0 : i32
      %dma_wait3A_135 = tpu.memref_slice %arg11[%dma_wait3A_133, %dma_wait3A_134] : memref<2x128xi32, #tpu.memory_space<vmem>> -> memref<1x128xi32, #tpu.memory_space<vmem>>
      %dma_wait3A_136 = tpu.memref_squeeze %dma_wait3A_135 : memref<1x128xi32, #tpu.memory_space<vmem>> -> memref<128xi32, #tpu.memory_space<vmem>>
      %dma_wait3A_137 = arith.constant 0 : i32
      %dma_wait3A_138 = arith.constant 0 : i32
      %dma_wait3A_139 = tpu.memref_slice %arg6[%dma_wait3A_137, %dma_wait3A_138] : memref<10240x16xf32, #tpu.memory_space<vmem_shared>> -> memref<10240x16xf32, #tpu.memory_space<vmem_shared>>
      tpu.wait_indirect_dma semaphore(%arg19 : memref<!tpu.dma_semaphore, #tpu.memory_space<semaphore_mem>>) src(%dma_wait3A_139 : memref<10240x16xf32, #tpu.memory_space<vmem_shared>>) dst(%arg13 : memref<128x16xf32, #tpu.memory_space<vmem>>)
      %add3A_140 = arith.constant 1 : i32
      %add3A_141 = arith.addi %add3A_132, %add3A_140 : i32
      %lt3A_142 = arith.constant 80 : i32
      %lt3A_143 = arith.cmpi slt, %add3A_141, %lt3A_142 : i32
      %convert_element_type3A_144 = arith.extui %lt3A_143 : i1 to i32
      %cond3A_145 = arith.constant 0 : i32
      %cond3A_146 = arith.cmpi ne, %convert_element_type3A_144, %cond3A_145 : i32
      scf.if %cond3A_146 {
        %dma_wait3A_155 = arith.constant 0 : i32
        %dma_wait3A_156 = arith.constant 0 : i32
        %dma_wait3A_157 = tpu.memref_slice %arg2[%mul3A_4, %dma_wait3A_155, %dma_wait3A_156] : memref<2560x2x128xi32, #tpu.memory_space<hbm>> -> memref<1x2x128xi32, #tpu.memory_space<hbm>>
        %dma_wait3A_158 = tpu.memref_squeeze %dma_wait3A_157 : memref<1x2x128xi32, #tpu.memory_space<hbm>> -> memref<2x128xi32, #tpu.memory_space<hbm>>
        %dma_wait3A_159 = arith.constant 0 : i32
        %dma_wait3A_160 = arith.constant 0 : i32
        %dma_wait3A_161 = tpu.memref_slice %arg2[%mul3A_4, %dma_wait3A_159, %dma_wait3A_160] : memref<2560x2x128xi32, #tpu.memory_space<hbm>> -> memref<1x2x128xi32, #tpu.memory_space<hbm>>
        %dma_wait3A_162 = tpu.memref_squeeze %dma_wait3A_161 : memref<1x2x128xi32, #tpu.memory_space<hbm>> -> memref<2x128xi32, #tpu.memory_space<hbm>>
        tpu.wait_dma2 semaphore(%arg14 : memref<!tpu.dma_semaphore, #tpu.memory_space<semaphore_mem>>) src(%dma_wait3A_162 : memref<2x128xi32, #tpu.memory_space<hbm>>) dst(%arg8 : memref<2x128xi32, #tpu.memory_space<vmem>>)
        %dma_start3A_163 = arith.constant 0 : i32
        %dma_start3A_164 = arith.constant 0 : i32
        %dma_start3A_165 = tpu.memref_slice %arg8[%dma_start3A_163, %dma_start3A_164] : memref<2x128xi32, #tpu.memory_space<vmem>> -> memref<1x128xi32, #tpu.memory_space<vmem>>
        %dma_start3A_166 = tpu.memref_squeeze %dma_start3A_165 : memref<1x128xi32, #tpu.memory_space<vmem>> -> memref<128xi32, #tpu.memory_space<vmem>>
        %dma_start3A_167 = arith.constant 0 : i32
        %dma_start3A_168 = arith.constant 0 : i32
        %dma_start3A_169 = tpu.memref_slice %arg6[%dma_start3A_167, %dma_start3A_168] : memref<10240x16xf32, #tpu.memory_space<vmem_shared>> -> memref<10240x16xf32, #tpu.memory_space<vmem_shared>>
        tpu.enqueue_indirect_dma source(%dma_start3A_169 : memref<10240x16xf32, #tpu.memory_space<vmem_shared>>) target(%arg12 : memref<128x16xf32, #tpu.memory_space<vmem>>) offsets(%dma_start3A_166 : memref<128xi32, #tpu.memory_space<vmem>>) semaphore(%arg18 : memref<!tpu.dma_semaphore, #tpu.memory_space<semaphore_mem>>)
      } else {
      }
      %run_scoped3A_147 = arith.constant 1 : i32
      "tpu.region"() ({
        %run_scoped3A_155 = tpu.sem_alloc : memref<!tpu.dma_semaphore, #tpu.memory_space<semaphore_mem>>
        %dma_start3A_156 = arith.constant 0 : i32
        %dma_start3A_157 = tpu.memref_slice %arg11[%run_scoped3A_147, %dma_start3A_156] : memref<2x128xi32, #tpu.memory_space<vmem>> -> memref<1x128xi32, #tpu.memory_space<vmem>>
        %dma_start3A_158 = tpu.memref_squeeze %dma_start3A_157 : memref<1x128xi32, #tpu.memory_space<vmem>> -> memref<128xi32, #tpu.memory_space<vmem>>
        %dma_start3A_159 = arith.constant 0 : i32
        %dma_start3A_160 = arith.constant 0 : i32
        %dma_start3A_161 = tpu.memref_slice %arg7[%dma_start3A_159, %dma_start3A_160] : memref<10240x16xf32, #tpu.memory_space<vmem_shared>> -> memref<10240x16xf32, #tpu.memory_space<vmem_shared>>
        tpu.enqueue_indirect_dma source(%arg13 : memref<128x16xf32, #tpu.memory_space<vmem>>) target(%dma_start3A_161 : memref<10240x16xf32, #tpu.memory_space<vmem_shared>>) offsets(%dma_start3A_158 : memref<128xi32, #tpu.memory_space<vmem>>) semaphore(%run_scoped3A_155 : memref<!tpu.dma_semaphore, #tpu.memory_space<semaphore_mem>>) {add = true}
        %dma_wait3A_162 = arith.constant 0 : i32
        %dma_wait3A_163 = tpu.memref_slice %arg11[%run_scoped3A_147, %dma_wait3A_162] : memref<2x128xi32, #tpu.memory_space<vmem>> -> memref<1x128xi32, #tpu.memory_space<vmem>>
        %dma_wait3A_164 = tpu.memref_squeeze %dma_wait3A_163 : memref<1x128xi32, #tpu.memory_space<vmem>> -> memref<128xi32, #tpu.memory_space<vmem>>
        %dma_wait3A_165 = arith.constant 0 : i32
        %dma_wait3A_166 = arith.constant 0 : i32
        %dma_wait3A_167 = tpu.memref_slice %arg7[%dma_wait3A_165, %dma_wait3A_166] : memref<10240x16xf32, #tpu.memory_space<vmem_shared>> -> memref<10240x16xf32, #tpu.memory_space<vmem_shared>>
        tpu.wait_indirect_dma semaphore(%run_scoped3A_155 : memref<!tpu.dma_semaphore, #tpu.memory_space<semaphore_mem>>) src(%arg13 : memref<128x16xf32, #tpu.memory_space<vmem>>) dst(%dma_wait3A_167 : memref<10240x16xf32, #tpu.memory_space<vmem_shared>>)
        tpu.yield
      }) : () -> ()
      %add3A_148 = arith.constant 3 : i32
      %add3A_149 = arith.addi %add3A_132, %add3A_148 : i32
      %lt3A_150 = arith.constant 80 : i32
      %lt3A_151 = arith.cmpi slt, %add3A_149, %lt3A_150 : i32
      %convert_element_type3A_152 = arith.extui %lt3A_151 : i1 to i32
      %cond3A_153 = arith.constant 0 : i32
      %cond3A_154 = arith.cmpi ne, %convert_element_type3A_152, %cond3A_153 : i32
      scf.if %cond3A_154 {
        %add3A_155 = arith.addi %mul3A_4, %add3A_132 : i32
        %add3A_156 = arith.constant 3 : i32
        %add3A_157 = arith.addi %add3A_155, %add3A_156 : i32
        %dma_start3A_158 = arith.constant 0 : i32
        %dma_start3A_159 = arith.constant 0 : i32
        %dma_start3A_160 = tpu.memref_slice %arg2[%add3A_157, %dma_start3A_158, %dma_start3A_159] : memref<2560x2x128xi32, #tpu.memory_space<hbm>> -> memref<1x2x128xi32, #tpu.memory_space<hbm>>
        %dma_start3A_161 = tpu.memref_squeeze %dma_start3A_160 : memref<1x2x128xi32, #tpu.memory_space<hbm>> -> memref<2x128xi32, #tpu.memory_space<hbm>>
        %dma_start3A_162 = arith.constant 0 : i32
        %dma_start3A_163 = arith.constant 0 : i32
        %dma_start3A_164 = tpu.memref_slice %arg2[%add3A_157, %dma_start3A_162, %dma_start3A_163] : memref<2560x2x128xi32, #tpu.memory_space<hbm>> -> memref<1x2x128xi32, #tpu.memory_space<hbm>>
        %dma_start3A_165 = tpu.memref_squeeze %dma_start3A_164 : memref<1x2x128xi32, #tpu.memory_space<hbm>> -> memref<2x128xi32, #tpu.memory_space<hbm>>
        tpu.enqueue_dma source(%dma_start3A_165 : memref<2x128xi32, #tpu.memory_space<hbm>>) target(%arg10 : memref<2x128xi32, #tpu.memory_space<vmem>>) target_semaphore(%arg16 : memref<!tpu.dma_semaphore, #tpu.memory_space<semaphore_mem>>)
      } else {
      }
    }
    %scan3A_52 = arith.constant 20 : i32
    %barrier3A_53 = arith.constant 0 : index
    tpu.barrier barrier_id(%barrier3A_53)
    "tpu.region"() ({
      %run_scoped3A = tpu.sem_alloc : memref<!tpu.dma_semaphore, #tpu.memory_space<semaphore_mem>>
      %dma_start3A_54 = arith.constant 0 : i32
      %dma_start3A_55 = tpu.memref_slice %arg5[%arg0, %mul3A_0, %dma_start3A_54] : memref<2x10240x16xf32, #tpu.memory_space<hbm>> -> memref<1x640x16xf32, #tpu.memory_space<hbm>>
      %dma_start3A_56 = tpu.memref_squeeze %dma_start3A_55 : memref<1x640x16xf32, #tpu.memory_space<hbm>> -> memref<640x16xf32, #tpu.memory_space<hbm>>
      %dma_start3A_57 = arith.constant 0 : i32
      %dma_start3A_58 = tpu.memref_slice %arg7[%mul3A_0, %dma_start3A_57] : memref<10240x16xf32, #tpu.memory_space<vmem_shared>> -> memref<640x16xf32, #tpu.memory_space<vmem_shared>>
      tpu.enqueue_dma source(%dma_start3A_58 : memref<640x16xf32, #tpu.memory_space<vmem_shared>>) target(%dma_start3A_56 : memref<640x16xf32, #tpu.memory_space<hbm>>) target_semaphore(%run_scoped3A : memref<!tpu.dma_semaphore, #tpu.memory_space<semaphore_mem>>)
      %dma_wait3A_59 = arith.constant 0 : i32
      %dma_wait3A_60 = tpu.memref_slice %arg5[%arg0, %mul3A_0, %dma_wait3A_59] : memref<2x10240x16xf32, #tpu.memory_space<hbm>> -> memref<1x640x16xf32, #tpu.memory_space<hbm>>
      %dma_wait3A_61 = tpu.memref_squeeze %dma_wait3A_60 : memref<1x640x16xf32, #tpu.memory_space<hbm>> -> memref<640x16xf32, #tpu.memory_space<hbm>>
      %dma_wait3A_62 = arith.constant 0 : i32
      %dma_wait3A_63 = tpu.memref_slice %arg7[%mul3A_0, %dma_wait3A_62] : memref<10240x16xf32, #tpu.memory_space<vmem_shared>> -> memref<640x16xf32, #tpu.memory_space<vmem_shared>>
      tpu.wait_dma2 semaphore(%run_scoped3A : memref<!tpu.dma_semaphore, #tpu.memory_space<semaphore_mem>>) src(%dma_wait3A_63 : memref<640x16xf32, #tpu.memory_space<vmem_shared>>) dst(%dma_wait3A_61 : memref<640x16xf32, #tpu.memory_space<hbm>>)
      tpu.yield
    }) : () -> ()
    return
  }
}

module attributes {stable_mosaic.version = 14 : i64} {
  func.func @_mm_body(%arg0: i32, %arg1: memref<1024x128xf32, #tpu.memory_space<vmem>>, %arg2: memref<128x128xf32, #tpu.memory_space<vmem>>, %arg3: memref<1024x128xf32, #tpu.memory_space<vmem>>) attributes {dimension_semantics = [#tpu.dimension_semantics<arbitrary>], iteration_bounds = array<i64: 10>, scalar_prefetch = 0 : i64, scratch_operands = 0 : i64, tpu.core_type = #tpu.core_type<tc>, window_params = [{transform_indices = @transform_0, window_bounds = array<i64: 1024, 128>}, {pipeline_mode = #tpu.pipeline_mode<synchronous>, transform_indices = @transform_1, window_bounds = array<i64: 128, 128>}, {transform_indices = @transform_2, window_bounds = array<i64: 1024, 128>}]} {
    %get3A = arith.constant 0 : index
    %get3A_0 = arith.constant 0 : index
    %get3A_1 = vector.load %arg1[%get3A, %get3A_0] : memref<1024x128xf32, #tpu.memory_space<vmem>>, vector<1024x128xf32>
    %get3A_2 = arith.constant 0 : index
    %get3A_3 = arith.constant 0 : index
    %get3A_4 = vector.load %arg2[%get3A_2, %get3A_3] : memref<128x128xf32, #tpu.memory_space<vmem>>, vector<128x128xf32>
    %dot_general3A = arith.constant dense<0.000000e+00> : vector<1024x128xf32>
    %dot_general3A_5 = tpu.matmul %get3A_1, %get3A_4, %dot_general3A {dimension_numbers = #tpu.dot_dimension_numbers<[1], [0], [0], [1], [0, 0, 1, 1], [], []>, transpose_lhs_hint = false} : vector<1024x128xf32>, vector<128x128xf32>, vector<1024x128xf32> -> vector<1024x128xf32>
    %swap3A = arith.constant 0 : index
    %swap3A_6 = arith.constant 0 : index
    %swap3A_7 = vector.load %arg3[%swap3A, %swap3A_6] : memref<1024x128xf32, #tpu.memory_space<vmem>>, vector<1024x128xf32>
    tpu.vector_store %arg3[%swap3A, %swap3A_6], %dot_general3A_5 {strides = array<i32>} : memref<1024x128xf32, #tpu.memory_space<vmem>>, vector<1024x128xf32>,
    return
  }
  func.func @transform_0(%arg0: i32) -> (i32, i32) {
    %c0_i32 = arith.constant 0 : i32
    %c0_i32_0 = arith.constant 0 : i32
    return %arg0, %c0_i32 : i32, i32
  }
  func.func @transform_1(%arg0: i32) -> (i32, i32) {
    %c0_i32 = arith.constant 0 : i32
    %c0_i32_0 = arith.constant 0 : i32
    %c0_i32_1 = arith.constant 0 : i32
    return %c0_i32, %c0_i32_0 : i32, i32
  }
  func.func @transform_2(%arg0: i32) -> (i32, i32) {
    %c0_i32 = arith.constant 0 : i32
    %c0_i32_0 = arith.constant 0 : i32
    return %arg0, %c0_i32 : i32, i32
  }
}

module attributes {stable_mosaic.version = 14 : i64} {
  func.func @_scale_body(%arg0: i32, %arg1: memref<1024x128xf32, #tpu.memory_space<vmem>>, %arg2: memref<2x1024x8xf32, #tpu.memory_space<vmem>>, %arg3: memref<1024x128xf32, #tpu.memory_space<vmem>>) attributes {dimension_semantics = [#tpu.dimension_semantics<arbitrary>], iteration_bounds = array<i64: 10>, scalar_prefetch = 0 : i64, scratch_operands = 0 : i64, tpu.core_type = #tpu.core_type<tc>, window_params = [{transform_indices = @transform_0, window_bounds = array<i64: 1024, 128>}, {transform_indices = @transform_1, window_bounds = array<i64: 2, 1024, 8>}, {transform_indices = @transform_2, window_bounds = array<i64: 1024, 128>}]} {
    %get3A = arith.constant 0 : index
    %get3A_0 = arith.constant 0 : index
    %get3A_1 = arith.constant 0 : index
    %get3A_2 = vector.load %arg2[%get3A, %get3A_0, %get3A_1] : memref<2x1024x8xf32, #tpu.memory_space<vmem>>, vector<1x1024x1xf32>
    %get3A_3 = vector.shape_cast %get3A_2 : vector<1x1024x1xf32> to vector<1024x1xf32>
    %get3A_4 = arith.constant 1 : index
    %get3A_5 = arith.constant 0 : index
    %get3A_6 = arith.constant 0 : index
    %get3A_7 = vector.load %arg2[%get3A_4, %get3A_5, %get3A_6] : memref<2x1024x8xf32, #tpu.memory_space<vmem>>, vector<1x1024x1xf32>
    %get3A_8 = vector.shape_cast %get3A_7 : vector<1x1024x1xf32> to vector<1024x1xf32>
    %add3A = arith.addf %get3A_3, %get3A_8 : vector<1024x1xf32>
    %add3A_9 = arith.constant 1.000000e+00 : f32
    %add3A_10 = vector.broadcast %add3A_9 : f32 to vector<1024x1xf32>
    %add3A_11 = arith.addf %add3A, %add3A_10 : vector<1024x1xf32>
    %rsqrt3A = math.rsqrt %add3A_11 : vector<1024x1xf32>
    %get3A_12 = arith.constant 0 : index
    %get3A_13 = arith.constant 0 : index
    %get3A_14 = vector.load %arg1[%get3A_12, %get3A_13] : memref<1024x128xf32, #tpu.memory_space<vmem>>, vector<1024x128xf32>
    %mul3A = vector.broadcast %rsqrt3A : vector<1024x1xf32> to vector<1024x128xf32>
    %mul3A_15 = arith.mulf %mul3A, %get3A_14 : vector<1024x128xf32>
    %swap3A = arith.constant 0 : index
    %swap3A_16 = arith.constant 0 : index
    %swap3A_17 = vector.load %arg3[%swap3A, %swap3A_16] : memref<1024x128xf32, #tpu.memory_space<vmem>>, vector<1024x128xf32>
    tpu.vector_store %arg3[%swap3A, %swap3A_16], %mul3A_15 {strides = array<i32>} : memref<1024x128xf32, #tpu.memory_space<vmem>>, vector<1024x128xf32>,
    return
  }
  func.func @transform_0(%arg0: i32) -> (i32, i32) {
    %c0_i32 = arith.constant 0 : i32
    %c0_i32_0 = arith.constant 0 : i32
    return %arg0, %c0_i32 : i32, i32
  }
  func.func @transform_1(%arg0: i32) -> (i32, i32, i32) {
    %c0_i32 = arith.constant 0 : i32
    %c0_i32_0 = arith.constant 0 : i32
    %c0_i32_1 = arith.constant 0 : i32
    return %c0_i32, %arg0, %c0_i32_0 : i32, i32, i32
  }
  func.func @transform_2(%arg0: i32) -> (i32, i32) {
    %c0_i32 = arith.constant 0 : i32
    %c0_i32_0 = arith.constant 0 : i32
    return %arg0, %c0_i32 : i32, i32
  }
}

module attributes {stable_mosaic.version = 14 : i64} {
  func.func @_tc2_body(%arg0: i32, %arg1: memref<2x1024x64xf32, #tpu.memory_space<vmem>>, %arg2: memref<1024x128xf32, #tpu.memory_space<vmem>>, %arg3: memref<2x1024x8xf32, #tpu.memory_space<vmem>>, %arg4: memref<128x16xf32, #tpu.memory_space<vmem>>, %arg5: memref<1x128xf32, #tpu.memory_space<vmem>>, %arg6: memref<1024x16xf32, #tpu.memory_space<vmem>>) attributes {dimension_semantics = [#tpu.dimension_semantics<arbitrary>], iteration_bounds = array<i64: 10>, scalar_prefetch = 0 : i64, scratch_operands = 0 : i64, tpu.core_type = #tpu.core_type<tc>, window_params = [{transform_indices = @transform_0, window_bounds = array<i64: 2, 1024, 64>}, {transform_indices = @transform_1, window_bounds = array<i64: 1024, 128>}, {transform_indices = @transform_2, window_bounds = array<i64: 2, 1024, 8>}, {pipeline_mode = #tpu.pipeline_mode<synchronous>, transform_indices = @transform_3, window_bounds = array<i64: 128, 16>}, {pipeline_mode = #tpu.pipeline_mode<synchronous>, transform_indices = @transform_4, window_bounds = array<i64: 1, 128>}, {transform_indices = @transform_5, window_bounds = array<i64: 1024, 16>}]} {
    %get3A = arith.constant 0 : index
    %get3A_0 = arith.constant 0 : index
    %get3A_1 = arith.constant 0 : index
    %get3A_2 = vector.load %arg3[%get3A, %get3A_0, %get3A_1] : memref<2x1024x8xf32, #tpu.memory_space<vmem>>, vector<1x1024x1xf32>
    %get3A_3 = vector.shape_cast %get3A_2 : vector<1x1024x1xf32> to vector<1024x1xf32>
    %get3A_4 = arith.constant 1 : index
    %get3A_5 = arith.constant 0 : index
    %get3A_6 = arith.constant 0 : index
    %get3A_7 = vector.load %arg3[%get3A_4, %get3A_5, %get3A_6] : memref<2x1024x8xf32, #tpu.memory_space<vmem>>, vector<1x1024x1xf32>
    %get3A_8 = vector.shape_cast %get3A_7 : vector<1x1024x1xf32> to vector<1024x1xf32>
    %add3A = arith.addf %get3A_3, %get3A_8 : vector<1024x1xf32>
    %add3A_9 = arith.constant 1.000000e+00 : f32
    %add3A_10 = vector.broadcast %add3A_9 : f32 to vector<1024x1xf32>
    %add3A_11 = arith.addf %add3A, %add3A_10 : vector<1024x1xf32>
    %rsqrt3A = math.rsqrt %add3A_11 : vector<1024x1xf32>
    %get3A_12 = arith.constant 0 : index
    %get3A_13 = arith.constant 0 : index
    %get3A_14 = arith.constant 0 : index
    %get3A_15 = vector.load %arg1[%get3A_12, %get3A_13, %get3A_14] : memref<2x1024x64xf32, #tpu.memory_space<vmem>>, vector<1x1024x64xf32>
    %get3A_16 = vector.shape_cast %get3A_15 : vector<1x1024x64xf32> to vector<1024x64xf32>
    %get3A_17 = arith.constant 1 : index
    %get3A_18 = arith.constant 0 : index
    %get3A_19 = arith.constant 0 : index
    %get3A_20 = vector.load %arg1[%get3A_17, %get3A_18, %get3A_19] : memref<2x1024x64xf32, #tpu.memory_space<vmem>>, vector<1x1024x64xf32>
    %get3A_21 = vector.shape_cast %get3A_20 : vector<1x1024x64xf32> to vector<1024x64xf32>
    %concatenate3A = tpu.concatenate %get3A_16, %get3A_21 in 1 : vector<1024x64xf32>, vector<1024x64xf32> -> vector<1024x128xf32>
    %get3A_22 = arith.constant 0 : index
    %get3A_23 = arith.constant 0 : index
    %get3A_24 = vector.load %arg2[%get3A_22, %get3A_23] : memref<1024x128xf32, #tpu.memory_space<vmem>>, vector<1024x128xf32>
    %add3A_25 = arith.addf %concatenate3A, %get3A_24 : vector<1024x128xf32>
    %mul3A = vector.broadcast %rsqrt3A : vector<1024x1xf32> to vector<1024x128xf32>
    %mul3A_26 = arith.mulf %mul3A, %add3A_25 : vector<1024x128xf32>
    %get3A_27 = arith.constant 0 : index
    %get3A_28 = arith.constant 0 : index
    %get3A_29 = vector.load %arg5[%get3A_27, %get3A_28] : memref<1x128xf32, #tpu.memory_space<vmem>>, vector<1x128xf32>
    %add3A_30 = vector.broadcast %get3A_29 : vector<1x128xf32> to vector<1024x128xf32>
    %add3A_31 = arith.addf %mul3A_26, %add3A_30 : vector<1024x128xf32>
    %max3A = arith.constant 0.000000e+00 : f32
    %max3A_32 = vector.broadcast %max3A : f32 to vector<1024x128xf32>
    %max3A_33 = arith.maximumf %add3A_31, %max3A_32 : vector<1024x128xf32>
    %get3A_34 = arith.constant 0 : index
    %get3A_35 = arith.constant 0 : index
    %get3A_36 = vector.load %arg4[%get3A_34, %get3A_35] : memref<128x16xf32, #tpu.memory_space<vmem>>, vector<128x16xf32>
    %dot_general3A = arith.constant dense<0.000000e+00> : vector<1024x16xf32>
    %dot_general3A_37 = tpu.matmul %max3A_33, %get3A_36, %dot_general3A {dimension_numbers = #tpu.dot_dimension_numbers<[1], [0], [0], [1], [0, 0, 1, 1], [], []>, transpose_lhs_hint = false} : vector<1024x128xf32>, vector<128x16xf32>, vector<1024x16xf32> -> vector<1024x16xf32>
    %mul3A_38 = vector.broadcast %rsqrt3A : vector<1024x1xf32> to vector<1024x16xf32>
    %mul3A_39 = arith.mulf %mul3A_38, %dot_general3A_37 : vector<1024x16xf32>
    %swap3A = arith.constant 0 : index
    %swap3A_40 = arith.constant 0 : index
    %swap3A_41 = vector.load %arg6[%swap3A, %swap3A_40] : memref<1024x16xf32, #tpu.memory_space<vmem>>, vector<1024x16xf32>
    tpu.vector_store %arg6[%swap3A, %swap3A_40], %mul3A_39 {strides = array<i32>} : memref<1024x16xf32, #tpu.memory_space<vmem>>, vector<1024x16xf32>,
    return
  }
  func.func @transform_0(%arg0: i32) -> (i32, i32, i32) {
    %c0_i32 = arith.constant 0 : i32
    %c0_i32_0 = arith.constant 0 : i32
    %c0_i32_1 = arith.constant 0 : i32
    return %c0_i32, %arg0, %c0_i32_0 : i32, i32, i32
  }
  func.func @transform_1(%arg0: i32) -> (i32, i32) {
    %c0_i32 = arith.constant 0 : i32
    %c0_i32_0 = arith.constant 0 : i32
    return %arg0, %c0_i32 : i32, i32
  }
  func.func @transform_2(%arg0: i32) -> (i32, i32, i32) {
    %c0_i32 = arith.constant 0 : i32
    %c0_i32_0 = arith.constant 0 : i32
    %c0_i32_1 = arith.constant 0 : i32
    return %c0_i32, %arg0, %c0_i32_0 : i32, i32, i32
  }
  func.func @transform_3(%arg0: i32) -> (i32, i32) {
    %c0_i32 = arith.constant 0 : i32
    %c0_i32_0 = arith.constant 0 : i32
    %c0_i32_1 = arith.constant 0 : i32
    return %c0_i32, %c0_i32_0 : i32, i32
  }
  func.func @transform_4(%arg0: i32) -> (i32, i32) {
    %c0_i32 = arith.constant 0 : i32
    %c0_i32_0 = arith.constant 0 : i32
    %c0_i32_1 = arith.constant 0 : i32
    return %c0_i32, %c0_i32_0 : i32, i32
  }
  func.func @transform_5(%arg0: i32) -> (i32, i32) {
    %c0_i32 = arith.constant 0 : i32
    %c0_i32_0 = arith.constant 0 : i32
    return %arg0, %c0_i32 : i32, i32
  }
}

module attributes {stable_mosaic.version = 14 : i64} {
  func.func @_tc3_body(%arg0: i32, %arg1: memref<2x1000x16xf32, #tpu.memory_space<vmem>>, %arg2: memref<1000x16xf32, #tpu.memory_space<vmem>>, %arg3: memref<2x1000x8xf32, #tpu.memory_space<vmem>>, %arg4: memref<1x16xf32, #tpu.memory_space<vmem>>, %arg5: memref<1000x2xf32, #tpu.memory_space<vmem>>, %arg6: memref<1000x2xf32, #tpu.memory_space<vmem>>) attributes {dimension_semantics = [#tpu.dimension_semantics<arbitrary>], iteration_bounds = array<i64: 10>, scalar_prefetch = 0 : i64, scratch_operands = 0 : i64, tpu.core_type = #tpu.core_type<tc>, window_params = [{transform_indices = @transform_0, window_bounds = array<i64: 2, 1000, 16>}, {transform_indices = @transform_1, window_bounds = array<i64: 1000, 16>}, {transform_indices = @transform_2, window_bounds = array<i64: 2, 1000, 8>}, {pipeline_mode = #tpu.pipeline_mode<synchronous>, transform_indices = @transform_3, window_bounds = array<i64: 1, 16>}, {transform_indices = @transform_4, window_bounds = array<i64: 1000, 2>}, {transform_indices = @transform_5, window_bounds = array<i64: 1000, 2>}]} {
    %get3A = arith.constant 0 : index
    %get3A_0 = arith.constant 0 : index
    %get3A_1 = arith.constant 0 : index
    %get3A_2 = vector.load %arg3[%get3A, %get3A_0, %get3A_1] : memref<2x1000x8xf32, #tpu.memory_space<vmem>>, vector<1x1000x1xf32>
    %get3A_3 = vector.shape_cast %get3A_2 : vector<1x1000x1xf32> to vector<1000x1xf32>
    %get3A_4 = arith.constant 1 : index
    %get3A_5 = arith.constant 0 : index
    %get3A_6 = arith.constant 0 : index
    %get3A_7 = vector.load %arg3[%get3A_4, %get3A_5, %get3A_6] : memref<2x1000x8xf32, #tpu.memory_space<vmem>>, vector<1x1000x1xf32>
    %get3A_8 = vector.shape_cast %get3A_7 : vector<1x1000x1xf32> to vector<1000x1xf32>
    %add3A = arith.addf %get3A_3, %get3A_8 : vector<1000x1xf32>
    %add3A_9 = arith.constant 1.000000e+00 : f32
    %add3A_10 = vector.broadcast %add3A_9 : f32 to vector<1000x1xf32>
    %add3A_11 = arith.addf %add3A, %add3A_10 : vector<1000x1xf32>
    %rsqrt3A = math.rsqrt %add3A_11 : vector<1000x1xf32>
    %get3A_12 = arith.constant 0 : index
    %get3A_13 = arith.constant 0 : index
    %get3A_14 = arith.constant 0 : index
    %get3A_15 = vector.load %arg1[%get3A_12, %get3A_13, %get3A_14] : memref<2x1000x16xf32, #tpu.memory_space<vmem>>, vector<1x1000x16xf32>
    %get3A_16 = vector.shape_cast %get3A_15 : vector<1x1000x16xf32> to vector<1000x16xf32>
    %get3A_17 = arith.constant 1 : index
    %get3A_18 = arith.constant 0 : index
    %get3A_19 = arith.constant 0 : index
    %get3A_20 = vector.load %arg1[%get3A_17, %get3A_18, %get3A_19] : memref<2x1000x16xf32, #tpu.memory_space<vmem>>, vector<1x1000x16xf32>
    %get3A_21 = vector.shape_cast %get3A_20 : vector<1x1000x16xf32> to vector<1000x16xf32>
    %add3A_22 = arith.addf %get3A_16, %get3A_21 : vector<1000x16xf32>
    %get3A_23 = arith.constant 0 : index
    %get3A_24 = arith.constant 0 : index
    %get3A_25 = vector.load %arg2[%get3A_23, %get3A_24] : memref<1000x16xf32, #tpu.memory_space<vmem>>, vector<1000x16xf32>
    %add3A_26 = arith.addf %add3A_22, %get3A_25 : vector<1000x16xf32>
    %mul3A = vector.broadcast %rsqrt3A : vector<1000x1xf32> to vector<1000x16xf32>
    %mul3A_27 = arith.mulf %mul3A, %add3A_26 : vector<1000x16xf32>
    %get3A_28 = arith.constant 0 : index
    %get3A_29 = arith.constant 0 : index
    %get3A_30 = vector.load %arg4[%get3A_28, %get3A_29] : memref<1x16xf32, #tpu.memory_space<vmem>>, vector<1x16xf32>
    %add3A_31 = vector.broadcast %get3A_30 : vector<1x16xf32> to vector<1000x16xf32>
    %add3A_32 = arith.addf %mul3A_27, %add3A_31 : vector<1000x16xf32>
    %slice3A = vector.extract_strided_slice %add3A_32 {offsets = [0, 0], sizes = [1000, 2], strides = [1, 1]} : vector<1000x16xf32> to vector<1000x2xf32>
    %swap3A = arith.constant 0 : index
    %swap3A_33 = arith.constant 0 : index
    %swap3A_34 = vector.load %arg5[%swap3A, %swap3A_33] : memref<1000x2xf32, #tpu.memory_space<vmem>>, vector<1000x2xf32>
    tpu.vector_store %arg5[%swap3A, %swap3A_33], %slice3A {strides = array<i32>} : memref<1000x2xf32, #tpu.memory_space<vmem>>, vector<1000x2xf32>,
    %slice3A_35 = vector.extract_strided_slice %add3A_32 {offsets = [0, 2], sizes = [1000, 2], strides = [1, 1]} : vector<1000x16xf32> to vector<1000x2xf32>
    %swap3A_36 = arith.constant 0 : index
    %swap3A_37 = arith.constant 0 : index
    %swap3A_38 = vector.load %arg6[%swap3A_36, %swap3A_37] : memref<1000x2xf32, #tpu.memory_space<vmem>>, vector<1000x2xf32>
    tpu.vector_store %arg6[%swap3A_36, %swap3A_37], %slice3A_35 {strides = array<i32>} : memref<1000x2xf32, #tpu.memory_space<vmem>>, vector<1000x2xf32>,
    return
  }
  func.func @transform_0(%arg0: i32) -> (i32, i32, i32) {
    %c0_i32 = arith.constant 0 : i32
    %c0_i32_0 = arith.constant 0 : i32
    %c0_i32_1 = arith.constant 0 : i32
    return %c0_i32, %arg0, %c0_i32_0 : i32, i32, i32
  }
  func.func @transform_1(%arg0: i32) -> (i32, i32) {
    %c0_i32 = arith.constant 0 : i32
    %c0_i32_0 = arith.constant 0 : i32
    return %arg0, %c0_i32 : i32, i32
  }
  func.func @transform_2(%arg0: i32) -> (i32, i32, i32) {
    %c0_i32 = arith.constant 0 : i32
    %c0_i32_0 = arith.constant 0 : i32
    %c0_i32_1 = arith.constant 0 : i32
    return %c0_i32, %arg0, %c0_i32_0 : i32, i32, i32
  }
  func.func @transform_3(%arg0: i32) -> (i32, i32) {
    %c0_i32 = arith.constant 0 : i32
    %c0_i32_0 = arith.constant 0 : i32
    %c0_i32_1 = arith.constant 0 : i32
    return %c0_i32, %c0_i32_0 : i32, i32
  }
  func.func @transform_4(%arg0: i32) -> (i32, i32) {
    %c0_i32 = arith.constant 0 : i32
    %c0_i32_0 = arith.constant 0 : i32
    return %arg0, %c0_i32 : i32, i32
  }
  func.func @transform_5(%arg0: i32) -> (i32, i32) {
    %c0_i32 = arith.constant 0 : i32
    %c0_i32_0 = arith.constant 0 : i32
    return %arg0, %c0_i32 : i32, i32
  }
}

</mosaic_0001>

<sc_bundles>
// kernel: kernel.12.cloned.1.call-start
scs
__scs_entry_jumppad:
0x0: {  	(pc) =	sbr.rel $0x88, $3  }
0x1: {  	(tag) =	ssettag $0x0;
	lr =	simm.s32 $0x1  }
0x2: {  	[smem:$0x3F99] =	sst lr;
	_ =	strace $0xD0000000  }
0x3: {  	_ = 	snop  }
0x4: {  	_ = 	snop  }
0x5: {  	_ = 	snop  }
0x6: {  	_ = 	snop  }
0x7: {  	_ = 	snop  }
__scs_overlays_trampoline_lowered:
0x8: {  	[smem:$0x3FA8] =	sst s0  }
0x9: {  	[smem:$0x3FA9] =	sst s1  }
0xa: {  	[smem:$0x3FAA] =	sst s2  }
0xb: {  	[smem:$0x3FAB] =	sst s3  }
0xc: {  	[smem:$0x3FAC] =	sst s4  }
0xd: {  	[smem:$0x3FAD] =	sst s5  }
0xe: {  	[smem:$0x3FAE] =	sst s6  }
0xf: {  	[smem:$0x3FAF] =	sst s7  }
0x10: {  	[smem:$0x3FB0] =	sst s8  }
0x11: {  	[smem:$0x3FB1] =	sst s9;
	s0 =	simm.s32 @!p0 $0x0  }
0x12: {  	s1 =	sld [smem:$0x3F97];
	s0 =	simm.s32 @p0 $0x1  }
0x13: {  	[smem:$0x3FB2] =	sst s0;
	s0 =	simm.s32 @!p1 $0x0  }
0x14: {  	s2 =	sld [smem:$0x3F96];
	s0 =	simm.s32 @p1 $0x1  }
0x15: {  	[smem:$0x3FB3] =	sst s0;
	s0 =	simm.s32 @!p2 $0x0  }
0x16: {  	s3 =	sld [smem:$0x3FDB];
	s0 =	simm.s32 @p2 $0x1  }
0x17: {  	s4 =	simm.s32 $0x1BF5;
	[smem:$0x3FB5] =	sst s0  }
0x18: {  	s0 =	sld [smem:$0x3F98];
	_ =	swait.ge [sflag:s4], $0x0  }
0x19: {  	s7 =	sld [smem:$0x3F99]  }
0x1a: {  	s8 =	sadd.s32 $0xFFFFE003, lr  }
0x1b: {  	s9 =	sadd.s32 $0xFFFFFEF7, lr;
	s5 =	simm.s32 $0xFFFFFFFF;
	p2 =	slt.u32 s8, $0xFFFFF086  }
0x1c: {  	p1 =	slt.u32 s9, $0xF7A;
	s5 =	simm.s32 @!p2 $0x0  }
0x1d: {  	s5 =	simm.s32 @p1 $0x1;
	p0 =	seq.s32 s7, s2  }
0x1e: {  	s7 =	smul.u32 @!p0 $0xF7A, s2;
	p2 =	seq.s32 @!p0 s5, $0x0  }
0x1f: {  	s9 =	smul.u32 $0xF7A, s1;
	s8 =	simm.s32 @!p0 $0x1BF5;
	p2 =	por !p2, p0  }
0x20: {  	[sflag:s8] =	ssyncset.s32 @!p0 $0xFFFFF086;
	s6 =	sadd.s32 @!p0 s3, s7;
	s7 =	simm.s32 @!p0 $0x108  }
0x21: {  	s3 =	sadd.s32 s3, s9;
	s6 =	sadd.s32 @!p0 $0x88, s6;
	s7 =	simm.s32 @p2 $0x1082  }
0x22: {  	[simem:s7], [sflag:s8] =	dma.local @!p0 [hbm:s6], $0xF7A  }
0x23: {  	s9 =	sor.u32 $0xD0000000, s2;
	s6 =	simm.s32 $0x108;
	_ =	swait.ge @!p0 [sflag:s8], $0x0  }
0x24: {  	s3 =	sadd.s32 $0x88, s3;
	s6 =	simm.s32 @!p1 $0x1082;
	[sflag:s4] =	ssyncset.s32 $0xFFFFF086  }
0x25: {  	[simem:s6], [sflag:s4] =	dma.local [hbm:s3], $0xF7A  }
0x26: {  	[smem:$0x3F99] =	sst s1;
	(tag) =	ssettag s2;
	_ =	strace s9  }
0x27: {  	s1 =	sld [smem:$0x3FA9]  }
0x28: {  	s2 =	sld [smem:$0x3FAA]  }
0x29: {  	s4 =	sld [smem:$0x3FAC]  }
0x2a: {  	p0 =	seq.s32 s5, $0x0;
	s5 =	sld [smem:$0x3FAD]  }
0x2b: {  	s6 =	sld [smem:$0x3FAE]  }
0x2c: {  	s7 =	sld [smem:$0x3FAF]  }
0x2d: {  	s3 =	simm.s32 $0x108;
	s8 =	sld [smem:$0x3FB0]  }
0x2e: {  	s3 =	simm.s32 @!p0 $0x1082;
	s9 =	sld [smem:$0x3FB1]  }
0x2f: {  	lr =	sadd.s32 s0, s3;
	s0 =	sld [smem:$0x3FA8]  }
0x30: {  	s3 =	sld [smem:$0x3FAB]  }
0x31: {  	[smem:$0x3FB4] =	sst s10  }
0x32: {  	s10 =	sld [smem:$0x3FB2];
	_ =	sdelay $0x3  }
0x33: {  	p0 =	seq.s32 s10, $0x1;
	s10 =	sld [smem:$0x3FB4];
	_ =	sdelay $0x3  }
0x34: {  	[smem:$0x3FB4] =	sst s10  }
0x35: {  	s10 =	sld [smem:$0x3FB3];
	_ =	sdelay $0x3  }
0x36: {  	p1 =	seq.s32 s10, $0x1;
	s10 =	sld [smem:$0x3FB4];
	_ =	sdelay $0x3  }
0x37: {  	[smem:$0x3FB4] =	sst s10  }
0x38: {  	s10 =	sld [smem:$0x3FB5]  }
0x39: {  	_ = 	snop;
	(pc) =	sbr.ind lr, $3  }
0x3a: {  	_ = 	snop  }
0x3b: {  	_ = 	snop  }
0x3c: {  	p2 =	seq.s32 s10, $0x1;
	s10 =	sld [smem:$0x3FB4]  }
0x3d: {  	_ =	shalt  }
0x3e: {  	_ =	shalt  }
0x3f: {  	_ =	shalt  }
0x40: {  	_ =	shalt  }
0x41: {  	_ =	shalt  }
0x42: {  	_ =	shalt  }
0x43: {  	_ =	shalt  }
0x44: {  	_ =	shalt  }
0x45: {  	_ =	shalt  }
0x46: {  	_ =	shalt  }
0x47: {  	_ =	shalt  }
0x48: {  	_ =	shalt  }
0x49: {  	_ =	shalt  }
0x4a: {  	_ =	shalt  }
0x4b: {  	_ =	shalt  }
0x4c: {  	_ =	shalt  }
0x4d: {  	_ =	shalt  }
0x4e: {  	_ =	shalt  }
0x4f: {  	_ =	shalt  }
0x50: {  	_ =	shalt  }
0x51: {  	_ =	shalt  }
0x52: {  	_ =	shalt  }
0x53: {  	_ =	shalt  }
0x54: {  	_ =	shalt  }
0x55: {  	_ =	shalt  }
0x56: {  	_ =	shalt  }
0x57: {  	_ =	shalt  }
0x58: {  	_ =	shalt  }
0x59: {  	_ =	shalt  }
0x5a: {  	_ =	shalt  }
0x5b: {  	_ =	shalt  }
0x5c: {  	_ =	shalt  }
0x5d: {  	_ =	shalt  }
0x5e: {  	_ =	shalt  }
0x5f: {  	_ =	shalt  }
0x60: {  	_ =	shalt  }
0x61: {  	_ =	shalt  }
0x62: {  	_ =	shalt  }
0x63: {  	_ =	shalt  }
0x64: {  	_ =	shalt  }
0x65: {  	_ =	shalt  }
0x66: {  	_ =	shalt  }
0x67: {  	_ =	shalt  }
0x68: {  	_ =	shalt  }
0x69: {  	_ =	shalt  }
0x6a: {  	_ =	shalt  }
0x6b: {  	_ =	shalt  }
0x6c: {  	_ =	shalt  }
0x6d: {  	_ =	shalt  }
0x6e: {  	_ =	shalt  }
0x6f: {  	_ =	shalt  }
0x70: {  	_ =	shalt  }
0x71: {  	_ =	shalt  }
0x72: {  	_ =	shalt  }
0x73: {  	_ =	shalt  }
0x74: {  	_ =	shalt  }
0x75: {  	_ =	shalt  }
0x76: {  	_ =	shalt  }
0x77: {  	_ =	shalt  }
0x78: {  	_ =	shalt  }
0x79: {  	_ =	shalt  }
0x7a: {  	_ =	shalt  }
0x7b: {  	_ =	shalt  }
0x7c: {  	_ =	shalt  }
0x7d: {  	_ =	shalt  }
0x7e: {  	_ =	shalt  }
0x7f: {  	_ =	shalt  }
0x80: {  	_ =	shalt  }
0x81: {  	_ =	shalt  }
0x82: {  	_ =	shalt  }
0x83: {  	_ =	shalt  }
0x84: {  	_ =	shalt  }
0x85: {  	_ =	shalt  }
0x86: {  	_ =	shalt  }
0x87: {  	_ =	shalt  }
.Lfunc_end0:
.L_simem_size_0:
called_computation.1_lowered:
.L_overlay_start_0:
0x88: {  	s2 =	sld [smem:$0x3FD9]  }
0x89: {  	s3 =	sld [smem:$0x3FFE];
	_ =	sdelay $0x1  }
0x8a: {  	s1 =	srdreg.scid  }
0x8b: {  	s0 =	sand.u32 $0x1, s1  }
0x8c: {  	s16 =	sshll.u32 s0, $0xA;
	s2 =	sadd.s32 s3, s2  }
0x8d: {  	s2 =	sadd.s32 s2, s16  }
0x8e: {  	[smem:$0x3FC0] =	sst s2  }
0x8f: {  	_ = 	snop  }
0x90: {  	(tm) =	ssettm $0x1  }
0x91: {  	s17 =	sld [smem:$0x3FFB];
	_ =	sdelay $0x3  }
0x92: {  	_ =	strace s17  }
0x93: {  	s2 =	sld [smem:$0x3FFC];
	_ =	sdelay $0x3  }
0x94: {  	_ =	strace s2  }
0x95: {  	s2 =	sld [smem:$0x3FFD];
	_ =	sdelay $0x3  }
0x96: {  	_ =	strace s2  }
0x97: {  	_ =	strace $0x8FFFFFFF  }
0x98: {  	s18 =	sld [smem:$0x3FDB];
	_ =	sdelay $0x1  }
0x99: {  	s19 =	simm.s32 $_scs_section_size  }
0x9a: {  	s4 =	simm.s32 $_size__tile_overlayer_lowered;
	s5 =	simm.s32 $_tile_overlayer_lowered  }
0x9b: {  	s22 =	simm.s32 $0x1BFF;
	s21 =	sshll.u32 s5, $0x1;
	s2 =	sadd.s32 s19, s18  }
0x9c: {  	s6 =	simm.s32 $0x0;
	s20 =	sshll.u32 s4, $0x1;
	s4 =	sadd.s32 s21, s2  }
0x9d: {  	[timem:s6], [sflag:s22] =	dma.local [hbm:s4], s20  }
0x9e: {  	_ =	swait.ge [sflag:s22], s20  }
0x9f: {  	s3 =	ssub.s32 $0x0, s20;
	[sflag:s22] =	ssyncset.done $0x0  }
0xa0: {  	[sflag:s22] =	ssyncadd.s32 s3;
	_ =	sdelay $0x1  }
0xa1: {  	s23 =	simm.s32 $0x1B8B  }
0xa2: {  	_ =	swait.ge [sflag:s23], $0x1  }
0xa3: {  	[sflag:s23] =	ssyncset.done $0x0  }
0xa4: {  	s25 =	simm.s32 $0x1B8E;
	s24 =	sld [smem:$0x3FFE];
	[sflag:s23] =	ssyncadd.s32 $0xFFFFFFFF  }
0xa5: {  	s26 =	simm.s32 $execute0_lowered;
	[smem:$0x3FD2] =	sst s25  }
0xa6: {  	s4 =	sshll.u32 s26, $0x1;
	_ =	strace $0x80000049;
	[dreg:$0x1] =	wrdreg $0xFFFFFFFF  }
0xa7: {  	s28 =	simm.s32 $_size_execute0_lowered;
	s2 =	sadd.s32 s2, s4;
	[dreg:$0x0] =	wrdreg $0x0  }
0xa8: {  	s4 =	sshll.u32 s28, $0x1;
	[dreg:$0x2] =	wrdreg s2  }
0xa9: {  	[dreg:$0x3] =	wrdreg s4  }
0xaa: {  	[dreg:$0x4] =	wrdreg $0xC0  }
0xab: {  	_ =	task [dreg:s6], $0x5FFFF  }
0xac: {  	[dreg:$0x1] =	wrdreg $0xFFFFFFFF  }
0xad: {  	[dreg:$0x0] =	wrdreg $0x60  }
0xae: {  	[dreg:$0x2] =	wrdreg s24  }
0xaf: {  	[dreg:$0x3] =	wrdreg $0x0  }
0xb0: {  	[dreg:$0x4] =	wrdreg $0xA0000  }
0xb1: {  	[dreg:$0x5] =	wrdreg $0x9  }
0xb2: {  	_ =	task.clear_ibuf [dreg:s6], $0x6FFFF;
	_ =	strace $0x90000049  }
0xb3: {  	s29 =	simm.s32 $0x9;
	_ =	strace $0x8000004B  }
0xb4: {  	_ =	swait.ge [sflag:s29], $0x1  }
0xb5: {  	[sflag:s29] =	ssyncadd.s32 $0xFFFFFFFF  }
0xb6: {  	_ =	strace $0x9000004B  }
0xb7: {  	_ =	sfence  }
0xb8: {  	s30 =	sld [smem:$0x0];
	_ =	sdelay $0x2  }
0xb9: {  	s31 =	sshll.u32 s1, $0xD;
	s1 =	sshrl.u32 s1, $0x2  }
0xba: {  	s3 =	sand.u32 $0x4000, s31;
	s1 =	sadd.s32 s1, s30  }
0xbb: {  	s0 =	sor.u32 s3, s0;
	s1 =	sshll.u32 s1, $0x11  }
0xbc: {  	s0 =	sor.u32 s1, s0  }
0xbd: {  	s0 =	sadd.s32 $0x8F2B, s0  }
0xbe: {  	[sflag:s0] =	ssyncadd.remote.s32 $0x1  }
0xbf: {  	_ =	sfence.sel $0xFFFF  }
0xc0: {  	[dreg:$0x0] =	wrdreg $0xFFFFFFFF;
	(pc) =	sbr.abs _section_cstart, $3  }
0xc1: {  	[dreg:$0x1] =	wrdreg $0xFFFFFFFF  }
0xc2: {  	_ =	task.clear_ibuf [dreg:s6], $0x2FFFF;
	_ =	strace $0x9FFFFFFF  }
0xc3: {  	(tm) =	ssettm $0x7FFFFFFF  }
tec
execute0_lowered:
.L_overlay_start_1:
0x0: {  	(tag) =	ssettag $0x1  }
0x1: {  	s0 =	rddreg [dreg:$0x0]  }
0x2: {  	s1 =	rddreg [dreg:$0x1]  }
0x3: {  	s11 =	stileid.u32;
	s4 =	srdreg.scid  }
0x4: {  	s3 =	rddreg [dreg:$0x2];
	s14 =	simm.s32 $0x14100;
	s15 =	simm.s32 $0x14200  }
0x5: {  	s17 =	simm.s32 $0x7;
	s19 =	simm.s32 $0x1;
	s20 =	simm.s32 $0x80  }
0x6: {  	s28 =	simm.s32 $0x6;
	s29 =	simm.s32 $0x3;
	s2 =	smul.u32 $0x1400, s11  }
0x7: {  	s30 =	simm.s32 $0x14180;
	s31 =	simm.s32 $0x4;
	s6 =	smul.u32 $0xA000, s11  }
0x8: {  	s7 =	sand.u32 $0x1, s4;
	s4 =	simm.s32 $0x0;
	s25 =	sshll.u32 s11, $0x6  }
0x9: {  	s5 =	smul.u32 $0xA0000, s7;
	[smem:$0x7FF] =	sst s4;
	s9 =	ssub.s32 $0x2, s7  }
0xa: {  	p0 =	seq.s32 s7, $0x1;
	s7 =	simm.s32 $0x8EA00;
	s12 =	sor.u32 $0x1C07, s25  }
0xb: {  	s25 =	simm.s32 $0x14080;
	_ =	strace $0x8000004A;
	s2 =	sadd.s32 s2, s0  }
0xc: {  	s8 =	sshrl.u32 s6, $0x3;
	s21 =	sshrl.u32 s9, $0x1;
	s23 =	sadd.s32 s6, s1  }
0xd: {  	s7 =	simm.s32 @!p0 $0xA2A00;
	s5 =	sadd.s32 s6, s5;
	s8 =	sadd.s32 s8, s0  }
0xe: {  	s10 =	ssub.s32 s9, s21;
	s22 =	sadd.s32 $0x2A20, s2;
	s6 =	sadd.s32 s6, s3  }
0xf: {  	s16 =	sshrl.u32 s23, $0x3;
	s21 =	simm.s32 $0x14400;
	s23 =	simm.s32 $0x2  }
0x10: {  	s5 =	sshrl.u32 s5, $0x3;
	[dreg:$0x4] =	wrdreg s22;
	s24 =	sadd.s32 $0xB6A00, s8  }
0x11: {  	s26 =	smax.u32 s10, $0x1;
	s11 =	sadd.s32 s7, s8;
	s18 =	sshrl.u32 s6, $0x3  }
.Ltmp0:
0x12: {  	s22 =	simm.s32 $0x5;
	s6 =	simm.s32 $0x0;
	(pc) =	sbr.rel .LBB2_1-.Ltmp0, $4  }
0x13: {  	s0 =	sadd.s32 s5, s0;
	s5 =	sadd.s32 $0x2A00, s2;
	[dreg:$0x6] =	wrdreg s24  }
0x14: {  	s2 =	sadd.s32 $0x2A40, s2;
	[dreg:$0x8] =	wrdreg s26;
	s24 =	simm.s32 $0x16400  }
0x15: {  	s26 =	simm.s32 $0x14300;
	[dreg:$0x5] =	wrdreg s2;
	s0 =	sadd.s32 $0xCAA00, s0  }
0x16: {  	s2 =	simm.s32 $0x14280;
	[dreg:$0x7] =	wrdreg s0;
	s0 =	simm.s32 $0x14380  }
.LBB2_4:
0x17: {  	[bflag:$0x0] =	sbarrier.arrive $0xFFFF  }
0x18: {  	s7 =	rddreg [dreg:$0x7]  }
0x19: {  	[hbm:s7], [sflag:s12] =	dma.local [spmem:s18], $0x1400  }
0x1a: {  	_ =	swait.ge [sflag:s17], $0x1400  }
0x1b: {  	s6 =	sadd.s32 $0x1, s6;
	s13 =	rddreg [dreg:$0x8]  }
0x1c: {  	p0 =	sne.s32 s6, s13  }
.Ltmp1:
0x1d: {  	_ = 	snop;
	(pc) =	sbr.rel @!p0 .LBB2_5-.Ltmp1, $3  }
0x1e: {  	_ =	sdelay $0x1  }
0x1f: {  	[sflag:s17] =	ssyncset.done $0x0  }
0x20: {  	[sflag:s17] =	ssyncadd.s32 $0xFFFFEC00  }
.LBB2_1:
0x21: {  	s8 =	simm.s32 $0x14000  }
0x22: {  	[tilespmem:s8], [sflag:$0x1] =	stream.linear.gather [hbm4b:s5+s4], $0x100, $0x38;
	[tilespmem:$0x18400] =	vst v63  }
0x23: {  	s7 =	rddreg [dreg:$0x4]  }
0x24: {  	[tilespmem:s14], [sflag:$0x2] =	stream.linear.gather [hbm4b:s7+s4], $0x100, $0x38;
	[tilespmem:$0x18400] =	vst v63  }
0x25: {  	s10 =	rddreg [dreg:$0x5]  }
0x26: {  	[tilespmem:s15], [sflag:$0x3] =	stream.linear.gather [hbm4b:s10+s4], $0x100, $0x38;
	[tilespmem:$0x18400] =	vst v63  }
0x27: {  	[spmem:s16], [sflag:s12] =	dma.local [hbm:s11], $0x1400  }
0x28: {  	_ =	swait.ge [sflag:s17], $0x1400  }
0x29: {  	[sflag:s17] =	ssyncset.done $0x0  }
0x2a: {  	s13 =	rddreg [dreg:$0x6];
	[sflag:s17] =	ssyncadd.s32 $0xFFFFEC00  }
0x2b: {  	[spmem:s18], [sflag:s12] =	dma.local [hbm:s13], $0x1400  }
0x2c: {  	_ =	swait.ge [sflag:s17], $0x1400  }
0x2d: {  	[sflag:s17] =	ssyncset.done $0x0  }
0x2e: {  	[sflag:s17] =	ssyncadd.s32 $0xFFFFEC00  }
0x2f: {  	_ =	swait.ge [sflag:s19], $0x100  }
0x30: {  	[sflag:s19] =	ssyncset.done $0x0  }
0x31: {  	[sflag:s19] =	ssyncadd.s32 $0xFFFFFF00  }
0x32: {  	s7 =	simm.s32 $0xFFFFEC80;
	[bflag:$0x0] =	sbarrier.arrive $0xFFFF  }
0x33: {  	[tilespmem:s21], [sflag:$0x5] =	stream.indirect.gather [spmem:s1], $0x40, s8, s20, $0xb8;
	[tilespmem:$0x18400] =	vst v63  }
.LBB2_2:
0x34: {  	_ =	swait.ge [sflag:s22], $0x2000  }
0x35: {  	[sflag:s22] =	ssyncset.done $0x0  }
0x36: {  	[sflag:s22] =	ssyncadd.s32 $0xFFFFE000  }
0x37: {  	_ =	swait.ge [sflag:s23], $0x100  }
0x38: {  	[sflag:s23] =	ssyncset.done $0x0  }
0x39: {  	[sflag:s23] =	ssyncadd.s32 $0xFFFFFF00  }
0x3a: {  	[tilespmem:s24], [sflag:$0x6] =	stream.indirect.gather [spmem:s1], $0x40, s14, s20, $0xb8;
	[tilespmem:$0x18400] =	vst v63  }
0x3b: {  	_ = 	snop  }
0x3c: {  	[spmem:s3] =	stream.indirect.scatter.add.f32 [tilespmem:s21], [sflag:$0x7], $0x40, s25, s20, $0xb8;
	[tilespmem:$0x18400] =	vst v63  }
0x3d: {  	_ =	swait.ge [sflag:s17], $0x2000  }
0x3e: {  	s8 =	sadd.s32 s7, s5;
	[sflag:s17] =	ssyncset.done $0x0  }
0x3f: {  	s9 =	sadd.s32 $0x13E0, s8;
	[sflag:s17] =	ssyncadd.s32 $0xFFFFE000  }
0x40: {  	[tilespmem:s26], [sflag:$0x4] =	stream.linear.gather [hbm4b:s9+s4], $0x100, $0x38;
	[tilespmem:$0x18400] =	vst v63  }
0x41: {  	_ =	swait.ge [sflag:s28], $0x2000  }
0x42: {  	[sflag:s28] =	ssyncset.done $0x0  }
0x43: {  	[sflag:s28] =	ssyncadd.s32 $0xFFFFE000  }
0x44: {  	_ =	swait.ge [sflag:s29], $0x100  }
0x45: {  	[sflag:s29] =	ssyncset.done $0x0  }
0x46: {  	[sflag:s29] =	ssyncadd.s32 $0xFFFFFF00  }
0x47: {  	[tilespmem:s21], [sflag:$0x5] =	stream.indirect.gather [spmem:s1], $0x40, s15, s20, $0xb8;
	[tilespmem:$0x18400] =	vst v63  }
0x48: {  	_ = 	snop  }
0x49: {  	[spmem:s3] =	stream.indirect.scatter.add.f32 [tilespmem:s24], [sflag:$0x7], $0x40, s30, s20, $0xb8;
	[tilespmem:$0x18400] =	vst v63  }
0x4a: {  	p0 =	seq.s32 s7, $0x0;
	_ =	swait.ge [sflag:s17], $0x2000  }
0x4b: {  	s10 =	simm.s32 @!p0 $0x0;
	s9 =	sadd.s32 @!p0 s7, s5;
	[sflag:s17] =	ssyncset.done $0x0  }
0x4c: {  	s13 =	simm.s32 @!p0 $0x14000;
	s9 =	sadd.s32 @!p0 $0x1400, s9;
	[sflag:s17] =	ssyncadd.s32 $0xFFFFE000  }
0x4d: {  	[tilespmem:s13], [sflag:$0x1] =	stream.linear.gather @!p0 [hbm4b:s9+s10], $0x100, $0x38;
	[tilespmem:$0x18400] =	vst v63  }
0x4e: {  	_ =	swait.ge [sflag:s22], $0x2000  }
0x4f: {  	[sflag:s22] =	ssyncset.done $0x0  }
0x50: {  	[sflag:s22] =	ssyncadd.s32 $0xFFFFE000  }
0x51: {  	_ =	swait.ge [sflag:s31], $0x100  }
0x52: {  	[sflag:s31] =	ssyncset.done $0x0  }
0x53: {  	[sflag:s31] =	ssyncadd.s32 $0xFFFFFF00  }
0x54: {  	[tilespmem:s24], [sflag:$0x6] =	stream.indirect.gather [spmem:s1], $0x40, s26, s20, $0xb8;
	[tilespmem:$0x18400] =	vst v63  }
0x55: {  	_ = 	snop  }
0x56: {  	[spmem:s3] =	stream.indirect.scatter.add.f32 [tilespmem:s21], [sflag:$0x7], $0x40, s2, s20, $0xb8;
	[tilespmem:$0x18400] =	vst v63  }
0x57: {  	p1 =	sne.s32 s7, $0x0;
	_ =	swait.ge [sflag:s17], $0x2000  }
0x58: {  	s9 =	sadd.s32 @p1 s7, s5;
	s10 =	simm.s32 @p1 $0x0;
	[sflag:s17] =	ssyncset.done $0x0  }
0x59: {  	s13 =	simm.s32 @p1 $0x14100;
	s9 =	sadd.s32 @p1 $0x1420, s9;
	[sflag:s17] =	ssyncadd.s32 $0xFFFFE000  }
0x5a: {  	[tilespmem:s13], [sflag:$0x2] =	stream.linear.gather @p1 [hbm4b:s9+s10], $0x100, $0x38;
	[tilespmem:$0x18400] =	vst v63  }
0x5b: {  	s9 =	simm.s32 @p1 $0x6  }
0x5c: {  	_ =	swait.ge @p1 [sflag:s9], $0x2000  }
0x5d: {  	[sflag:s9] =	ssyncset.done @p1 $0x0  }
0x5e: {  	[sflag:s9] =	ssyncadd.s32 @p1 $0xFFFFE000;
	s9 =	simm.s32 @p1 $0x1  }
0x5f: {  	_ =	swait.ge @p1 [sflag:s9], $0x100  }
0x60: {  	s10 =	simm.s32 @p1 $0x14000;
	[sflag:s9] =	ssyncset.done @p1 $0x0  }
0x61: {  	s13 =	simm.s32 @p1 $0x14400;
	[sflag:s9] =	ssyncadd.s32 @p1 $0xFFFFFF00;
	s9 =	simm.s32 @p1 $0x80  }
0x62: {  	[tilespmem:s13], [sflag:$0x5] =	stream.indirect.gather @p1 [spmem:s1], $0x40, s10, s9, $0xb8;
	[tilespmem:$0x18400] =	vst v63  }
0x63: {  	s9 =	simm.s32 @!p1 $0x6  }
0x64: {  	_ =	swait.ge @!p1 [sflag:s9], $0x2000  }
0x65: {  	[sflag:s9] =	ssyncset.done @!p1 $0x0  }
.Ltmp2:
0x66: {  	[sflag:s9] =	ssyncadd.s32 @!p1 $0xFFFFE000;
	(pc) =	sbr.rel @p0 .LBB2_4-.Ltmp2, $4  }
0x67: {  	[spmem:s3] =	stream.indirect.scatter.add.f32 [tilespmem:s24], [sflag:$0x7], $0x40, s0, s20, $0xb8;
	[tilespmem:$0x18400] =	vst v63  }
0x68: {  	_ =	swait.ge [sflag:s17], $0x2000  }
0x69: {  	[sflag:s17] =	ssyncset.done $0x0  }
0x6a: {  	[sflag:s17] =	ssyncadd.s32 $0xFFFFE000  }
.Ltmp3:
0x6b: {  	(pc) =	sbr.rel .LBB2_2-.Ltmp3, $3  }
0x6c: {  	_ =	sdelay $0x1  }
0x6d: {  	s8 =	sadd.s32 $0x1440, s8;
	s7 =	sadd.s32 $0x80, s7  }
0x6e: {  	[tilespmem:s15], [sflag:$0x3] =	stream.linear.gather [hbm4b:s8+s4], $0x100, $0x38;
	[tilespmem:$0x18400] =	vst v63  }
.LBB2_5:
0x6f: {  	_ =	sfence.sel $0x180000  }
0x70: {  	[bflag:$0x0] =	sbarrier.arrive $0xFFFF  }
0x71: {  	_ =	strace $0x9000004A  }
0x72: {  	s0 =	stileid.u32;
	[bflag:$0x2] =	sbarrier.arrive $0xFFFF  }
0x73: {  	p0 =	sne.s32 s0, $0x0;
	s0 =	rddreg [dreg:$0x3]  }
0x74: {  	s0 =	sadd.s32 @!p0 $0x100000, s0  }
0x75: {  	[sflag:s0] =	ssyncadd.tile.s32 @!p0 $0x1;
	_ =	shalt  }
.Lfunc_end2:
_tile_overlayer_lowered:
.L_overlay_start_2:
0x76: {  	(tag) =	ssettag $0x2  }
0x77: {  	s0 =	rddreg [dreg:$0x0];
	s2 =	stileid.u32  }
0x78: {  	s1 =	rddreg [dreg:$0x1];
	p0 =	sne.s32 s2, $0x0  }
0x79: {  	s3 =	rddreg [dreg:$0x2];
	[bflag:$0x3] =	sbarrier.arrive $0xFFFF;
	s2 =	simm.s32 @!p0 $0x1C07  }
0x7a: {  	[timem:s3], [sflag:s2] =	dma.local @!p0 [hbm:s0], s1  }
0x7b: {  	s0 =	simm.s32 @!p0 $0x7  }
0x7c: {  	_ =	swait.ge @!p0 [sflag:s0], s1  }
0x7d: {  	s1 =	ssub.s32 @!p0 $0x0, s1;
	[sflag:s0] =	ssyncset.done @!p0 $0x0  }
0x7e: {  	[sflag:s0] =	ssyncadd.s32 @!p0 s1  }
0x7f: {  	[bflag:$0x3] =	sbarrier.arrive $0xFFFF  }
0x80: {  	_ =	shalt  }

// kernel: kernel.15.cloned.1.call-start
scs
__scs_entry_jumppad:
0x0: {  	(pc) =	sbr.rel $0x88, $3  }
0x1: {  	(tag) =	ssettag $0x0;
	lr =	simm.s32 $0x1  }
0x2: {  	[smem:$0x3F99] =	sst lr;
	_ =	strace $0xD0000000  }
0x3: {  	_ = 	snop  }
0x4: {  	_ = 	snop  }
0x5: {  	_ = 	snop  }
0x6: {  	_ = 	snop  }
0x7: {  	_ = 	snop  }
__scs_overlays_trampoline_lowered:
0x8: {  	[smem:$0x3FA8] =	sst s0  }
0x9: {  	[smem:$0x3FA9] =	sst s1  }
0xa: {  	[smem:$0x3FAA] =	sst s2  }
0xb: {  	[smem:$0x3FAB] =	sst s3  }
0xc: {  	[smem:$0x3FAC] =	sst s4  }
0xd: {  	[smem:$0x3FAD] =	sst s5  }
0xe: {  	[smem:$0x3FAE] =	sst s6  }
0xf: {  	[smem:$0x3FAF] =	sst s7  }
0x10: {  	[smem:$0x3FB0] =	sst s8  }
0x11: {  	[smem:$0x3FB1] =	sst s9;
	s0 =	simm.s32 @!p0 $0x0  }
0x12: {  	s1 =	sld [smem:$0x3F97];
	s0 =	simm.s32 @p0 $0x1  }
0x13: {  	[smem:$0x3FB2] =	sst s0;
	s0 =	simm.s32 @!p1 $0x0  }
0x14: {  	s2 =	sld [smem:$0x3F96];
	s0 =	simm.s32 @p1 $0x1  }
0x15: {  	[smem:$0x3FB3] =	sst s0;
	s0 =	simm.s32 @!p2 $0x0  }
0x16: {  	s3 =	sld [smem:$0x3FDB];
	s0 =	simm.s32 @p2 $0x1  }
0x17: {  	s4 =	simm.s32 $0x1BF5;
	[smem:$0x3FB5] =	sst s0  }
0x18: {  	s0 =	sld [smem:$0x3F98];
	_ =	swait.ge [sflag:s4], $0x0  }
0x19: {  	s7 =	sld [smem:$0x3F99]  }
0x1a: {  	s8 =	sadd.s32 $0xFFFFE003, lr  }
0x1b: {  	s9 =	sadd.s32 $0xFFFFFEF7, lr;
	s5 =	simm.s32 $0xFFFFFFFF;
	p2 =	slt.u32 s8, $0xFFFFF086  }
0x1c: {  	p1 =	slt.u32 s9, $0xF7A;
	s5 =	simm.s32 @!p2 $0x0  }
0x1d: {  	s5 =	simm.s32 @p1 $0x1;
	p0 =	seq.s32 s7, s2  }
0x1e: {  	s7 =	smul.u32 @!p0 $0xF7A, s2;
	p2 =	seq.s32 @!p0 s5, $0x0  }
0x1f: {  	s9 =	smul.u32 $0xF7A, s1;
	s8 =	simm.s32 @!p0 $0x1BF5;
	p2 =	por !p2, p0  }
0x20: {  	[sflag:s8] =	ssyncset.s32 @!p0 $0xFFFFF086;
	s6 =	sadd.s32 @!p0 s3, s7;
	s7 =	simm.s32 @!p0 $0x108  }
0x21: {  	s3 =	sadd.s32 s3, s9;
	s6 =	sadd.s32 @!p0 $0x88, s6;
	s7 =	simm.s32 @p2 $0x1082  }
0x22: {  	[simem:s7], [sflag:s8] =	dma.local @!p0 [hbm:s6], $0xF7A  }
0x23: {  	s9 =	sor.u32 $0xD0000000, s2;
	s6 =	simm.s32 $0x108;
	_ =	swait.ge @!p0 [sflag:s8], $0x0  }
0x24: {  	s3 =	sadd.s32 $0x88, s3;
	s6 =	simm.s32 @!p1 $0x1082;
	[sflag:s4] =	ssyncset.s32 $0xFFFFF086  }
0x25: {  	[simem:s6], [sflag:s4] =	dma.local [hbm:s3], $0xF7A  }
0x26: {  	[smem:$0x3F99] =	sst s1;
	(tag) =	ssettag s2;
	_ =	strace s9  }
0x27: {  	s1 =	sld [smem:$0x3FA9]  }
0x28: {  	s2 =	sld [smem:$0x3FAA]  }
0x29: {  	s4 =	sld [smem:$0x3FAC]  }
0x2a: {  	p0 =	seq.s32 s5, $0x0;
	s5 =	sld [smem:$0x3FAD]  }
0x2b: {  	s6 =	sld [smem:$0x3FAE]  }
0x2c: {  	s7 =	sld [smem:$0x3FAF]  }
0x2d: {  	s3 =	simm.s32 $0x108;
	s8 =	sld [smem:$0x3FB0]  }
0x2e: {  	s3 =	simm.s32 @!p0 $0x1082;
	s9 =	sld [smem:$0x3FB1]  }
0x2f: {  	lr =	sadd.s32 s0, s3;
	s0 =	sld [smem:$0x3FA8]  }
0x30: {  	s3 =	sld [smem:$0x3FAB]  }
0x31: {  	[smem:$0x3FB4] =	sst s10  }
0x32: {  	s10 =	sld [smem:$0x3FB2];
	_ =	sdelay $0x3  }
0x33: {  	p0 =	seq.s32 s10, $0x1;
	s10 =	sld [smem:$0x3FB4];
	_ =	sdelay $0x3  }
0x34: {  	[smem:$0x3FB4] =	sst s10  }
0x35: {  	s10 =	sld [smem:$0x3FB3];
	_ =	sdelay $0x3  }
0x36: {  	p1 =	seq.s32 s10, $0x1;
	s10 =	sld [smem:$0x3FB4];
	_ =	sdelay $0x3  }
0x37: {  	[smem:$0x3FB4] =	sst s10  }
0x38: {  	s10 =	sld [smem:$0x3FB5]  }
0x39: {  	_ = 	snop;
	(pc) =	sbr.ind lr, $3  }
0x3a: {  	_ = 	snop  }
0x3b: {  	_ = 	snop  }
0x3c: {  	p2 =	seq.s32 s10, $0x1;
	s10 =	sld [smem:$0x3FB4]  }
0x3d: {  	_ =	shalt  }
0x3e: {  	_ =	shalt  }
0x3f: {  	_ =	shalt  }
0x40: {  	_ =	shalt  }
0x41: {  	_ =	shalt  }
0x42: {  	_ =	shalt  }
0x43: {  	_ =	shalt  }
0x44: {  	_ =	shalt  }
0x45: {  	_ =	shalt  }
0x46: {  	_ =	shalt  }
0x47: {  	_ =	shalt  }
0x48: {  	_ =	shalt  }
0x49: {  	_ =	shalt  }
0x4a: {  	_ =	shalt  }
0x4b: {  	_ =	shalt  }
0x4c: {  	_ =	shalt  }
0x4d: {  	_ =	shalt  }
0x4e: {  	_ =	shalt  }
0x4f: {  	_ =	shalt  }
0x50: {  	_ =	shalt  }
0x51: {  	_ =	shalt  }
0x52: {  	_ =	shalt  }
0x53: {  	_ =	shalt  }
0x54: {  	_ =	shalt  }
0x55: {  	_ =	shalt  }
0x56: {  	_ =	shalt  }
0x57: {  	_ =	shalt  }
0x58: {  	_ =	shalt  }
0x59: {  	_ =	shalt  }
0x5a: {  	_ =	shalt  }
0x5b: {  	_ =	shalt  }
0x5c: {  	_ =	shalt  }
0x5d: {  	_ =	shalt  }
0x5e: {  	_ =	shalt  }
0x5f: {  	_ =	shalt  }
0x60: {  	_ =	shalt  }
0x61: {  	_ =	shalt  }
0x62: {  	_ =	shalt  }
0x63: {  	_ =	shalt  }
0x64: {  	_ =	shalt  }
0x65: {  	_ =	shalt  }
0x66: {  	_ =	shalt  }
0x67: {  	_ =	shalt  }
0x68: {  	_ =	shalt  }
0x69: {  	_ =	shalt  }
0x6a: {  	_ =	shalt  }
0x6b: {  	_ =	shalt  }
0x6c: {  	_ =	shalt  }
0x6d: {  	_ =	shalt  }
0x6e: {  	_ =	shalt  }
0x6f: {  	_ =	shalt  }
0x70: {  	_ =	shalt  }
0x71: {  	_ =	shalt  }
0x72: {  	_ =	shalt  }
0x73: {  	_ =	shalt  }
0x74: {  	_ =	shalt  }
0x75: {  	_ =	shalt  }
0x76: {  	_ =	shalt  }
0x77: {  	_ =	shalt  }
0x78: {  	_ =	shalt  }
0x79: {  	_ =	shalt  }
0x7a: {  	_ =	shalt  }
0x7b: {  	_ =	shalt  }
0x7c: {  	_ =	shalt  }
0x7d: {  	_ =	shalt  }
0x7e: {  	_ =	shalt  }
0x7f: {  	_ =	shalt  }
0x80: {  	_ =	shalt  }
0x81: {  	_ =	shalt  }
0x82: {  	_ =	shalt  }
0x83: {  	_ =	shalt  }
0x84: {  	_ =	shalt  }
0x85: {  	_ =	shalt  }
0x86: {  	_ =	shalt  }
0x87: {  	_ =	shalt  }
.Lfunc_end0:
.L_simem_size_0:
called_computation.2_lowered:
.L_overlay_start_0:
0x88: {  	s2 =	sld [smem:$0x3FD9]  }
0x89: {  	s3 =	sld [smem:$0x3FFE];
	_ =	sdelay $0x1  }
0x8a: {  	s1 =	srdreg.scid  }
0x8b: {  	s0 =	sand.u32 $0x1, s1  }
0x8c: {  	s16 =	sshll.u32 s0, $0xA;
	s2 =	sadd.s32 s3, s2  }
0x8d: {  	s2 =	sadd.s32 s2, s16  }
0x8e: {  	[smem:$0x3FC0] =	sst s2  }
0x8f: {  	_ = 	snop  }
0x90: {  	(tm) =	ssettm $0x1  }
0x91: {  	s17 =	sld [smem:$0x3FFB];
	_ =	sdelay $0x3  }
0x92: {  	_ =	strace s17  }
0x93: {  	s2 =	sld [smem:$0x3FFC];
	_ =	sdelay $0x3  }
0x94: {  	_ =	strace s2  }
0x95: {  	s2 =	sld [smem:$0x3FFD];
	_ =	sdelay $0x3  }
0x96: {  	_ =	strace s2  }
0x97: {  	_ =	strace $0x8FFFFFFF  }
0x98: {  	s18 =	sld [smem:$0x3FDB];
	_ =	sdelay $0x1  }
0x99: {  	s19 =	simm.s32 $_scs_section_size  }
0x9a: {  	s4 =	simm.s32 $_size__tile_overlayer_lowered;
	s5 =	simm.s32 $_tile_overlayer_lowered  }
0x9b: {  	s22 =	simm.s32 $0x1BFF;
	s21 =	sshll.u32 s5, $0x1;
	s2 =	sadd.s32 s19, s18  }
0x9c: {  	s6 =	simm.s32 $0x0;
	s20 =	sshll.u32 s4, $0x1;
	s4 =	sadd.s32 s21, s2  }
0x9d: {  	[timem:s6], [sflag:s22] =	dma.local [hbm:s4], s20  }
0x9e: {  	_ =	swait.ge [sflag:s22], s20  }
0x9f: {  	s3 =	ssub.s32 $0x0, s20;
	[sflag:s22] =	ssyncset.done $0x0  }
0xa0: {  	[sflag:s22] =	ssyncadd.s32 s3;
	_ =	sdelay $0x1  }
0xa1: {  	s23 =	simm.s32 $0x1B8B  }
0xa2: {  	_ =	swait.ge [sflag:s23], $0x1  }
0xa3: {  	[sflag:s23] =	ssyncset.done $0x0  }
0xa4: {  	s25 =	simm.s32 $0x1B8E;
	s24 =	sld [smem:$0x3FFE];
	[sflag:s23] =	ssyncadd.s32 $0xFFFFFFFF  }
0xa5: {  	s26 =	simm.s32 $execute0_lowered;
	[smem:$0x3FD2] =	sst s25  }
0xa6: {  	s4 =	sshll.u32 s26, $0x1;
	_ =	strace $0x8000004C;
	[dreg:$0x1] =	wrdreg $0xFFFFFFFF  }
0xa7: {  	s28 =	simm.s32 $_size_execute0_lowered;
	s2 =	sadd.s32 s2, s4;
	[dreg:$0x0] =	wrdreg $0x0  }
0xa8: {  	s4 =	sshll.u32 s28, $0x1;
	[dreg:$0x2] =	wrdreg s2  }
0xa9: {  	[dreg:$0x3] =	wrdreg s4  }
0xaa: {  	[dreg:$0x4] =	wrdreg $0xC0  }
0xab: {  	_ =	task [dreg:s6], $0x5FFFF  }
0xac: {  	[dreg:$0x1] =	wrdreg $0xFFFFFFFF  }
0xad: {  	[dreg:$0x0] =	wrdreg $0x60  }
0xae: {  	[dreg:$0x2] =	wrdreg s24  }
0xaf: {  	[dreg:$0x3] =	wrdreg $0x0  }
0xb0: {  	[dreg:$0x4] =	wrdreg $0x28000  }
0xb1: {  	[dreg:$0x5] =	wrdreg $0x9  }
0xb2: {  	_ =	task.clear_ibuf [dreg:s6], $0x6FFFF;
	_ =	strace $0x9000004C  }
0xb3: {  	s29 =	simm.s32 $0x9;
	_ =	strace $0x8000004E  }
0xb4: {  	_ =	swait.ge [sflag:s29], $0x1  }
0xb5: {  	[sflag:s29] =	ssyncadd.s32 $0xFFFFFFFF  }
0xb6: {  	_ =	strace $0x9000004E  }
0xb7: {  	_ =	sfence  }
0xb8: {  	s30 =	sld [smem:$0x0];
	_ =	sdelay $0x2  }
0xb9: {  	s31 =	sshll.u32 s1, $0xD;
	s1 =	sshrl.u32 s1, $0x2  }
0xba: {  	s3 =	sand.u32 $0x4000, s31;
	s1 =	sadd.s32 s1, s30  }
0xbb: {  	s0 =	sor.u32 s3, s0;
	s1 =	sshll.u32 s1, $0x11  }
0xbc: {  	s0 =	sor.u32 s1, s0  }
0xbd: {  	s0 =	sadd.s32 $0x8F2B, s0  }
0xbe: {  	[sflag:s0] =	ssyncadd.remote.s32 $0x1  }
0xbf: {  	_ =	sfence.sel $0xFFFF  }
0xc0: {  	[dreg:$0x0] =	wrdreg $0xFFFFFFFF;
	(pc) =	sbr.abs _section_cstart, $3  }
0xc1: {  	[dreg:$0x1] =	wrdreg $0xFFFFFFFF  }
0xc2: {  	_ =	task.clear_ibuf [dreg:s6], $0x2FFFF;
	_ =	strace $0x9FFFFFFF  }
0xc3: {  	(tm) =	ssettm $0x7FFFFFFF  }
tec
execute0_lowered:
.L_overlay_start_1:
0x0: {  	(tag) =	ssettag $0x1  }
0x1: {  	s0 =	rddreg [dreg:$0x0]  }
0x2: {  	s2 =	rddreg [dreg:$0x1]  }
0x3: {  	s3 =	rddreg [dreg:$0x2]  }
0x4: {  	s11 =	stileid.u32;
	s1 =	srdreg.scid  }
0x5: {  	s4 =	simm.s32 $0x0;
	s15 =	simm.s32 $0x5100;
	s16 =	simm.s32 $0x5200  }
0x6: {  	s18 =	simm.s32 $0x7;
	s20 =	simm.s32 $0x1;
	s21 =	simm.s32 $0x80  }
0x7: {  	s28 =	simm.s32 $0x5300;
	s29 =	simm.s32 $0x6;
	s30 =	simm.s32 $0x3  }
0x8: {  	s31 =	simm.s32 $0x5180;
	s5 =	smul.u32 $0x2800, s11;
	s1 =	sand.u32 $0x1, s1  }
0x9: {  	s7 =	sshll.u32 s11, $0x1;
	s26 =	sshll.u32 s11, $0x6;
	s11 =	smul.u32 $0x1400, s11  }
0xa: {  	[smem:$0x7FF] =	sst s4;
	s8 =	sadd.s32 $0x2A00, s0;
	s6 =	smul.u32 $0x28000, s1  }
0xb: {  	s7 =	sor.u32 s1, s7;
	s22 =	ssub.s32 $0x2, s1;
	s1 =	smul.u32 $0xA00, s1  }
0xc: {  	_ =	strace $0x8000004D;
	s9 =	sshrl.u32 s5, $0x3;
	s7 =	smul.u32 $0xA00, s7  }
0xd: {  	s23 =	sshrl.u32 s22, $0x1;
	s25 =	sadd.s32 s5, s2;
	s6 =	sadd.s32 s5, s6  }
0xe: {  	s10 =	sadd.s32 s9, s0;
	s9 =	sor.u32 $0x1C07, s26;
	s5 =	sadd.s32 s5, s3  }
0xf: {  	s17 =	sshrl.u32 s25, $0x3;
	s25 =	simm.s32 $0x5C00;
	s26 =	simm.s32 $0x5080  }
0x10: {  	s6 =	sshrl.u32 s6, $0x3;
	s7 =	sadd.s32 s8, s7;
	s12 =	sadd.s32 $0x66A00, s10  }
0x11: {  	s10 =	sadd.s32 $0x6BA00, s10;
	s8 =	sadd.s32 s11, s8;
	s19 =	sshrl.u32 s5, $0x3  }
0x12: {  	s0 =	sadd.s32 s6, s0;
	s6 =	ssub.s32 s22, s23;
	[dreg:$0x4] =	wrdreg s7  }
0x13: {  	s24 =	sadd.s32 $0x20, s7;
	s7 =	sadd.s32 $0x40, s7;
	[dreg:$0x7] =	wrdreg s12  }
.Ltmp0:
0x14: {  	[dreg:$0x8] =	wrdreg s10;
	s13 =	sadd.s32 s1, s8;
	(pc) =	sbr.rel .LBB2_1-.Ltmp0, $4  }
0x15: {  	s22 =	simm.s32 $0x5400;
	s23 =	simm.s32 $0x5;
	[dreg:$0x5] =	wrdreg s24  }
0x16: {  	s1 =	simm.s32 $0x5280;
	[dreg:$0x6] =	wrdreg s7;
	s0 =	sadd.s32 $0x70A00, s0  }
0x17: {  	s12 =	smax.u32 s6, $0x1;
	s24 =	simm.s32 $0x2;
	s6 =	simm.s32 $0x5380  }
0x18: {  	s7 =	simm.s32 $0x0;
	[dreg:$0x9] =	wrdreg s0;
	s0 =	simm.s32 $0x4  }
.LBB2_4:
0x19: {  	s7 =	sadd.s32 $0x1, s7  }
0x1a: {  	[bflag:$0x0] =	sbarrier.arrive $0xFFFF;
	p0 =	sne.s32 s7, s12  }
.Ltmp1:
0x1b: {  	s5 =	rddreg [dreg:$0x9];
	(pc) =	sbr.rel @!p0 .LBB2_5-.Ltmp1, $4  }
0x1c: {  	[hbm:s5], [sflag:s9] =	dma.local [spmem:s19], $0x500  }
0x1d: {  	_ =	swait.ge [sflag:s18], $0x500  }
0x1e: {  	[sflag:s18] =	ssyncset.done $0x0  }
0x1f: {  	[sflag:s18] =	ssyncadd.s32 $0xFFFFFB00  }
.LBB2_1:
0x20: {  	s5 =	rddreg [dreg:$0x4]  }
0x21: {  	s8 =	simm.s32 $0x5000;
	s14 =	rddreg [dreg:$0x5]  }
0x22: {  	[tilespmem:s8], [sflag:$0x1] =	stream.linear.gather [hbm4b:s5+s4], $0x100, $0x38;
	[tilespmem:$0x6400] =	vst v63  }
0x23: {  	s10 =	rddreg [dreg:$0x6]  }
0x24: {  	[tilespmem:s15], [sflag:$0x2] =	stream.linear.gather [hbm4b:s14+s4], $0x100, $0x38;
	[tilespmem:$0x6400] =	vst v63  }
0x25: {  	s11 =	rddreg [dreg:$0x7]  }
0x26: {  	[tilespmem:s16], [sflag:$0x3] =	stream.linear.gather [hbm4b:s10+s4], $0x100, $0x38;
	[tilespmem:$0x6400] =	vst v63  }
0x27: {  	[spmem:s17], [sflag:s9] =	dma.local [hbm:s11], $0x500  }
0x28: {  	_ =	swait.ge [sflag:s18], $0x500  }
0x29: {  	[sflag:s18] =	ssyncset.done $0x0  }
0x2a: {  	s14 =	rddreg [dreg:$0x8];
	[sflag:s18] =	ssyncadd.s32 $0xFFFFFB00  }
0x2b: {  	[spmem:s19], [sflag:s9] =	dma.local [hbm:s14], $0x500  }
0x2c: {  	_ =	swait.ge [sflag:s18], $0x500  }
0x2d: {  	[sflag:s18] =	ssyncset.done $0x0  }
0x2e: {  	[sflag:s18] =	ssyncadd.s32 $0xFFFFFB00  }
0x2f: {  	_ =	swait.ge [sflag:s20], $0x100  }
0x30: {  	[sflag:s20] =	ssyncset.done $0x0  }
0x31: {  	[sflag:s20] =	ssyncadd.s32 $0xFFFFFF00  }
0x32: {  	[bflag:$0x0] =	sbarrier.arrive $0xFFFF  }
0x33: {  	[tilespmem:s22], [sflag:$0x5] =	stream.indirect.gather [spmem:s2], $0x10, s8, s21, $0xb8;
	[tilespmem:$0x6400] =	vst v63  }
0x34: {  	s8 =	simm.s32 $0x0  }
.LBB2_2:
0x35: {  	_ =	swait.ge [sflag:s23], $0x800  }
0x36: {  	[sflag:s23] =	ssyncset.done $0x0  }
0x37: {  	[sflag:s23] =	ssyncadd.s32 $0xFFFFF800  }
0x38: {  	_ =	swait.ge [sflag:s24], $0x100  }
0x39: {  	[sflag:s24] =	ssyncset.done $0x0  }
0x3a: {  	[sflag:s24] =	ssyncadd.s32 $0xFFFFFF00  }
0x3b: {  	[tilespmem:s25], [sflag:$0x6] =	stream.indirect.gather [spmem:s2], $0x10, s15, s21, $0xb8;
	[tilespmem:$0x6400] =	vst v63  }
0x3c: {  	_ = 	snop  }
0x3d: {  	[spmem:s3] =	stream.indirect.scatter.add.f32 [tilespmem:s22], [sflag:$0x7], $0x10, s26, s21, $0xb8;
	[tilespmem:$0x6400] =	vst v63  }
0x3e: {  	_ =	swait.ge [sflag:s18], $0x800  }
0x3f: {  	s5 =	sadd.s32 s8, s13;
	[sflag:s18] =	ssyncset.done $0x0  }
0x40: {  	s10 =	sadd.s32 $0x60, s5;
	[sflag:s18] =	ssyncadd.s32 $0xFFFFF800  }
0x41: {  	[tilespmem:s28], [sflag:$0x4] =	stream.linear.gather [hbm4b:s10+s4], $0x100, $0x38;
	[tilespmem:$0x6400] =	vst v63  }
0x42: {  	_ =	swait.ge [sflag:s29], $0x800  }
0x43: {  	[sflag:s29] =	ssyncset.done $0x0  }
0x44: {  	[sflag:s29] =	ssyncadd.s32 $0xFFFFF800  }
0x45: {  	_ =	swait.ge [sflag:s30], $0x100  }
0x46: {  	[sflag:s30] =	ssyncset.done $0x0  }
0x47: {  	[sflag:s30] =	ssyncadd.s32 $0xFFFFFF00  }
0x48: {  	[tilespmem:s22], [sflag:$0x5] =	stream.indirect.gather [spmem:s2], $0x10, s16, s21, $0xb8;
	[tilespmem:$0x6400] =	vst v63  }
0x49: {  	_ = 	snop  }
0x4a: {  	[spmem:s3] =	stream.indirect.scatter.add.f32 [tilespmem:s25], [sflag:$0x7], $0x10, s31, s21, $0xb8;
	[tilespmem:$0x6400] =	vst v63  }
0x4b: {  	p0 =	seq.s32 s8, $0x980;
	_ =	swait.ge [sflag:s18], $0x800  }
0x4c: {  	s11 =	simm.s32 @!p0 $0x0;
	s10 =	sadd.s32 @!p0 s8, s13;
	[sflag:s18] =	ssyncset.done $0x0  }
0x4d: {  	s14 =	simm.s32 @!p0 $0x5000;
	s10 =	sadd.s32 @!p0 $0x80, s10;
	[sflag:s18] =	ssyncadd.s32 $0xFFFFF800  }
0x4e: {  	[tilespmem:s14], [sflag:$0x1] =	stream.linear.gather @!p0 [hbm4b:s10+s11], $0x100, $0x38;
	[tilespmem:$0x6400] =	vst v63  }
0x4f: {  	_ =	swait.ge [sflag:s23], $0x800  }
0x50: {  	[sflag:s23] =	ssyncset.done $0x0  }
0x51: {  	[sflag:s23] =	ssyncadd.s32 $0xFFFFF800  }
0x52: {  	_ =	swait.ge [sflag:s0], $0x100  }
0x53: {  	[sflag:s0] =	ssyncset.done $0x0  }
0x54: {  	[sflag:s0] =	ssyncadd.s32 $0xFFFFFF00  }
0x55: {  	[tilespmem:s25], [sflag:$0x6] =	stream.indirect.gather [spmem:s2], $0x10, s28, s21, $0xb8;
	[tilespmem:$0x6400] =	vst v63  }
0x56: {  	_ = 	snop  }
0x57: {  	[spmem:s3] =	stream.indirect.scatter.add.f32 [tilespmem:s22], [sflag:$0x7], $0x10, s1, s21, $0xb8;
	[tilespmem:$0x6400] =	vst v63  }
0x58: {  	p1 =	sne.s32 s8, $0x980;
	_ =	swait.ge [sflag:s18], $0x800  }
0x59: {  	s10 =	sadd.s32 @p1 s8, s13;
	s11 =	simm.s32 @p1 $0x0;
	[sflag:s18] =	ssyncset.done $0x0  }
0x5a: {  	s14 =	simm.s32 @p1 $0x5100;
	s10 =	sadd.s32 @p1 $0xA0, s10;
	[sflag:s18] =	ssyncadd.s32 $0xFFFFF800  }
0x5b: {  	[tilespmem:s14], [sflag:$0x2] =	stream.linear.gather @p1 [hbm4b:s10+s11], $0x100, $0x38;
	[tilespmem:$0x6400] =	vst v63  }
0x5c: {  	s10 =	simm.s32 @p1 $0x6  }
0x5d: {  	_ =	swait.ge @p1 [sflag:s10], $0x800  }
0x5e: {  	[sflag:s10] =	ssyncset.done @p1 $0x0  }
0x5f: {  	[sflag:s10] =	ssyncadd.s32 @p1 $0xFFFFF800;
	s10 =	simm.s32 @p1 $0x1  }
0x60: {  	_ =	swait.ge @p1 [sflag:s10], $0x100  }
0x61: {  	s11 =	simm.s32 @p1 $0x5000;
	[sflag:s10] =	ssyncset.done @p1 $0x0  }
0x62: {  	s14 =	simm.s32 @p1 $0x5400;
	[sflag:s10] =	ssyncadd.s32 @p1 $0xFFFFFF00;
	s10 =	simm.s32 @p1 $0x80  }
0x63: {  	[tilespmem:s14], [sflag:$0x5] =	stream.indirect.gather @p1 [spmem:s2], $0x10, s11, s10, $0xb8;
	[tilespmem:$0x6400] =	vst v63  }
0x64: {  	s10 =	simm.s32 @!p1 $0x6  }
0x65: {  	_ =	swait.ge @!p1 [sflag:s10], $0x800  }
0x66: {  	[sflag:s10] =	ssyncset.done @!p1 $0x0  }
.Ltmp2:
0x67: {  	[sflag:s10] =	ssyncadd.s32 @!p1 $0xFFFFF800;
	(pc) =	sbr.rel @p0 .LBB2_4-.Ltmp2, $4  }
0x68: {  	[spmem:s3] =	stream.indirect.scatter.add.f32 [tilespmem:s25], [sflag:$0x7], $0x10, s6, s21, $0xb8;
	[tilespmem:$0x6400] =	vst v63  }
0x69: {  	_ =	swait.ge [sflag:s18], $0x800  }
0x6a: {  	[sflag:s18] =	ssyncset.done $0x0  }
0x6b: {  	[sflag:s18] =	ssyncadd.s32 $0xFFFFF800  }
.Ltmp3:
0x6c: {  	(pc) =	sbr.rel .LBB2_2-.Ltmp3, $3  }
0x6d: {  	_ =	sdelay $0x1  }
0x6e: {  	s5 =	sadd.s32 $0xC0, s5;
	s8 =	sadd.s32 $0x80, s8  }
0x6f: {  	[tilespmem:s16], [sflag:$0x3] =	stream.linear.gather [hbm4b:s5+s4], $0x100, $0x38;
	[tilespmem:$0x6400] =	vst v63  }
.LBB2_5:
0x70: {  	_ =	sfence.sel $0x180000  }
0x71: {  	[bflag:$0x0] =	sbarrier.arrive $0xFFFF  }
0x72: {  	_ =	strace $0x9000004D  }
0x73: {  	s0 =	stileid.u32;
	[bflag:$0x2] =	sbarrier.arrive $0xFFFF  }
0x74: {  	p0 =	sne.s32 s0, $0x0;
	s0 =	rddreg [dreg:$0x3]  }
0x75: {  	s0 =	sadd.s32 @!p0 $0x100000, s0  }
0x76: {  	[sflag:s0] =	ssyncadd.tile.s32 @!p0 $0x1;
	_ =	shalt  }
.Lfunc_end2:
_tile_overlayer_lowered:
.L_overlay_start_2:
0x77: {  	(tag) =	ssettag $0x2  }
0x78: {  	s0 =	rddreg [dreg:$0x0];
	s2 =	stileid.u32  }
0x79: {  	s1 =	rddreg [dreg:$0x1];
	p0 =	sne.s32 s2, $0x0  }
0x7a: {  	s3 =	rddreg [dreg:$0x2];
	[bflag:$0x3] =	sbarrier.arrive $0xFFFF;
	s2 =	simm.s32 @!p0 $0x1C07  }
0x7b: {  	[timem:s3], [sflag:s2] =	dma.local @!p0 [hbm:s0], s1  }
0x7c: {  	s0 =	simm.s32 @!p0 $0x7  }
0x7d: {  	_ =	swait.ge @!p0 [sflag:s0], s1  }
0x7e: {  	s1 =	ssub.s32 @!p0 $0x0, s1;
	[sflag:s0] =	ssyncset.done @!p0 $0x0  }
0x7f: {  	[sflag:s0] =	ssyncadd.s32 @!p0 s1  }
0x80: {  	[bflag:$0x3] =	sbarrier.arrive $0xFFFF  }
0x81: {  	_ =	shalt  }

// kernel: kernel.9.cloned.1.call-start
scs
__scs_entry_jumppad:
0x0: {  	(pc) =	sbr.rel $0x88, $3  }
0x1: {  	(tag) =	ssettag $0x0;
	lr =	simm.s32 $0x1  }
0x2: {  	[smem:$0x3F99] =	sst lr;
	_ =	strace $0xD0000000  }
0x3: {  	_ = 	snop  }
0x4: {  	_ = 	snop  }
0x5: {  	_ = 	snop  }
0x6: {  	_ = 	snop  }
0x7: {  	_ = 	snop  }
__scs_overlays_trampoline_lowered:
0x8: {  	[smem:$0x3FA8] =	sst s0  }
0x9: {  	[smem:$0x3FA9] =	sst s1  }
0xa: {  	[smem:$0x3FAA] =	sst s2  }
0xb: {  	[smem:$0x3FAB] =	sst s3  }
0xc: {  	[smem:$0x3FAC] =	sst s4  }
0xd: {  	[smem:$0x3FAD] =	sst s5  }
0xe: {  	[smem:$0x3FAE] =	sst s6  }
0xf: {  	[smem:$0x3FAF] =	sst s7  }
0x10: {  	[smem:$0x3FB0] =	sst s8  }
0x11: {  	[smem:$0x3FB1] =	sst s9;
	s0 =	simm.s32 @!p0 $0x0  }
0x12: {  	s1 =	sld [smem:$0x3F97];
	s0 =	simm.s32 @p0 $0x1  }
0x13: {  	[smem:$0x3FB2] =	sst s0;
	s0 =	simm.s32 @!p1 $0x0  }
0x14: {  	s2 =	sld [smem:$0x3F96];
	s0 =	simm.s32 @p1 $0x1  }
0x15: {  	[smem:$0x3FB3] =	sst s0;
	s0 =	simm.s32 @!p2 $0x0  }
0x16: {  	s3 =	sld [smem:$0x3FDB];
	s0 =	simm.s32 @p2 $0x1  }
0x17: {  	s4 =	simm.s32 $0x1BF5;
	[smem:$0x3FB5] =	sst s0  }
0x18: {  	s0 =	sld [smem:$0x3F98];
	_ =	swait.ge [sflag:s4], $0x0  }
0x19: {  	s7 =	sld [smem:$0x3F99]  }
0x1a: {  	s8 =	sadd.s32 $0xFFFFE003, lr  }
0x1b: {  	s9 =	sadd.s32 $0xFFFFFEF7, lr;
	s5 =	simm.s32 $0xFFFFFFFF;
	p2 =	slt.u32 s8, $0xFFFFF086  }
0x1c: {  	p1 =	slt.u32 s9, $0xF7A;
	s5 =	simm.s32 @!p2 $0x0  }
0x1d: {  	s5 =	simm.s32 @p1 $0x1;
	p0 =	seq.s32 s7, s2  }
0x1e: {  	s7 =	smul.u32 @!p0 $0xF7A, s2;
	p2 =	seq.s32 @!p0 s5, $0x0  }
0x1f: {  	s9 =	smul.u32 $0xF7A, s1;
	s8 =	simm.s32 @!p0 $0x1BF5;
	p2 =	por !p2, p0  }
0x20: {  	[sflag:s8] =	ssyncset.s32 @!p0 $0xFFFFF086;
	s6 =	sadd.s32 @!p0 s3, s7;
	s7 =	simm.s32 @!p0 $0x108  }
0x21: {  	s3 =	sadd.s32 s3, s9;
	s6 =	sadd.s32 @!p0 $0x88, s6;
	s7 =	simm.s32 @p2 $0x1082  }
0x22: {  	[simem:s7], [sflag:s8] =	dma.local @!p0 [hbm:s6], $0xF7A  }
0x23: {  	s9 =	sor.u32 $0xD0000000, s2;
	s6 =	simm.s32 $0x108;
	_ =	swait.ge @!p0 [sflag:s8], $0x0  }
0x24: {  	s3 =	sadd.s32 $0x88, s3;
	s6 =	simm.s32 @!p1 $0x1082;
	[sflag:s4] =	ssyncset.s32 $0xFFFFF086  }
0x25: {  	[simem:s6], [sflag:s4] =	dma.local [hbm:s3], $0xF7A  }
0x26: {  	[smem:$0x3F99] =	sst s1;
	(tag) =	ssettag s2;
	_ =	strace s9  }
0x27: {  	s1 =	sld [smem:$0x3FA9]  }
0x28: {  	s2 =	sld [smem:$0x3FAA]  }
0x29: {  	s4 =	sld [smem:$0x3FAC]  }
0x2a: {  	p0 =	seq.s32 s5, $0x0;
	s5 =	sld [smem:$0x3FAD]  }
0x2b: {  	s6 =	sld [smem:$0x3FAE]  }
0x2c: {  	s7 =	sld [smem:$0x3FAF]  }
0x2d: {  	s3 =	simm.s32 $0x108;
	s8 =	sld [smem:$0x3FB0]  }
0x2e: {  	s3 =	simm.s32 @!p0 $0x1082;
	s9 =	sld [smem:$0x3FB1]  }
0x2f: {  	lr =	sadd.s32 s0, s3;
	s0 =	sld [smem:$0x3FA8]  }
0x30: {  	s3 =	sld [smem:$0x3FAB]  }
0x31: {  	[smem:$0x3FB4] =	sst s10  }
0x32: {  	s10 =	sld [smem:$0x3FB2];
	_ =	sdelay $0x3  }
0x33: {  	p0 =	seq.s32 s10, $0x1;
	s10 =	sld [smem:$0x3FB4];
	_ =	sdelay $0x3  }
0x34: {  	[smem:$0x3FB4] =	sst s10  }
0x35: {  	s10 =	sld [smem:$0x3FB3];
	_ =	sdelay $0x3  }
0x36: {  	p1 =	seq.s32 s10, $0x1;
	s10 =	sld [smem:$0x3FB4];
	_ =	sdelay $0x3  }
0x37: {  	[smem:$0x3FB4] =	sst s10  }
0x38: {  	s10 =	sld [smem:$0x3FB5]  }
0x39: {  	_ = 	snop;
	(pc) =	sbr.ind lr, $3  }
0x3a: {  	_ = 	snop  }
0x3b: {  	_ = 	snop  }
0x3c: {  	p2 =	seq.s32 s10, $0x1;
	s10 =	sld [smem:$0x3FB4]  }
0x3d: {  	_ =	shalt  }
0x3e: {  	_ =	shalt  }
0x3f: {  	_ =	shalt  }
0x40: {  	_ =	shalt  }
0x41: {  	_ =	shalt  }
0x42: {  	_ =	shalt  }
0x43: {  	_ =	shalt  }
0x44: {  	_ =	shalt  }
0x45: {  	_ =	shalt  }
0x46: {  	_ =	shalt  }
0x47: {  	_ =	shalt  }
0x48: {  	_ =	shalt  }
0x49: {  	_ =	shalt  }
0x4a: {  	_ =	shalt  }
0x4b: {  	_ =	shalt  }
0x4c: {  	_ =	shalt  }
0x4d: {  	_ =	shalt  }
0x4e: {  	_ =	shalt  }
0x4f: {  	_ =	shalt  }
0x50: {  	_ =	shalt  }
0x51: {  	_ =	shalt  }
0x52: {  	_ =	shalt  }
0x53: {  	_ =	shalt  }
0x54: {  	_ =	shalt  }
0x55: {  	_ =	shalt  }
0x56: {  	_ =	shalt  }
0x57: {  	_ =	shalt  }
0x58: {  	_ =	shalt  }
0x59: {  	_ =	shalt  }
0x5a: {  	_ =	shalt  }
0x5b: {  	_ =	shalt  }
0x5c: {  	_ =	shalt  }
0x5d: {  	_ =	shalt  }
0x5e: {  	_ =	shalt  }
0x5f: {  	_ =	shalt  }
0x60: {  	_ =	shalt  }
0x61: {  	_ =	shalt  }
0x62: {  	_ =	shalt  }
0x63: {  	_ =	shalt  }
0x64: {  	_ =	shalt  }
0x65: {  	_ =	shalt  }
0x66: {  	_ =	shalt  }
0x67: {  	_ =	shalt  }
0x68: {  	_ =	shalt  }
0x69: {  	_ =	shalt  }
0x6a: {  	_ =	shalt  }
0x6b: {  	_ =	shalt  }
0x6c: {  	_ =	shalt  }
0x6d: {  	_ =	shalt  }
0x6e: {  	_ =	shalt  }
0x6f: {  	_ =	shalt  }
0x70: {  	_ =	shalt  }
0x71: {  	_ =	shalt  }
0x72: {  	_ =	shalt  }
0x73: {  	_ =	shalt  }
0x74: {  	_ =	shalt  }
0x75: {  	_ =	shalt  }
0x76: {  	_ =	shalt  }
0x77: {  	_ =	shalt  }
0x78: {  	_ =	shalt  }
0x79: {  	_ =	shalt  }
0x7a: {  	_ =	shalt  }
0x7b: {  	_ =	shalt  }
0x7c: {  	_ =	shalt  }
0x7d: {  	_ =	shalt  }
0x7e: {  	_ =	shalt  }
0x7f: {  	_ =	shalt  }
0x80: {  	_ =	shalt  }
0x81: {  	_ =	shalt  }
0x82: {  	_ =	shalt  }
0x83: {  	_ =	shalt  }
0x84: {  	_ =	shalt  }
0x85: {  	_ =	shalt  }
0x86: {  	_ =	shalt  }
0x87: {  	_ =	shalt  }
.Lfunc_end0:
.L_simem_size_0:
called_computation_lowered:
.L_overlay_start_0:
0x88: {  	s2 =	sld [smem:$0x3FD9]  }
0x89: {  	s3 =	sld [smem:$0x3FFE];
	_ =	sdelay $0x1  }
0x8a: {  	s1 =	srdreg.scid  }
0x8b: {  	s0 =	sand.u32 $0x1, s1  }
0x8c: {  	s14 =	sshll.u32 s0, $0xA;
	s2 =	sadd.s32 s3, s2  }
0x8d: {  	s2 =	sadd.s32 s2, s14  }
0x8e: {  	[smem:$0x3FC0] =	sst s2  }
0x8f: {  	_ = 	snop  }
0x90: {  	s2 =	sld [smem:$0x3FD0];
	_ =	sdelay $0x2  }
0x91: {  	s15 =	simm.s32 $0xA;
	s4 =	simm.s32 $0x10  }
0x92: {  	[smem:s4], [sflag:s15] =	dma.local [hbm:s2], $0x1  }
0x93: {  	_ =	swait.eq [sflag:s15], $0x1  }
0x94: {  	[sflag:s15] =	ssyncset.done $0x0  }
0x95: {  	[sflag:s15] =	ssyncadd.s32 $0xFFFFFFFF  }
0x96: {  	s16 =	sld [smem:$0x11];
	(tm) =	ssettm $0x1  }
0x97: {  	s17 =	sld [smem:$0x3FFB];
	_ =	sdelay $0x3  }
0x98: {  	_ =	strace s17  }
0x99: {  	s3 =	sld [smem:$0x3FFC];
	_ =	sdelay $0x3  }
0x9a: {  	_ =	strace s3  }
0x9b: {  	s3 =	sld [smem:$0x3FFD];
	_ =	sdelay $0x3  }
0x9c: {  	_ =	strace s3  }
0x9d: {  	_ =	strace $0x8FFFFFFF  }
0x9e: {  	s18 =	sld [smem:$0x3FDB];
	_ =	sdelay $0x1  }
0x9f: {  	s19 =	simm.s32 $_scs_section_size  }
0xa0: {  	s5 =	simm.s32 $_size__tile_overlayer_lowered;
	s6 =	simm.s32 $_tile_overlayer_lowered  }
0xa1: {  	s22 =	simm.s32 $0x1BFF;
	s21 =	sshll.u32 s6, $0x1;
	s3 =	sadd.s32 s19, s18  }
0xa2: {  	s7 =	simm.s32 $0x0;
	s20 =	sshll.u32 s5, $0x1;
	s5 =	sadd.s32 s21, s3  }
0xa3: {  	[timem:s7], [sflag:s22] =	dma.local [hbm:s5], s20  }
0xa4: {  	_ =	swait.ge [sflag:s22], s20  }
0xa5: {  	s4 =	ssub.s32 $0x0, s20;
	[sflag:s22] =	ssyncset.done $0x0  }
0xa6: {  	[sflag:s22] =	ssyncadd.s32 s4;
	_ =	sdelay $0x1  }
0xa7: {  	s23 =	simm.s32 $0x1B8B  }
0xa8: {  	_ =	swait.ge [sflag:s23], $0x1  }
0xa9: {  	[sflag:s23] =	ssyncset.done $0x0  }
0xaa: {  	s25 =	simm.s32 $0x1B8E;
	s24 =	sld [smem:$0x3FFE];
	[sflag:s23] =	ssyncadd.s32 $0xFFFFFFFF  }
0xab: {  	s26 =	simm.s32 $execute0_lowered;
	[smem:$0x3FD2] =	sst s25  }
0xac: {  	s5 =	sshll.u32 s26, $0x1;
	_ =	strace $0x80000046;
	[dreg:$0x1] =	wrdreg $0xFFFFFFFF  }
0xad: {  	s28 =	simm.s32 $_size_execute0_lowered;
	s3 =	sadd.s32 s3, s5;
	[dreg:$0x0] =	wrdreg $0x0  }
0xae: {  	s5 =	sshll.u32 s28, $0x1;
	[dreg:$0x2] =	wrdreg s3  }
0xaf: {  	[dreg:$0x3] =	wrdreg s5  }
0xb0: {  	[dreg:$0x4] =	wrdreg $0xC0  }
0xb1: {  	_ =	task [dreg:s7], $0x5FFFF  }
0xb2: {  	[dreg:$0x1] =	wrdreg $0xFFFFFFFF  }
0xb3: {  	[dreg:$0x0] =	wrdreg $0x60  }
0xb4: {  	[dreg:$0x2] =	wrdreg s24  }
0xb5: {  	[dreg:$0x3] =	wrdreg s16  }
0xb6: {  	[dreg:$0x4] =	wrdreg $0x4000  }
0xb7: {  	[dreg:$0x5] =	wrdreg $0x9  }
0xb8: {  	_ =	task.clear_ibuf [dreg:s7], $0x6FFFF;
	_ =	strace $0x90000046  }
0xb9: {  	s29 =	simm.s32 $0x9;
	_ =	strace $0x80000048  }
0xba: {  	_ =	swait.ge [sflag:s29], $0x1  }
0xbb: {  	[sflag:s29] =	ssyncadd.s32 $0xFFFFFFFF  }
0xbc: {  	_ =	strace $0x90000048  }
0xbd: {  	_ =	sfence  }
0xbe: {  	s30 =	sld [smem:$0x0];
	_ =	sdelay $0x2  }
0xbf: {  	s31 =	sshll.u32 s1, $0xD;
	s1 =	sshrl.u32 s1, $0x2  }
0xc0: {  	s3 =	sand.u32 $0x4000, s31;
	s1 =	sadd.s32 s1, s30  }
0xc1: {  	s0 =	sor.u32 s3, s0;
	s1 =	sshll.u32 s1, $0x11  }
0xc2: {  	s0 =	sor.u32 s1, s0  }
0xc3: {  	s0 =	sadd.s32 $0x8F2B, s0  }
0xc4: {  	[sflag:s0] =	ssyncadd.remote.s32 $0x1  }
0xc5: {  	_ =	sfence.sel $0xFFFF  }
0xc6: {  	[dreg:$0x0] =	wrdreg $0xFFFFFFFF;
	(pc) =	sbr.abs _section_cstart, $3  }
0xc7: {  	[dreg:$0x1] =	wrdreg $0xFFFFFFFF  }
0xc8: {  	_ =	task.clear_ibuf [dreg:s7], $0x2FFFF;
	_ =	strace $0x9FFFFFFF  }
0xc9: {  	(tm) =	ssettm $0x7FFFFFFF  }
tec
execute0_lowered:
.L_overlay_start_1:
0x0: {  	(tag) =	ssettag $0x1  }
0x1: {  	s0 =	rddreg [dreg:$0x0]  }
0x2: {  	s3 =	rddreg [dreg:$0x2];
	s11 =	stileid.u32  }
0x3: {  	s1 =	srdreg.scid;
	s4 =	simm.s32 $0x0;
	s16 =	simm.s32 $0x9  }
0x4: {  	s17 =	simm.s32 $0x1800;
	s18 =	simm.s32 $0x1900;
	s19 =	simm.s32 $0x1A00  }
0x5: {  	s20 =	simm.s32 $0x1B00;
	s28 =	simm.s32 $0x1980;
	s29 =	simm.s32 $0x5  }
0x6: {  	s30 =	simm.s32 $0x3;
	s31 =	simm.s32 $0x7;
	s2 =	smul.u32 $0x1400, s11  }
0x7: {  	s1 =	sand.u32 $0x1, s1;
	[smem:$0x7FF] =	sst s4;
	s6 =	sshll.u32 s11, $0x1  }
0x8: {  	s7 =	sadd.s32 $0x2A00, s0;
	s5 =	smul.u32 $0x14000, s1;
	_ =	strace $0x80000047  }
0x9: {  	s6 =	sor.u32 s1, s6;
	s9 =	ssub.s32 $0x2, s1;
	s22 =	smul.u32 $0xA00, s1  }
0xa: {  	s1 =	simm.s32 $0x4;
	s8 =	sshrl.u32 s2, $0x3;
	s6 =	smul.u32 $0xA00, s6  }
0xb: {  	s10 =	sshrl.u32 s9, $0x1;
	s13 =	sadd.s32 s2, s3;
	s5 =	sadd.s32 s2, s5  }
0xc: {  	s8 =	sadd.s32 s8, s0;
	s25 =	ssub.s32 s9, s10;
	s5 =	sshrl.u32 s5, $0x3  }
0xd: {  	s8 =	sadd.s32 $0x16A00, s8;
	s21 =	smax.u32 s25, $0x1;
	s25 =	sadd.s32 s2, s7  }
0xe: {  	s0 =	sadd.s32 s5, s0;
	s5 =	sadd.s32 s7, s6;
	[dreg:$0x7] =	wrdreg s8  }
0xf: {  	s2 =	simm.s32 $0x1B80;
	[dreg:$0x9] =	wrdreg s21;
	s26 =	sadd.s32 $0x20, s5  }
0x10: {  	s15 =	sadd.s32 s22, s25;
	s10 =	sadd.s32 $0x40, s5;
	[dreg:$0x4] =	wrdreg s26  }
0x11: {  	s22 =	sshrl.u32 s13, $0x3;
	s12 =	sadd.s32 $0x60, s5;
	[dreg:$0x5] =	wrdreg s10  }
0x12: {  	s25 =	simm.s32 $0x1880;
	s0 =	sadd.s32 $0x19200, s0;
	[dreg:$0x6] =	wrdreg s12  }
.Ltmp0:
0x13: {  	s23 =	sadd.s32 $0x80, s5;
	[dreg:$0x8] =	wrdreg s0;
	(pc) =	sbr.rel .LBB2_1-.Ltmp0, $4  }
0x14: {  	s6 =	simm.s32 $0x8;
	s24 =	sadd.s32 $0xA0, s5;
	[dreg:$0xa] =	wrdreg s23  }
0x15: {  	s7 =	simm.s32 $0x0;
	s14 =	sadd.s32 $0xC0, s5;
	[dreg:$0xb] =	wrdreg s24  }
0x16: {  	s26 =	sshll.u32 s11, $0x6;
	s23 =	simm.s32 $0x1;
	s24 =	simm.s32 $0x80  }
0x17: {  	s0 =	simm.s32 $0x6;
	s21 =	sor.u32 $0x1C09, s26;
	s26 =	simm.s32 $0x2  }
.LBB2_4:
0x18: {  	_ =	swait.ge [sflag:s29], $0x400  }
0x19: {  	[sflag:s29] =	ssyncset.done $0x0  }
0x1a: {  	[sflag:s29] =	ssyncadd.s32 $0xFFFFFC00  }
0x1b: {  	_ =	swait.ge [sflag:s0], $0x400  }
0x1c: {  	[sflag:s0] =	ssyncset.done $0x0  }
0x1d: {  	[sflag:s0] =	ssyncadd.s32 $0xFFFFFC00  }
0x1e: {  	_ =	swait.ge [sflag:s31], $0x400  }
0x1f: {  	[sflag:s31] =	ssyncset.done $0x0  }
0x20: {  	[sflag:s31] =	ssyncadd.s32 $0xFFFFFC00  }
0x21: {  	_ =	swait.ge [sflag:s6], $0x400  }
0x22: {  	[sflag:s6] =	ssyncset.done $0x0  }
0x23: {  	[sflag:s6] =	ssyncadd.s32 $0xFFFFFC00  }
0x24: {  	[bflag:$0x0] =	sbarrier.arrive $0xFFFF  }
0x25: {  	s8 =	rddreg [dreg:$0x8]  }
0x26: {  	[hbm:s8], [sflag:s21] =	dma.local [spmem:s22], $0x280  }
0x27: {  	_ =	swait.ge [sflag:s16], $0x280  }
0x28: {  	s7 =	sadd.s32 $0x1, s7;
	s13 =	rddreg [dreg:$0x9]  }
0x29: {  	p0 =	sne.s32 s7, s13  }
.Ltmp1:
0x2a: {  	_ = 	snop;
	(pc) =	sbr.rel @!p0 .LBB2_5-.Ltmp1, $3  }
0x2b: {  	_ =	sdelay $0x1  }
0x2c: {  	[sflag:s16] =	ssyncset.done $0x0  }
0x2d: {  	[sflag:s16] =	ssyncadd.s32 $0xFFFFFD80  }
.LBB2_1:
0x2e: {  	s8 =	rddreg [dreg:$0x1]  }
0x2f: {  	[tilespmem:s4], [sflag:$0x9] =	stream.linear.gather [hbm4b:s8+s4], $0x400, $0x38;
	[tilespmem:$0x1C00] =	vst v63  }
0x30: {  	_ =	swait.ge [sflag:s16], $0x400  }
0x31: {  	[sflag:s16] =	ssyncset.done $0x0  }
0x32: {  	s12 =	rddreg [dreg:$0x4];
	[sflag:s16] =	ssyncadd.s32 $0xFFFFFC00  }
0x33: {  	[tilespmem:s17], [sflag:$0x1] =	stream.linear.gather [hbm4b:s5+s4], $0x100, $0x38;
	[tilespmem:$0x1C00] =	vst v63  }
0x34: {  	s13 =	rddreg [dreg:$0x5]  }
0x35: {  	[tilespmem:s18], [sflag:$0x2] =	stream.linear.gather [hbm4b:s12+s4], $0x100, $0x38;
	[tilespmem:$0x1C00] =	vst v63  }
0x36: {  	s9 =	rddreg [dreg:$0x6]  }
0x37: {  	[tilespmem:s19], [sflag:$0x3] =	stream.linear.gather [hbm4b:s13+s4], $0x100, $0x38;
	[tilespmem:$0x1C00] =	vst v63  }
0x38: {  	s10 =	rddreg [dreg:$0x7]  }
0x39: {  	[tilespmem:s20], [sflag:$0x4] =	stream.linear.gather [hbm4b:s9+s4], $0x100, $0x38;
	[tilespmem:$0x1C00] =	vst v63  }
0x3a: {  	[spmem:s22], [sflag:s21] =	dma.local [hbm:s10], $0x280  }
0x3b: {  	_ =	swait.ge [sflag:s16], $0x280  }
0x3c: {  	[sflag:s16] =	ssyncset.done $0x0  }
0x3d: {  	[sflag:s16] =	ssyncadd.s32 $0xFFFFFD80  }
0x3e: {  	[bflag:$0x0] =	sbarrier.arrive $0xFFFF  }
0x3f: {  	_ =	swait.ge [sflag:s23], $0x100  }
0x40: {  	[sflag:s23] =	ssyncset.done $0x0  }
0x41: {  	[sflag:s23] =	ssyncadd.s32 $0xFFFFFF00  }
0x42: {  	[spmem:s3] =	stream.indirect.scatter.add.f32 [tilespmem:s4], [sflag:$0x5], $0x8, s25, s24, $0xb8;
	[tilespmem:$0x1C00] =	vst v63  }
0x43: {  	_ =	swait.ge [sflag:s26], $0x100  }
0x44: {  	[sflag:s26] =	ssyncset.done $0x0  }
0x45: {  	[sflag:s26] =	ssyncadd.s32 $0xFFFFFF00  }
0x46: {  	[spmem:s3] =	stream.indirect.scatter.add.f32 [tilespmem:s4], [sflag:$0x6], $0x8, s28, s24, $0xb8;
	[tilespmem:$0x1C00] =	vst v63  }
0x47: {  	_ =	swait.ge [sflag:s29], $0x400  }
0x48: {  	[sflag:s29] =	ssyncset.done $0x0  }
0x49: {  	s11 =	rddreg [dreg:$0xa];
	[sflag:s29] =	ssyncadd.s32 $0xFFFFFC00  }
0x4a: {  	[tilespmem:s17], [sflag:$0x1] =	stream.linear.gather [hbm4b:s11+s4], $0x100, $0x38;
	[tilespmem:$0x1C00] =	vst v63  }
0x4b: {  	_ =	swait.ge [sflag:s30], $0x100  }
0x4c: {  	[sflag:s30] =	ssyncset.done $0x0  }
0x4d: {  	s12 =	simm.s32 $0x1A80;
	[sflag:s30] =	ssyncadd.s32 $0xFFFFFF00  }
0x4e: {  	[spmem:s3] =	stream.indirect.scatter.add.f32 [tilespmem:s4], [sflag:$0x7], $0x8, s12, s24, $0xb8;
	[tilespmem:$0x1C00] =	vst v63  }
0x4f: {  	_ =	swait.ge [sflag:s0], $0x400  }
0x50: {  	[sflag:s0] =	ssyncset.done $0x0  }
0x51: {  	s13 =	rddreg [dreg:$0xb];
	[sflag:s0] =	ssyncadd.s32 $0xFFFFFC00  }
0x52: {  	[tilespmem:s18], [sflag:$0x2] =	stream.linear.gather [hbm4b:s13+s4], $0x100, $0x38;
	[tilespmem:$0x1C00] =	vst v63  }
0x53: {  	_ =	swait.ge [sflag:s1], $0x100  }
0x54: {  	[sflag:s1] =	ssyncset.done $0x0  }
0x55: {  	[sflag:s1] =	ssyncadd.s32 $0xFFFFFF00  }
0x56: {  	[spmem:s3] =	stream.indirect.scatter.add.f32 [tilespmem:s4], [sflag:$0x8], $0x8, s2, s24, $0xb8;
	[tilespmem:$0x1C00] =	vst v63  }
0x57: {  	_ =	swait.ge [sflag:s31], $0x400  }
0x58: {  	[sflag:s31] =	ssyncset.done $0x0  }
0x59: {  	s8 =	simm.s32 $0x0;
	[sflag:s31] =	ssyncadd.s32 $0xFFFFFC00  }
0x5a: {  	[tilespmem:s19], [sflag:$0x3] =	stream.linear.gather [hbm4b:s14+s4], $0x100, $0x38;
	[tilespmem:$0x1C00] =	vst v63  }
.LBB2_2:
0x5b: {  	_ =	swait.ge [sflag:s23], $0x100  }
0x5c: {  	[sflag:s23] =	ssyncset.done $0x0  }
0x5d: {  	[sflag:s23] =	ssyncadd.s32 $0xFFFFFF00  }
0x5e: {  	[spmem:s3] =	stream.indirect.scatter.add.f32 [tilespmem:s4], [sflag:$0x5], $0x8, s25, s24, $0xb8;
	[tilespmem:$0x1C00] =	vst v63  }
0x5f: {  	_ =	swait.ge [sflag:s6], $0x400  }
0x60: {  	s9 =	sadd.s32 s8, s15;
	[sflag:s6] =	ssyncset.done $0x0  }
0x61: {  	s10 =	sadd.s32 $0xE0, s9;
	[sflag:s6] =	ssyncadd.s32 $0xFFFFFC00  }
0x62: {  	[tilespmem:s20], [sflag:$0x4] =	stream.linear.gather [hbm4b:s10+s4], $0x100, $0x38;
	[tilespmem:$0x1C00] =	vst v63  }
0x63: {  	_ =	swait.ge [sflag:s26], $0x100  }
0x64: {  	p0 =	seq.s32 s8, $0x900;
	[sflag:s26] =	ssyncset.done $0x0  }
0x65: {  	s10 =	simm.s32 @p0 $0x3;
	[sflag:s26] =	ssyncadd.s32 $0xFFFFFF00  }
0x66: {  	[spmem:s3] =	stream.indirect.scatter.add.f32 [tilespmem:s4], [sflag:$0x6], $0x8, s28, s24, $0xb8;
	[tilespmem:$0x1C00] =	vst v63  }
0x67: {  	_ =	swait.ge @p0 [sflag:s10], $0x100  }
0x68: {  	s11 =	simm.s32 @p0 $0x1A80;
	[sflag:s10] =	ssyncset.done @p0 $0x0  }
0x69: {  	s12 =	simm.s32 @p0 $0x0;
	[sflag:s10] =	ssyncadd.s32 @p0 $0xFFFFFF00;
	s10 =	simm.s32 @p0 $0x80  }
0x6a: {  	[spmem:s3] =	stream.indirect.scatter.add.f32 @p0 [tilespmem:s12], [sflag:$0x7], $0x8, s11, s10, $0xb8;
	[tilespmem:$0x1C00] =	vst v63  }
0x6b: {  	s10 =	simm.s32 @!p0 $0x5  }
0x6c: {  	_ =	swait.ge @!p0 [sflag:s10], $0x400  }
0x6d: {  	[sflag:s10] =	ssyncset.done @!p0 $0x0  }
0x6e: {  	[sflag:s10] =	ssyncadd.s32 @!p0 $0xFFFFFC00;
	s10 =	sadd.s32 @!p0 s8, s15  }
0x6f: {  	s13 =	simm.s32 @!p0 $0x1800;
	s12 =	simm.s32 @!p0 $0x0;
	s11 =	sadd.s32 @!p0 $0x100, s10  }
0x70: {  	[tilespmem:s13], [sflag:$0x1] =	stream.linear.gather @!p0 [hbm4b:s11+s12], $0x100, $0x38;
	[tilespmem:$0x1C00] =	vst v63  }
0x71: {  	s11 =	simm.s32 @!p0 $0x3  }
0x72: {  	_ =	swait.ge @!p0 [sflag:s11], $0x100  }
0x73: {  	[sflag:s11] =	ssyncset.done @!p0 $0x0  }
0x74: {  	s13 =	simm.s32 @!p0 $0x1A80;
	[sflag:s11] =	ssyncadd.s32 @!p0 $0xFFFFFF00;
	s11 =	simm.s32 @!p0 $0x80  }
0x75: {  	[spmem:s3] =	stream.indirect.scatter.add.f32 @!p0 [tilespmem:s12], [sflag:$0x7], $0x8, s13, s11, $0xb8;
	[tilespmem:$0x1C00] =	vst v63  }
0x76: {  	s11 =	simm.s32 @!p0 $0x6  }
0x77: {  	_ =	swait.ge @!p0 [sflag:s11], $0x400  }
0x78: {  	[sflag:s11] =	ssyncset.done @!p0 $0x0  }
0x79: {  	s10 =	sadd.s32 @!p0 $0x120, s10;
	[sflag:s11] =	ssyncadd.s32 @!p0 $0xFFFFFC00;
	s11 =	simm.s32 @!p0 $0x1900  }
0x7a: {  	[tilespmem:s11], [sflag:$0x2] =	stream.linear.gather @!p0 [hbm4b:s10+s12], $0x100, $0x38;
	[tilespmem:$0x1C00] =	vst v63  }
.Ltmp2:
0x7b: {  	_ = 	snop;
	(pc) =	sbr.rel @p0 .LBB2_4-.Ltmp2, $4  }
0x7c: {  	_ =	swait.ge [sflag:s1], $0x100  }
0x7d: {  	[sflag:s1] =	ssyncset.done $0x0  }
0x7e: {  	[sflag:s1] =	ssyncadd.s32 $0xFFFFFF00  }
0x7f: {  	[spmem:s3] =	stream.indirect.scatter.add.f32 [tilespmem:s4], [sflag:$0x8], $0x8, s2, s24, $0xb8;
	[tilespmem:$0x1C00] =	vst v63  }
.Ltmp3:
0x80: {  	(pc) =	sbr.rel .LBB2_2-.Ltmp3, $4  }
0x81: {  	_ =	swait.ge [sflag:s31], $0x400  }
0x82: {  	[sflag:s31] =	ssyncset.done $0x0  }
0x83: {  	s9 =	sadd.s32 $0x140, s9;
	s8 =	sadd.s32 $0x80, s8;
	[sflag:s31] =	ssyncadd.s32 $0xFFFFFC00  }
0x84: {  	[tilespmem:s19], [sflag:$0x3] =	stream.linear.gather [hbm4b:s9+s4], $0x100, $0x38;
	[tilespmem:$0x1C00] =	vst v63  }
.LBB2_5:
0x85: {  	_ =	sfence.sel $0x180000  }
0x86: {  	[bflag:$0x0] =	sbarrier.arrive $0xFFFF  }
0x87: {  	_ =	strace $0x90000047  }
0x88: {  	s0 =	stileid.u32;
	[bflag:$0x2] =	sbarrier.arrive $0xFFFF  }
0x89: {  	p0 =	sne.s32 s0, $0x0;
	s0 =	rddreg [dreg:$0x3]  }
0x8a: {  	s0 =	sadd.s32 @!p0 $0x100000, s0  }
0x8b: {  	[sflag:s0] =	ssyncadd.tile.s32 @!p0 $0x1;
	_ =	shalt  }
.Lfunc_end2:
_tile_overlayer_lowered:
.L_overlay_start_2:
0x8c: {  	(tag) =	ssettag $0x2  }
0x8d: {  	s0 =	rddreg [dreg:$0x0];
	s2 =	stileid.u32  }
0x8e: {  	s1 =	rddreg [dreg:$0x1];
	p0 =	sne.s32 s2, $0x0  }
0x8f: {  	s3 =	rddreg [dreg:$0x2];
	[bflag:$0x3] =	sbarrier.arrive $0xFFFF;
	s2 =	simm.s32 @!p0 $0x1C09  }
0x90: {  	[timem:s3], [sflag:s2] =	dma.local @!p0 [hbm:s0], s1  }
0x91: {  	s0 =	simm.s32 @!p0 $0x9  }
0x92: {  	_ =	swait.ge @!p0 [sflag:s0], s1  }
0x93: {  	s1 =	ssub.s32 @!p0 $0x0, s1;
	[sflag:s0] =	ssyncset.done @!p0 $0x0  }
0x94: {  	[sflag:s0] =	ssyncadd.s32 @!p0 s1  }
0x95: {  	[bflag:$0x3] =	sbarrier.arrive $0xFFFF  }
0x96: {  	_ =	shalt  }

</sc_bundles>
